<compile_context>
chip_gen: v7x
topology: tpu7x:2x2x1
jax: 0.10.2.dev20260603
libtpu: 0.0.44.dev20260713+nightly
codegen_flags: <defaults>
</compile_context>

<pallas_src>
import jax
import jax.numpy as jnp
from jax.experimental import pallas as pl
from jax.experimental.pallas import tpu as pltpu
from jax.experimental.pallas import tpu_sc as plsc

NODE_DIM = 128
EDGE_DIM = 64
TIME_DIM = 32
HIDDEN_DIM = 256
MEM_SIZE = 1000000
BATCH = 16384

_BR = 2048


def _tower_body(ts_ref, edge_ref, wvec_ref, bvec_ref, We_ref, be_ref,
                W10e_ref, W10t_ref, b10_ref, W20_ref, b20_ref,
                W11s_ref, W11e_ref, W11t_ref, b11_ref, W21_ref, b21_ref,
                Wih_ref, bih_ref, Whh_ref, bhh_ref,
                out_ref, emb_ref):
    f32 = jnp.float32
    t = ts_ref[...]
    lin = t * wvec_ref[...] + bvec_ref[...]
    lane = jax.lax.broadcasted_iota(jnp.int32, lin.shape, 1)
    time_emb = jnp.where(lane == 0, lin, jnp.sin(lin))

    edge_enc = jnp.dot(edge_ref[...], We_ref[...],
                       preferred_element_type=f32) + be_ref[...]

    h0 = jnp.maximum(
        jnp.dot(edge_enc, W10e_ref[...], preferred_element_type=f32)
        + jnp.dot(time_emb, W10t_ref[...], preferred_element_type=f32)
        + b10_ref[...], 0.0)
    msg0 = jnp.dot(h0, W20_ref[...], preferred_element_type=f32) + b20_ref[...]

    gi = jnp.dot(msg0, Wih_ref[...], preferred_element_type=f32) + bih_ref[...]
    bhh = bhh_ref[...]
    r = jax.nn.sigmoid(gi[:, 0:128] + bhh[:, 0:128])
    z = jax.nn.sigmoid(gi[:, 128:256] + bhh[:, 128:256])
    n = jnp.tanh(gi[:, 256:384] + r * bhh[:, 256:384])
    e1 = (1.0 - z) * n

    h1 = jnp.maximum(
        jnp.dot(e1, W11s_ref[...], preferred_element_type=f32)
        + jnp.dot(edge_enc, W11e_ref[...], preferred_element_type=f32)
        + jnp.dot(time_emb, W11t_ref[...], preferred_element_type=f32)
        + b11_ref[...], 0.0)
    msg1 = jnp.dot(h1, W21_ref[...], preferred_element_type=f32) + b21_ref[...]

    gi1 = jnp.dot(msg1, Wih_ref[...], preferred_element_type=f32) + bih_ref[...]
    gh1 = jnp.dot(e1, Whh_ref[...], preferred_element_type=f32) + bhh
    r1 = jax.nn.sigmoid(gi1[:, 0:128] + gh1[:, 0:128])
    z1 = jax.nn.sigmoid(gi1[:, 128:256] + gh1[:, 128:256])
    n1 = jnp.tanh(gi1[:, 256:384] + r1 * gh1[:, 256:384])
    e2 = (1.0 - z1) * n1 + z1 * e1

    out_ref[:, 0:NODE_DIM] = e2
    out_ref[:, NODE_DIM:2 * NODE_DIM] = e2
    emb_ref[...] = e2


def _dense_tower(timestamps, edge_attrs, wvec, bvec, We, be,
                 W10e, W10t, b10, W20, b20,
                 W11s, W11e, W11t, b11, W21, b21,
                 Wih, bih, Whh, bhh):
    grid = (BATCH // _BR,)
    row_spec = lambda c: pl.BlockSpec((_BR, c), lambda i: (i, 0))
    full = lambda a: pl.BlockSpec(a.shape, lambda i: (0,) * a.ndim)
    in_specs = [
        row_spec(1), row_spec(EDGE_DIM),
        full(wvec), full(bvec), full(We), full(be),
        full(W10e), full(W10t), full(b10), full(W20), full(b20),
        full(W11s), full(W11e), full(W11t), full(b11), full(W21), full(b21),
        full(Wih), full(bih), full(Whh), full(bhh),
    ]
    out_specs = [row_spec(2 * NODE_DIM), row_spec(NODE_DIM)]
    out_shape = [
        jax.ShapeDtypeStruct((BATCH, 2 * NODE_DIM), jnp.float32),
        jax.ShapeDtypeStruct((BATCH, NODE_DIM), jnp.float32),
    ]
    return pl.pallas_call(
        _tower_body,
        grid=grid,
        in_specs=in_specs,
        out_specs=out_specs,
        out_shape=out_shape,
    )(timestamps.reshape(BATCH, 1), edge_attrs, wvec, bvec, We, be,
      W10e, W10t, b10, W20, b20, W11s, W11e, W11t, b11, W21, b21,
      Wih, bih, Whh, bhh)


_NW = 32
_CHUNK = 128
_NCHUNKS = (2 * BATCH) // _CHUNK
_CPW = _NCHUNKS // _NW


def _sc_scatter_body(emb_hbm, tgt_hbm, srow_hbm, tbl_ref,
                     tgtv, srowv, rows_a, rows_b, rows_c, rows_d,
                     gsem_a, gsem_b, gsem_c, gsem_d,
                     ssem_a, ssem_b, ssem_c, ssem_d):
    c = jax.lax.axis_index("c")
    s = jax.lax.axis_index("s")
    wid = s * 2 + c
    pltpu.sync_copy(tgt_hbm.at[pl.ds(wid * _CPW, _CPW)], tgtv)
    pltpu.sync_copy(srow_hbm.at[pl.ds(wid * _CPW, _CPW)], srowv)

    bufs = (rows_a, rows_b, rows_c, rows_d)
    gsems = (gsem_a, gsem_b, gsem_c, gsem_d)
    ssems = (ssem_a, ssem_b, ssem_c, ssem_d)
    nb = 4

    def gather(k):
        b = k % nb
        pltpu.async_copy(emb_hbm.at[srowv.at[k]], bufs[b], gsems[b])

    def gather_wait(k):
        b = k % nb
        pltpu.make_async_copy(emb_hbm.at[srowv.at[k]], bufs[b],
                              gsems[b]).wait()

    def scatter(k):
        b = k % nb
        pltpu.async_copy(bufs[b], tbl_ref.at[tgtv.at[k]], ssems[b])

    def scatter_wait(k):
        b = k % nb
        pltpu.make_async_copy(bufs[b], tbl_ref.at[tgtv.at[k]],
                              ssems[b]).wait()

    for k in range(min(nb, _CPW)):
        gather(k)
    for k in range(_CPW):
        gather_wait(k)
        scatter(k)
        if k + nb < _CPW:
            scatter_wait(k)
            gather(k + nb)
    for k in range(max(0, _CPW - nb), _CPW):
        scatter_wait(k)


_sc_scatter = pl.kernel(
    _sc_scatter_body,
    out_type=(),
    mesh=plsc.VectorSubcoreMesh(core_axis_name="c", subcore_axis_name="s"),
    scratch_types=[
        pltpu.VMEM((_CPW, _CHUNK), jnp.int32),
        pltpu.VMEM((_CPW, _CHUNK), jnp.int32),
        pltpu.VMEM((_CHUNK, NODE_DIM), jnp.float32),
        pltpu.VMEM((_CHUNK, NODE_DIM), jnp.float32),
        pltpu.VMEM((_CHUNK, NODE_DIM), jnp.float32),
        pltpu.VMEM((_CHUNK, NODE_DIM), jnp.float32),
        pltpu.SemaphoreType.DMA,
        pltpu.SemaphoreType.DMA,
        pltpu.SemaphoreType.DMA,
        pltpu.SemaphoreType.DMA,
        pltpu.SemaphoreType.DMA,
        pltpu.SemaphoreType.DMA,
        pltpu.SemaphoreType.DMA,
        pltpu.SemaphoreType.DMA,
    ],
)


_ZR = 1000
_NZCH = MEM_SIZE // _ZR


def _sc_zero_body(z_hbm, out_hbm, zbuf, sem):
    c = jax.lax.axis_index("c")
    s = jax.lax.axis_index("s")
    wid = s * 2 + c
    pltpu.sync_copy(z_hbm, zbuf)
    nmax = (_NZCH + _NW - 1) // _NW
    for k in range(nmax):
        ch = wid + _NW * k

        @pl.when(ch < _NZCH)
        def _():
            pltpu.async_copy(zbuf, out_hbm.at[pl.ds(ch * _ZR, _ZR)], sem)
    for k in range(nmax):
        ch = wid + _NW * k

        @pl.when(ch < _NZCH)
        def _():
            pltpu.make_async_copy(zbuf, out_hbm.at[pl.ds(0, _ZR)],
                                  sem).wait()


_sc_zero = pl.kernel(
    _sc_zero_body,
    out_type=jax.ShapeDtypeStruct((MEM_SIZE, NODE_DIM), jnp.float32),
    mesh=plsc.VectorSubcoreMesh(core_axis_name="c", subcore_axis_name="s"),
    scratch_types=[
        pltpu.VMEM((_ZR, NODE_DIM), jnp.float32),
        pltpu.SemaphoreType.DMA,
    ],
)


def _memory_update(emb, src_nodes, dst_nodes):
    idx = jnp.concatenate([src_nodes, dst_nodes]).astype(jnp.int32)
    pos = jnp.arange(2 * BATCH, dtype=jnp.int32)
    sidx, sorder = jax.lax.sort((idx, pos), num_keys=1, is_stable=True)
    nxt = jnp.concatenate([sidx[1:], jnp.full((1,), -1, jnp.int32)])
    loser = sidx == nxt
    tgt = jnp.where(loser, sidx[-1], sidx)
    srow = jnp.where(loser, sorder[-1], sorder) % BATCH

    tbl = jax.new_ref(_sc_zero(jnp.zeros((_ZR, NODE_DIM), jnp.float32)))
    _sc_scatter(emb, tgt.reshape(_NCHUNKS, _CHUNK),
                srow.reshape(_NCHUNKS, _CHUNK), tbl)
    return tbl[...]


def kernel(src_nodes, dst_nodes, edge_attrs, timestamps, memory,
           t2v_w0, t2v_b0, t2v_w, t2v_b, We, be,
           W1_0, b1_0, W2_0, b2_0, W1_1, b1_1, W2_1, b2_1,
           gru_Wih, gru_bih, gru_Whh, gru_bhh):
    wvec = jnp.concatenate([t2v_w0, t2v_w]).reshape(1, TIME_DIM)
    bvec = jnp.concatenate([t2v_b0, t2v_b]).reshape(1, TIME_DIM)
    W10e = W1_0[2 * NODE_DIM:2 * NODE_DIM + EDGE_DIM]
    W10t = W1_0[2 * NODE_DIM + EDGE_DIM:]
    W11s = W1_1[:NODE_DIM] + W1_1[NODE_DIM:2 * NODE_DIM]
    W11e = W1_1[2 * NODE_DIM:2 * NODE_DIM + EDGE_DIM]
    W11t = W1_1[2 * NODE_DIM + EDGE_DIM:]

    out, emb = _dense_tower(
        timestamps, edge_attrs, wvec, bvec, We, be,
        W10e, W10t, b1_0.reshape(1, -1), W2_0, b2_0.reshape(1, -1),
        W11s, W11e, W11t, b1_1.reshape(1, -1), W2_1, b2_1.reshape(1, -1),
        gru_Wih, gru_bih.reshape(1, -1), gru_Whh, gru_bhh.reshape(1, -1))

    new_memory = _memory_update(emb, src_nodes, dst_nodes)
    return out, new_memory

# --- scband reference (transcript-rebuilt; emitter-appended) ---
"""Pipeline reference for scband-temporal-graph-tower-68444598829206 (READ-ONLY COPY).

The authoritative reference and input builder live on the scoring server;
editing this copy changes nothing except your own understanding.
"""

import jax, jax.numpy as jnp
import numpy as np

NODE_DIM = 128
EDGE_DIM = 64
TIME_DIM = 32
HIDDEN_DIM = 256
MEM_SIZE = 1000000
BATCH = 16384


def _init_linear(key, fan_in, fan_out):
    k1, k2 = jax.random.split(key)
    lim = 1.0 / np.sqrt(fan_in)
    W = jax.random.uniform(k1, (fan_in, fan_out), minval=-lim, maxval=lim, dtype=jnp.float32)
    b = jax.random.uniform(k2, (fan_out,), minval=-lim, maxval=lim, dtype=jnp.float32)
    return W, b


def setup_inputs(seed: int = 0):
    key = jax.random.key(seed)
    ks = jax.random.split(key, 20)
    inp = {}
    inp['src_nodes'] = jax.random.randint(ks[0], (BATCH,), 0, MEM_SIZE)
    inp['dst_nodes'] = jax.random.randint(ks[1], (BATCH,), 0, MEM_SIZE)
    inp['edge_attrs'] = jax.random.normal(ks[2], (BATCH, EDGE_DIM), dtype=jnp.float32)
    inp['timestamps'] = jax.random.uniform(ks[3], (BATCH,), dtype=jnp.float32)
    inp['memory'] = jnp.zeros((MEM_SIZE, NODE_DIM), dtype=jnp.float32)
    inp['t2v_w0'] = jax.random.normal(ks[4], (1,), dtype=jnp.float32)
    inp['t2v_b0'] = jax.random.normal(ks[5], (1,), dtype=jnp.float32)
    inp['t2v_w'] = jax.random.normal(ks[6], (TIME_DIM - 1,), dtype=jnp.float32)
    inp['t2v_b'] = jax.random.normal(ks[7], (TIME_DIM - 1,), dtype=jnp.float32)
    inp['We'], inp['be'] = _init_linear(ks[8], EDGE_DIM, EDGE_DIM)
    msg_in = 2 * NODE_DIM + EDGE_DIM + TIME_DIM
    inp['W1_0'], inp['b1_0'] = _init_linear(ks[9], msg_in, HIDDEN_DIM)
    inp['W2_0'], inp['b2_0'] = _init_linear(ks[10], HIDDEN_DIM, NODE_DIM)
    inp['W1_1'], inp['b1_1'] = _init_linear(ks[11], msg_in, HIDDEN_DIM)
    inp['W2_1'], inp['b2_1'] = _init_linear(ks[12], HIDDEN_DIM, NODE_DIM)
    inp['gru_Wih'], inp['gru_bih'] = _init_linear(ks[13], NODE_DIM, 3 * NODE_DIM)
    inp['gru_Whh'], inp['gru_bhh'] = _init_linear(ks[14], NODE_DIM, 3 * NODE_DIM)
    return inp


def _gru_cell(x, h, Wih, bih, Whh, bhh):
    gi = x @ Wih + bih
    gh = h @ Whh + bhh
    i_r, i_z, i_n = jnp.split(gi, 3, axis=-1)
    h_r, h_z, h_n = jnp.split(gh, 3, axis=-1)
    r = jax.nn.sigmoid(i_r + h_r)
    z = jax.nn.sigmoid(i_z + h_z)
    n = jnp.tanh(i_n + r * h_n)
    return (1.0 - z) * n + z * h


def reference(src_nodes, dst_nodes, edge_attrs, timestamps, memory, t2v_w0, t2v_b0, t2v_w, t2v_b, We, be, W1_0, b1_0, W2_0, b2_0, W1_1, b1_1, W2_1, b2_1, gru_Wih, gru_bih, gru_Whh, gru_bhh):
    # Time2Vec
    t = timestamps[:, None]
    v0 = t2v_w0 * t + t2v_b0
    vp = jnp.sin(t2v_w * t + t2v_b)
    time_emb = jnp.concatenate([v0, vp], axis=-1)
    # edge encoder
    edge_encoded = edge_attrs @ We + be
    # memory gather (TemporalMemory.get; zeros for unseen nodes == zero-init table)
    src_emb = jnp.take(memory, src_nodes, axis=0)
    dst_emb = jnp.take(memory, dst_nodes, axis=0)
    for (W1, b1, W2, b2) in ((W1_0, b1_0, W2_0, b2_0), (W1_1, b1_1, W2_1, b2_1)):
        # reservoir sampler starts empty -> neighbor messages are zeros
        neigh_src = jnp.zeros_like(src_emb)
        neigh_dst = jnp.zeros_like(dst_emb)
        h_src = jnp.maximum(jnp.concatenate([src_emb, dst_emb, edge_encoded, time_emb], axis=-1) @ W1 + b1, 0.0)
        msg_src = h_src @ W2 + b2
        h_dst = jnp.maximum(jnp.concatenate([dst_emb, src_emb, edge_encoded, time_emb], axis=-1) @ W1 + b1, 0.0)
        msg_dst = h_dst @ W2 + b2
        total_src = msg_src + neigh_src
        total_dst = msg_dst + neigh_dst
        src_emb = _gru_cell(total_src, src_emb, gru_Wih, gru_bih, gru_Whh, gru_bhh)
        dst_emb = _gru_cell(total_dst, dst_emb, gru_Wih, gru_bih, gru_Whh, gru_bhh)
    # memory scatter update (detach -> stop_gradient), LRU eviction modeled as overwrite
    new_memory = memory.at[src_nodes].set(jax.lax.stop_gradient(src_emb))
    new_memory = new_memory.at[dst_nodes].set(jax.lax.stop_gradient(dst_emb))
    out = jnp.concatenate([src_emb, dst_emb], axis=-1)
    return out, new_memory

if __name__ == "__main__":
    import jax
    _d = setup_inputs()
    print(jax.jit(kernel)(*tuple(_d.values())))

</pallas_src>

<mosaic_0001>
#map = affine_map<(d0, d1) -> (0, 0)>
module attributes {stable_mosaic.version = 14 : i64} {
  func.func @new_body(%arg0: i32, %arg1: i32, %arg2: memref<16384x128xf32, #tpu.memory_space<hbm>>, %arg3: memref<256x128xi32, #tpu.memory_space<hbm>>, %arg4: memref<256x128xi32, #tpu.memory_space<hbm>>, %arg5: memref<1000000x128xf32, #tpu.memory_space<hbm>>, %arg6: memref<1000000x128xf32, #tpu.memory_space<hbm>>, %arg7: memref<8x128xi32, #tpu.memory_space<vmem>>, %arg8: memref<8x128xi32, #tpu.memory_space<vmem>>, %arg9: memref<128x128xf32, #tpu.memory_space<vmem>>, %arg10: memref<128x128xf32, #tpu.memory_space<vmem>>, %arg11: memref<128x128xf32, #tpu.memory_space<vmem>>, %arg12: memref<128x128xf32, #tpu.memory_space<vmem>>, %arg13: memref<!tpu.dma_semaphore, #tpu.memory_space<semaphore_mem>>, %arg14: memref<!tpu.dma_semaphore, #tpu.memory_space<semaphore_mem>>, %arg15: memref<!tpu.dma_semaphore, #tpu.memory_space<semaphore_mem>>, %arg16: memref<!tpu.dma_semaphore, #tpu.memory_space<semaphore_mem>>, %arg17: memref<!tpu.dma_semaphore, #tpu.memory_space<semaphore_mem>>, %arg18: memref<!tpu.dma_semaphore, #tpu.memory_space<semaphore_mem>>, %arg19: memref<!tpu.dma_semaphore, #tpu.memory_space<semaphore_mem>>, %arg20: memref<!tpu.dma_semaphore, #tpu.memory_space<semaphore_mem>>) attributes {dimension_semantics = [#tpu.dimension_semantics<core_parallel>, #tpu.dimension_semantics<subcore_parallel>], iteration_bounds = array<i64: 2, 16>, scalar_prefetch = 0 : i64, scratch_operands = 14 : i64, tpu.core_type = #tpu.core_type<sc_vector_subcore>, window_params = [{transform_indices = #map}, {transform_indices = #map}, {transform_indices = #map}, {transform_indices = #map}, {transform_indices = #map}]} {
    %mul3A = arith.constant 2 : i32
    %mul3A_0 = arith.muli %arg1, %mul3A : i32
    %add3A = arith.addi %mul3A_0, %arg0 : i32
    %mul3A_1 = arith.constant 8 : i32
    %mul3A_2 = arith.muli %add3A, %mul3A_1 : i32
    "tpu.region"() ({
      %run_scoped3A = tpu.sem_alloc : memref<!tpu.dma_semaphore, #tpu.memory_space<semaphore_mem>>
      %dma_start3A_227 = arith.constant 0 : i32
      %dma_start3A_228 = tpu.memref_slice %arg3[%mul3A_2, %dma_start3A_227] : memref<256x128xi32, #tpu.memory_space<hbm>> -> memref<8x128xi32, #tpu.memory_space<hbm>>
      %dma_start3A_229 = arith.constant 0 : i32
      %dma_start3A_230 = tpu.memref_slice %arg3[%mul3A_2, %dma_start3A_229] : memref<256x128xi32, #tpu.memory_space<hbm>> -> memref<8x128xi32, #tpu.memory_space<hbm>>
      tpu.enqueue_dma source(%dma_start3A_230 : memref<8x128xi32, #tpu.memory_space<hbm>>) target(%arg7 : memref<8x128xi32, #tpu.memory_space<vmem>>) target_semaphore(%run_scoped3A : memref<!tpu.dma_semaphore, #tpu.memory_space<semaphore_mem>>)
      %dma_wait3A_231 = arith.constant 0 : i32
      %dma_wait3A_232 = tpu.memref_slice %arg3[%mul3A_2, %dma_wait3A_231] : memref<256x128xi32, #tpu.memory_space<hbm>> -> memref<8x128xi32, #tpu.memory_space<hbm>>
      %dma_wait3A_233 = arith.constant 0 : i32
      %dma_wait3A_234 = tpu.memref_slice %arg3[%mul3A_2, %dma_wait3A_233] : memref<256x128xi32, #tpu.memory_space<hbm>> -> memref<8x128xi32, #tpu.memory_space<hbm>>
      tpu.wait_dma2 semaphore(%run_scoped3A : memref<!tpu.dma_semaphore, #tpu.memory_space<semaphore_mem>>) src(%dma_wait3A_234 : memref<8x128xi32, #tpu.memory_space<hbm>>) dst(%arg7 : memref<8x128xi32, #tpu.memory_space<vmem>>)
      tpu.yield
    }) : () -> ()
    %mul3A_3 = arith.constant 8 : i32
    %mul3A_4 = arith.muli %add3A, %mul3A_3 : i32
    "tpu.region"() ({
      %run_scoped3A = tpu.sem_alloc : memref<!tpu.dma_semaphore, #tpu.memory_space<semaphore_mem>>
      %dma_start3A_227 = arith.constant 0 : i32
      %dma_start3A_228 = tpu.memref_slice %arg4[%mul3A_4, %dma_start3A_227] : memref<256x128xi32, #tpu.memory_space<hbm>> -> memref<8x128xi32, #tpu.memory_space<hbm>>
      %dma_start3A_229 = arith.constant 0 : i32
      %dma_start3A_230 = tpu.memref_slice %arg4[%mul3A_4, %dma_start3A_229] : memref<256x128xi32, #tpu.memory_space<hbm>> -> memref<8x128xi32, #tpu.memory_space<hbm>>
      tpu.enqueue_dma source(%dma_start3A_230 : memref<8x128xi32, #tpu.memory_space<hbm>>) target(%arg8 : memref<8x128xi32, #tpu.memory_space<vmem>>) target_semaphore(%run_scoped3A : memref<!tpu.dma_semaphore, #tpu.memory_space<semaphore_mem>>)
      %dma_wait3A_231 = arith.constant 0 : i32
      %dma_wait3A_232 = tpu.memref_slice %arg4[%mul3A_4, %dma_wait3A_231] : memref<256x128xi32, #tpu.memory_space<hbm>> -> memref<8x128xi32, #tpu.memory_space<hbm>>
      %dma_wait3A_233 = arith.constant 0 : i32
      %dma_wait3A_234 = tpu.memref_slice %arg4[%mul3A_4, %dma_wait3A_233] : memref<256x128xi32, #tpu.memory_space<hbm>> -> memref<8x128xi32, #tpu.memory_space<hbm>>
      tpu.wait_dma2 semaphore(%run_scoped3A : memref<!tpu.dma_semaphore, #tpu.memory_space<semaphore_mem>>) src(%dma_wait3A_234 : memref<8x128xi32, #tpu.memory_space<hbm>>) dst(%arg8 : memref<8x128xi32, #tpu.memory_space<vmem>>)
      tpu.yield
    }) : () -> ()
    %dma_start3A = arith.constant 0 : i32
    %dma_start3A_5 = arith.constant 0 : i32
    %dma_start3A_6 = tpu.memref_slice %arg8[%dma_start3A, %dma_start3A_5] : memref<8x128xi32, #tpu.memory_space<vmem>> -> memref<1x128xi32, #tpu.memory_space<vmem>>
    %dma_start3A_7 = tpu.memref_squeeze %dma_start3A_6 : memref<1x128xi32, #tpu.memory_space<vmem>> -> memref<128xi32, #tpu.memory_space<vmem>>
    %dma_start3A_8 = arith.constant 0 : i32
    %dma_start3A_9 = arith.constant 0 : i32
    %dma_start3A_10 = tpu.memref_slice %arg2[%dma_start3A_8, %dma_start3A_9] : memref<16384x128xf32, #tpu.memory_space<hbm>> -> memref<16384x128xf32, #tpu.memory_space<hbm>>
    tpu.enqueue_indirect_dma source(%dma_start3A_10 : memref<16384x128xf32, #tpu.memory_space<hbm>>) target(%arg9 : memref<128x128xf32, #tpu.memory_space<vmem>>) offsets(%dma_start3A_7 : memref<128xi32, #tpu.memory_space<vmem>>) semaphore(%arg13 : memref<!tpu.dma_semaphore, #tpu.memory_space<semaphore_mem>>)
    %dma_start3A_11 = arith.constant 1 : i32
    %dma_start3A_12 = arith.constant 0 : i32
    %dma_start3A_13 = tpu.memref_slice %arg8[%dma_start3A_11, %dma_start3A_12] : memref<8x128xi32, #tpu.memory_space<vmem>> -> memref<1x128xi32, #tpu.memory_space<vmem>>
    %dma_start3A_14 = tpu.memref_squeeze %dma_start3A_13 : memref<1x128xi32, #tpu.memory_space<vmem>> -> memref<128xi32, #tpu.memory_space<vmem>>
    %dma_start3A_15 = arith.constant 0 : i32
    %dma_start3A_16 = arith.constant 0 : i32
    %dma_start3A_17 = tpu.memref_slice %arg2[%dma_start3A_15, %dma_start3A_16] : memref<16384x128xf32, #tpu.memory_space<hbm>> -> memref<16384x128xf32, #tpu.memory_space<hbm>>
    tpu.enqueue_indirect_dma source(%dma_start3A_17 : memref<16384x128xf32, #tpu.memory_space<hbm>>) target(%arg10 : memref<128x128xf32, #tpu.memory_space<vmem>>) offsets(%dma_start3A_14 : memref<128xi32, #tpu.memory_space<vmem>>) semaphore(%arg14 : memref<!tpu.dma_semaphore, #tpu.memory_space<semaphore_mem>>)
    %dma_start3A_18 = arith.constant 2 : i32
    %dma_start3A_19 = arith.constant 0 : i32
    %dma_start3A_20 = tpu.memref_slice %arg8[%dma_start3A_18, %dma_start3A_19] : memref<8x128xi32, #tpu.memory_space<vmem>> -> memref<1x128xi32, #tpu.memory_space<vmem>>
    %dma_start3A_21 = tpu.memref_squeeze %dma_start3A_20 : memref<1x128xi32, #tpu.memory_space<vmem>> -> memref<128xi32, #tpu.memory_space<vmem>>
    %dma_start3A_22 = arith.constant 0 : i32
    %dma_start3A_23 = arith.constant 0 : i32
    %dma_start3A_24 = tpu.memref_slice %arg2[%dma_start3A_22, %dma_start3A_23] : memref<16384x128xf32, #tpu.memory_space<hbm>> -> memref<16384x128xf32, #tpu.memory_space<hbm>>
    tpu.enqueue_indirect_dma source(%dma_start3A_24 : memref<16384x128xf32, #tpu.memory_space<hbm>>) target(%arg11 : memref<128x128xf32, #tpu.memory_space<vmem>>) offsets(%dma_start3A_21 : memref<128xi32, #tpu.memory_space<vmem>>) semaphore(%arg15 : memref<!tpu.dma_semaphore, #tpu.memory_space<semaphore_mem>>)
    %dma_start3A_25 = arith.constant 3 : i32
    %dma_start3A_26 = arith.constant 0 : i32
    %dma_start3A_27 = tpu.memref_slice %arg8[%dma_start3A_25, %dma_start3A_26] : memref<8x128xi32, #tpu.memory_space<vmem>> -> memref<1x128xi32, #tpu.memory_space<vmem>>
    %dma_start3A_28 = tpu.memref_squeeze %dma_start3A_27 : memref<1x128xi32, #tpu.memory_space<vmem>> -> memref<128xi32, #tpu.memory_space<vmem>>
    %dma_start3A_29 = arith.constant 0 : i32
    %dma_start3A_30 = arith.constant 0 : i32
    %dma_start3A_31 = tpu.memref_slice %arg2[%dma_start3A_29, %dma_start3A_30] : memref<16384x128xf32, #tpu.memory_space<hbm>> -> memref<16384x128xf32, #tpu.memory_space<hbm>>
    tpu.enqueue_indirect_dma source(%dma_start3A_31 : memref<16384x128xf32, #tpu.memory_space<hbm>>) target(%arg12 : memref<128x128xf32, #tpu.memory_space<vmem>>) offsets(%dma_start3A_28 : memref<128xi32, #tpu.memory_space<vmem>>) semaphore(%arg16 : memref<!tpu.dma_semaphore, #tpu.memory_space<semaphore_mem>>)
    %dma_wait3A = arith.constant 0 : i32
    %dma_wait3A_32 = arith.constant 0 : i32
    %dma_wait3A_33 = tpu.memref_slice %arg8[%dma_wait3A, %dma_wait3A_32] : memref<8x128xi32, #tpu.memory_space<vmem>> -> memref<1x128xi32, #tpu.memory_space<vmem>>
    %dma_wait3A_34 = tpu.memref_squeeze %dma_wait3A_33 : memref<1x128xi32, #tpu.memory_space<vmem>> -> memref<128xi32, #tpu.memory_space<vmem>>
    %dma_wait3A_35 = arith.constant 0 : i32
    %dma_wait3A_36 = arith.constant 0 : i32
    %dma_wait3A_37 = tpu.memref_slice %arg2[%dma_wait3A_35, %dma_wait3A_36] : memref<16384x128xf32, #tpu.memory_space<hbm>> -> memref<16384x128xf32, #tpu.memory_space<hbm>>
    tpu.wait_indirect_dma semaphore(%arg13 : memref<!tpu.dma_semaphore, #tpu.memory_space<semaphore_mem>>) src(%dma_wait3A_37 : memref<16384x128xf32, #tpu.memory_space<hbm>>) dst(%arg9 : memref<128x128xf32, #tpu.memory_space<vmem>>)
    %dma_start3A_38 = arith.constant 0 : i32
    %dma_start3A_39 = arith.constant 0 : i32
    %dma_start3A_40 = tpu.memref_slice %arg7[%dma_start3A_38, %dma_start3A_39] : memref<8x128xi32, #tpu.memory_space<vmem>> -> memref<1x128xi32, #tpu.memory_space<vmem>>
    %dma_start3A_41 = tpu.memref_squeeze %dma_start3A_40 : memref<1x128xi32, #tpu.memory_space<vmem>> -> memref<128xi32, #tpu.memory_space<vmem>>
    %dma_start3A_42 = arith.constant 0 : i32
    %dma_start3A_43 = arith.constant 0 : i32
    %dma_start3A_44 = tpu.memref_slice %arg5[%dma_start3A_42, %dma_start3A_43] : memref<1000000x128xf32, #tpu.memory_space<hbm>> -> memref<1000000x128xf32, #tpu.memory_space<hbm>>
    tpu.enqueue_indirect_dma source(%arg9 : memref<128x128xf32, #tpu.memory_space<vmem>>) target(%dma_start3A_44 : memref<1000000x128xf32, #tpu.memory_space<hbm>>) offsets(%dma_start3A_41 : memref<128xi32, #tpu.memory_space<vmem>>) semaphore(%arg17 : memref<!tpu.dma_semaphore, #tpu.memory_space<semaphore_mem>>)
    %dma_wait3A_45 = arith.constant 0 : i32
    %dma_wait3A_46 = arith.constant 0 : i32
    %dma_wait3A_47 = tpu.memref_slice %arg7[%dma_wait3A_45, %dma_wait3A_46] : memref<8x128xi32, #tpu.memory_space<vmem>> -> memref<1x128xi32, #tpu.memory_space<vmem>>
    %dma_wait3A_48 = tpu.memref_squeeze %dma_wait3A_47 : memref<1x128xi32, #tpu.memory_space<vmem>> -> memref<128xi32, #tpu.memory_space<vmem>>
    %dma_wait3A_49 = arith.constant 0 : i32
    %dma_wait3A_50 = arith.constant 0 : i32
    %dma_wait3A_51 = tpu.memref_slice %arg5[%dma_wait3A_49, %dma_wait3A_50] : memref<1000000x128xf32, #tpu.memory_space<hbm>> -> memref<1000000x128xf32, #tpu.memory_space<hbm>>
    tpu.wait_indirect_dma semaphore(%arg17 : memref<!tpu.dma_semaphore, #tpu.memory_space<semaphore_mem>>) src(%arg9 : memref<128x128xf32, #tpu.memory_space<vmem>>) dst(%dma_wait3A_51 : memref<1000000x128xf32, #tpu.memory_space<hbm>>)
    %dma_start3A_52 = arith.constant 4 : i32
    %dma_start3A_53 = arith.constant 0 : i32
    %dma_start3A_54 = tpu.memref_slice %arg8[%dma_start3A_52, %dma_start3A_53] : memref<8x128xi32, #tpu.memory_space<vmem>> -> memref<1x128xi32, #tpu.memory_space<vmem>>
    %dma_start3A_55 = tpu.memref_squeeze %dma_start3A_54 : memref<1x128xi32, #tpu.memory_space<vmem>> -> memref<128xi32, #tpu.memory_space<vmem>>
    %dma_start3A_56 = arith.constant 0 : i32
    %dma_start3A_57 = arith.constant 0 : i32
    %dma_start3A_58 = tpu.memref_slice %arg2[%dma_start3A_56, %dma_start3A_57] : memref<16384x128xf32, #tpu.memory_space<hbm>> -> memref<16384x128xf32, #tpu.memory_space<hbm>>
    tpu.enqueue_indirect_dma source(%dma_start3A_58 : memref<16384x128xf32, #tpu.memory_space<hbm>>) target(%arg9 : memref<128x128xf32, #tpu.memory_space<vmem>>) offsets(%dma_start3A_55 : memref<128xi32, #tpu.memory_space<vmem>>) semaphore(%arg13 : memref<!tpu.dma_semaphore, #tpu.memory_space<semaphore_mem>>)
    %dma_wait3A_59 = arith.constant 1 : i32
    %dma_wait3A_60 = arith.constant 0 : i32
    %dma_wait3A_61 = tpu.memref_slice %arg8[%dma_wait3A_59, %dma_wait3A_60] : memref<8x128xi32, #tpu.memory_space<vmem>> -> memref<1x128xi32, #tpu.memory_space<vmem>>
    %dma_wait3A_62 = tpu.memref_squeeze %dma_wait3A_61 : memref<1x128xi32, #tpu.memory_space<vmem>> -> memref<128xi32, #tpu.memory_space<vmem>>
    %dma_wait3A_63 = arith.constant 0 : i32
    %dma_wait3A_64 = arith.constant 0 : i32
    %dma_wait3A_65 = tpu.memref_slice %arg2[%dma_wait3A_63, %dma_wait3A_64] : memref<16384x128xf32, #tpu.memory_space<hbm>> -> memref<16384x128xf32, #tpu.memory_space<hbm>>
    tpu.wait_indirect_dma semaphore(%arg14 : memref<!tpu.dma_semaphore, #tpu.memory_space<semaphore_mem>>) src(%dma_wait3A_65 : memref<16384x128xf32, #tpu.memory_space<hbm>>) dst(%arg10 : memref<128x128xf32, #tpu.memory_space<vmem>>)
    %dma_start3A_66 = arith.constant 1 : i32
    %dma_start3A_67 = arith.constant 0 : i32
    %dma_start3A_68 = tpu.memref_slice %arg7[%dma_start3A_66, %dma_start3A_67] : memref<8x128xi32, #tpu.memory_space<vmem>> -> memref<1x128xi32, #tpu.memory_space<vmem>>
    %dma_start3A_69 = tpu.memref_squeeze %dma_start3A_68 : memref<1x128xi32, #tpu.memory_space<vmem>> -> memref<128xi32, #tpu.memory_space<vmem>>
    %dma_start3A_70 = arith.constant 0 : i32
    %dma_start3A_71 = arith.constant 0 : i32
    %dma_start3A_72 = tpu.memref_slice %arg5[%dma_start3A_70, %dma_start3A_71] : memref<1000000x128xf32, #tpu.memory_space<hbm>> -> memref<1000000x128xf32, #tpu.memory_space<hbm>>
    tpu.enqueue_indirect_dma source(%arg10 : memref<128x128xf32, #tpu.memory_space<vmem>>) target(%dma_start3A_72 : memref<1000000x128xf32, #tpu.memory_space<hbm>>) offsets(%dma_start3A_69 : memref<128xi32, #tpu.memory_space<vmem>>) semaphore(%arg18 : memref<!tpu.dma_semaphore, #tpu.memory_space<semaphore_mem>>)
    %dma_wait3A_73 = arith.constant 1 : i32
    %dma_wait3A_74 = arith.constant 0 : i32
    %dma_wait3A_75 = tpu.memref_slice %arg7[%dma_wait3A_73, %dma_wait3A_74] : memref<8x128xi32, #tpu.memory_space<vmem>> -> memref<1x128xi32, #tpu.memory_space<vmem>>
    %dma_wait3A_76 = tpu.memref_squeeze %dma_wait3A_75 : memref<1x128xi32, #tpu.memory_space<vmem>> -> memref<128xi32, #tpu.memory_space<vmem>>
    %dma_wait3A_77 = arith.constant 0 : i32
    %dma_wait3A_78 = arith.constant 0 : i32
    %dma_wait3A_79 = tpu.memref_slice %arg5[%dma_wait3A_77, %dma_wait3A_78] : memref<1000000x128xf32, #tpu.memory_space<hbm>> -> memref<1000000x128xf32, #tpu.memory_space<hbm>>
    tpu.wait_indirect_dma semaphore(%arg18 : memref<!tpu.dma_semaphore, #tpu.memory_space<semaphore_mem>>) src(%arg10 : memref<128x128xf32, #tpu.memory_space<vmem>>) dst(%dma_wait3A_79 : memref<1000000x128xf32, #tpu.memory_space<hbm>>)
    %dma_start3A_80 = arith.constant 5 : i32
    %dma_start3A_81 = arith.constant 0 : i32
    %dma_start3A_82 = tpu.memref_slice %arg8[%dma_start3A_80, %dma_start3A_81] : memref<8x128xi32, #tpu.memory_space<vmem>> -> memref<1x128xi32, #tpu.memory_space<vmem>>
    %dma_start3A_83 = tpu.memref_squeeze %dma_start3A_82 : memref<1x128xi32, #tpu.memory_space<vmem>> -> memref<128xi32, #tpu.memory_space<vmem>>
    %dma_start3A_84 = arith.constant 0 : i32
    %dma_start3A_85 = arith.constant 0 : i32
    %dma_start3A_86 = tpu.memref_slice %arg2[%dma_start3A_84, %dma_start3A_85] : memref<16384x128xf32, #tpu.memory_space<hbm>> -> memref<16384x128xf32, #tpu.memory_space<hbm>>
    tpu.enqueue_indirect_dma source(%dma_start3A_86 : memref<16384x128xf32, #tpu.memory_space<hbm>>) target(%arg10 : memref<128x128xf32, #tpu.memory_space<vmem>>) offsets(%dma_start3A_83 : memref<128xi32, #tpu.memory_space<vmem>>) semaphore(%arg14 : memref<!tpu.dma_semaphore, #tpu.memory_space<semaphore_mem>>)
    %dma_wait3A_87 = arith.constant 2 : i32
    %dma_wait3A_88 = arith.constant 0 : i32
    %dma_wait3A_89 = tpu.memref_slice %arg8[%dma_wait3A_87, %dma_wait3A_88] : memref<8x128xi32, #tpu.memory_space<vmem>> -> memref<1x128xi32, #tpu.memory_space<vmem>>
    %dma_wait3A_90 = tpu.memref_squeeze %dma_wait3A_89 : memref<1x128xi32, #tpu.memory_space<vmem>> -> memref<128xi32, #tpu.memory_space<vmem>>
    %dma_wait3A_91 = arith.constant 0 : i32
    %dma_wait3A_92 = arith.constant 0 : i32
    %dma_wait3A_93 = tpu.memref_slice %arg2[%dma_wait3A_91, %dma_wait3A_92] : memref<16384x128xf32, #tpu.memory_space<hbm>> -> memref<16384x128xf32, #tpu.memory_space<hbm>>
    tpu.wait_indirect_dma semaphore(%arg15 : memref<!tpu.dma_semaphore, #tpu.memory_space<semaphore_mem>>) src(%dma_wait3A_93 : memref<16384x128xf32, #tpu.memory_space<hbm>>) dst(%arg11 : memref<128x128xf32, #tpu.memory_space<vmem>>)
    %dma_start3A_94 = arith.constant 2 : i32
    %dma_start3A_95 = arith.constant 0 : i32
    %dma_start3A_96 = tpu.memref_slice %arg7[%dma_start3A_94, %dma_start3A_95] : memref<8x128xi32, #tpu.memory_space<vmem>> -> memref<1x128xi32, #tpu.memory_space<vmem>>
    %dma_start3A_97 = tpu.memref_squeeze %dma_start3A_96 : memref<1x128xi32, #tpu.memory_space<vmem>> -> memref<128xi32, #tpu.memory_space<vmem>>
    %dma_start3A_98 = arith.constant 0 : i32
    %dma_start3A_99 = arith.constant 0 : i32
    %dma_start3A_100 = tpu.memref_slice %arg5[%dma_start3A_98, %dma_start3A_99] : memref<1000000x128xf32, #tpu.memory_space<hbm>> -> memref<1000000x128xf32, #tpu.memory_space<hbm>>
    tpu.enqueue_indirect_dma source(%arg11 : memref<128x128xf32, #tpu.memory_space<vmem>>) target(%dma_start3A_100 : memref<1000000x128xf32, #tpu.memory_space<hbm>>) offsets(%dma_start3A_97 : memref<128xi32, #tpu.memory_space<vmem>>) semaphore(%arg19 : memref<!tpu.dma_semaphore, #tpu.memory_space<semaphore_mem>>)
    %dma_wait3A_101 = arith.constant 2 : i32
    %dma_wait3A_102 = arith.constant 0 : i32
    %dma_wait3A_103 = tpu.memref_slice %arg7[%dma_wait3A_101, %dma_wait3A_102] : memref<8x128xi32, #tpu.memory_space<vmem>> -> memref<1x128xi32, #tpu.memory_space<vmem>>
    %dma_wait3A_104 = tpu.memref_squeeze %dma_wait3A_103 : memref<1x128xi32, #tpu.memory_space<vmem>> -> memref<128xi32, #tpu.memory_space<vmem>>
    %dma_wait3A_105 = arith.constant 0 : i32
    %dma_wait3A_106 = arith.constant 0 : i32
    %dma_wait3A_107 = tpu.memref_slice %arg5[%dma_wait3A_105, %dma_wait3A_106] : memref<1000000x128xf32, #tpu.memory_space<hbm>> -> memref<1000000x128xf32, #tpu.memory_space<hbm>>
    tpu.wait_indirect_dma semaphore(%arg19 : memref<!tpu.dma_semaphore, #tpu.memory_space<semaphore_mem>>) src(%arg11 : memref<128x128xf32, #tpu.memory_space<vmem>>) dst(%dma_wait3A_107 : memref<1000000x128xf32, #tpu.memory_space<hbm>>)
    %dma_start3A_108 = arith.constant 6 : i32
    %dma_start3A_109 = arith.constant 0 : i32
    %dma_start3A_110 = tpu.memref_slice %arg8[%dma_start3A_108, %dma_start3A_109] : memref<8x128xi32, #tpu.memory_space<vmem>> -> memref<1x128xi32, #tpu.memory_space<vmem>>
    %dma_start3A_111 = tpu.memref_squeeze %dma_start3A_110 : memref<1x128xi32, #tpu.memory_space<vmem>> -> memref<128xi32, #tpu.memory_space<vmem>>
    %dma_start3A_112 = arith.constant 0 : i32
    %dma_start3A_113 = arith.constant 0 : i32
    %dma_start3A_114 = tpu.memref_slice %arg2[%dma_start3A_112, %dma_start3A_113] : memref<16384x128xf32, #tpu.memory_space<hbm>> -> memref<16384x128xf32, #tpu.memory_space<hbm>>
    tpu.enqueue_indirect_dma source(%dma_start3A_114 : memref<16384x128xf32, #tpu.memory_space<hbm>>) target(%arg11 : memref<128x128xf32, #tpu.memory_space<vmem>>) offsets(%dma_start3A_111 : memref<128xi32, #tpu.memory_space<vmem>>) semaphore(%arg15 : memref<!tpu.dma_semaphore, #tpu.memory_space<semaphore_mem>>)
    %dma_wait3A_115 = arith.constant 3 : i32
    %dma_wait3A_116 = arith.constant 0 : i32
    %dma_wait3A_117 = tpu.memref_slice %arg8[%dma_wait3A_115, %dma_wait3A_116] : memref<8x128xi32, #tpu.memory_space<vmem>> -> memref<1x128xi32, #tpu.memory_space<vmem>>
    %dma_wait3A_118 = tpu.memref_squeeze %dma_wait3A_117 : memref<1x128xi32, #tpu.memory_space<vmem>> -> memref<128xi32, #tpu.memory_space<vmem>>
    %dma_wait3A_119 = arith.constant 0 : i32
    %dma_wait3A_120 = arith.constant 0 : i32
    %dma_wait3A_121 = tpu.memref_slice %arg2[%dma_wait3A_119, %dma_wait3A_120] : memref<16384x128xf32, #tpu.memory_space<hbm>> -> memref<16384x128xf32, #tpu.memory_space<hbm>>
    tpu.wait_indirect_dma semaphore(%arg16 : memref<!tpu.dma_semaphore, #tpu.memory_space<semaphore_mem>>) src(%dma_wait3A_121 : memref<16384x128xf32, #tpu.memory_space<hbm>>) dst(%arg12 : memref<128x128xf32, #tpu.memory_space<vmem>>)
    %dma_start3A_122 = arith.constant 3 : i32
    %dma_start3A_123 = arith.constant 0 : i32
    %dma_start3A_124 = tpu.memref_slice %arg7[%dma_start3A_122, %dma_start3A_123] : memref<8x128xi32, #tpu.memory_space<vmem>> -> memref<1x128xi32, #tpu.memory_space<vmem>>
    %dma_start3A_125 = tpu.memref_squeeze %dma_start3A_124 : memref<1x128xi32, #tpu.memory_space<vmem>> -> memref<128xi32, #tpu.memory_space<vmem>>
    %dma_start3A_126 = arith.constant 0 : i32
    %dma_start3A_127 = arith.constant 0 : i32
    %dma_start3A_128 = tpu.memref_slice %arg5[%dma_start3A_126, %dma_start3A_127] : memref<1000000x128xf32, #tpu.memory_space<hbm>> -> memref<1000000x128xf32, #tpu.memory_space<hbm>>
    tpu.enqueue_indirect_dma source(%arg12 : memref<128x128xf32, #tpu.memory_space<vmem>>) target(%dma_start3A_128 : memref<1000000x128xf32, #tpu.memory_space<hbm>>) offsets(%dma_start3A_125 : memref<128xi32, #tpu.memory_space<vmem>>) semaphore(%arg20 : memref<!tpu.dma_semaphore, #tpu.memory_space<semaphore_mem>>)
    %dma_wait3A_129 = arith.constant 3 : i32
    %dma_wait3A_130 = arith.constant 0 : i32
    %dma_wait3A_131 = tpu.memref_slice %arg7[%dma_wait3A_129, %dma_wait3A_130] : memref<8x128xi32, #tpu.memory_space<vmem>> -> memref<1x128xi32, #tpu.memory_space<vmem>>
    %dma_wait3A_132 = tpu.memref_squeeze %dma_wait3A_131 : memref<1x128xi32, #tpu.memory_space<vmem>> -> memref<128xi32, #tpu.memory_space<vmem>>
    %dma_wait3A_133 = arith.constant 0 : i32
    %dma_wait3A_134 = arith.constant 0 : i32
    %dma_wait3A_135 = tpu.memref_slice %arg5[%dma_wait3A_133, %dma_wait3A_134] : memref<1000000x128xf32, #tpu.memory_space<hbm>> -> memref<1000000x128xf32, #tpu.memory_space<hbm>>
    tpu.wait_indirect_dma semaphore(%arg20 : memref<!tpu.dma_semaphore, #tpu.memory_space<semaphore_mem>>) src(%arg12 : memref<128x128xf32, #tpu.memory_space<vmem>>) dst(%dma_wait3A_135 : memref<1000000x128xf32, #tpu.memory_space<hbm>>)
    %dma_start3A_136 = arith.constant 7 : i32
    %dma_start3A_137 = arith.constant 0 : i32
    %dma_start3A_138 = tpu.memref_slice %arg8[%dma_start3A_136, %dma_start3A_137] : memref<8x128xi32, #tpu.memory_space<vmem>> -> memref<1x128xi32, #tpu.memory_space<vmem>>
    %dma_start3A_139 = tpu.memref_squeeze %dma_start3A_138 : memref<1x128xi32, #tpu.memory_space<vmem>> -> memref<128xi32, #tpu.memory_space<vmem>>
    %dma_start3A_140 = arith.constant 0 : i32
    %dma_start3A_141 = arith.constant 0 : i32
    %dma_start3A_142 = tpu.memref_slice %arg2[%dma_start3A_140, %dma_start3A_141] : memref<16384x128xf32, #tpu.memory_space<hbm>> -> memref<16384x128xf32, #tpu.memory_space<hbm>>
    tpu.enqueue_indirect_dma source(%dma_start3A_142 : memref<16384x128xf32, #tpu.memory_space<hbm>>) target(%arg12 : memref<128x128xf32, #tpu.memory_space<vmem>>) offsets(%dma_start3A_139 : memref<128xi32, #tpu.memory_space<vmem>>) semaphore(%arg16 : memref<!tpu.dma_semaphore, #tpu.memory_space<semaphore_mem>>)
    %dma_wait3A_143 = arith.constant 4 : i32
    %dma_wait3A_144 = arith.constant 0 : i32
    %dma_wait3A_145 = tpu.memref_slice %arg8[%dma_wait3A_143, %dma_wait3A_144] : memref<8x128xi32, #tpu.memory_space<vmem>> -> memref<1x128xi32, #tpu.memory_space<vmem>>
    %dma_wait3A_146 = tpu.memref_squeeze %dma_wait3A_145 : memref<1x128xi32, #tpu.memory_space<vmem>> -> memref<128xi32, #tpu.memory_space<vmem>>
    %dma_wait3A_147 = arith.constant 0 : i32
    %dma_wait3A_148 = arith.constant 0 : i32
    %dma_wait3A_149 = tpu.memref_slice %arg2[%dma_wait3A_147, %dma_wait3A_148] : memref<16384x128xf32, #tpu.memory_space<hbm>> -> memref<16384x128xf32, #tpu.memory_space<hbm>>
    tpu.wait_indirect_dma semaphore(%arg13 : memref<!tpu.dma_semaphore, #tpu.memory_space<semaphore_mem>>) src(%dma_wait3A_149 : memref<16384x128xf32, #tpu.memory_space<hbm>>) dst(%arg9 : memref<128x128xf32, #tpu.memory_space<vmem>>)
    %dma_start3A_150 = arith.constant 4 : i32
    %dma_start3A_151 = arith.constant 0 : i32
    %dma_start3A_152 = tpu.memref_slice %arg7[%dma_start3A_150, %dma_start3A_151] : memref<8x128xi32, #tpu.memory_space<vmem>> -> memref<1x128xi32, #tpu.memory_space<vmem>>
    %dma_start3A_153 = tpu.memref_squeeze %dma_start3A_152 : memref<1x128xi32, #tpu.memory_space<vmem>> -> memref<128xi32, #tpu.memory_space<vmem>>
    %dma_start3A_154 = arith.constant 0 : i32
    %dma_start3A_155 = arith.constant 0 : i32
    %dma_start3A_156 = tpu.memref_slice %arg5[%dma_start3A_154, %dma_start3A_155] : memref<1000000x128xf32, #tpu.memory_space<hbm>> -> memref<1000000x128xf32, #tpu.memory_space<hbm>>
    tpu.enqueue_indirect_dma source(%arg9 : memref<128x128xf32, #tpu.memory_space<vmem>>) target(%dma_start3A_156 : memref<1000000x128xf32, #tpu.memory_space<hbm>>) offsets(%dma_start3A_153 : memref<128xi32, #tpu.memory_space<vmem>>) semaphore(%arg17 : memref<!tpu.dma_semaphore, #tpu.memory_space<semaphore_mem>>)
    %dma_wait3A_157 = arith.constant 5 : i32
    %dma_wait3A_158 = arith.constant 0 : i32
    %dma_wait3A_159 = tpu.memref_slice %arg8[%dma_wait3A_157, %dma_wait3A_158] : memref<8x128xi32, #tpu.memory_space<vmem>> -> memref<1x128xi32, #tpu.memory_space<vmem>>
    %dma_wait3A_160 = tpu.memref_squeeze %dma_wait3A_159 : memref<1x128xi32, #tpu.memory_space<vmem>> -> memref<128xi32, #tpu.memory_space<vmem>>
    %dma_wait3A_161 = arith.constant 0 : i32
    %dma_wait3A_162 = arith.constant 0 : i32
    %dma_wait3A_163 = tpu.memref_slice %arg2[%dma_wait3A_161, %dma_wait3A_162] : memref<16384x128xf32, #tpu.memory_space<hbm>> -> memref<16384x128xf32, #tpu.memory_space<hbm>>
    tpu.wait_indirect_dma semaphore(%arg14 : memref<!tpu.dma_semaphore, #tpu.memory_space<semaphore_mem>>) src(%dma_wait3A_163 : memref<16384x128xf32, #tpu.memory_space<hbm>>) dst(%arg10 : memref<128x128xf32, #tpu.memory_space<vmem>>)
    %dma_start3A_164 = arith.constant 5 : i32
    %dma_start3A_165 = arith.constant 0 : i32
    %dma_start3A_166 = tpu.memref_slice %arg7[%dma_start3A_164, %dma_start3A_165] : memref<8x128xi32, #tpu.memory_space<vmem>> -> memref<1x128xi32, #tpu.memory_space<vmem>>
    %dma_start3A_167 = tpu.memref_squeeze %dma_start3A_166 : memref<1x128xi32, #tpu.memory_space<vmem>> -> memref<128xi32, #tpu.memory_space<vmem>>
    %dma_start3A_168 = arith.constant 0 : i32
    %dma_start3A_169 = arith.constant 0 : i32
    %dma_start3A_170 = tpu.memref_slice %arg5[%dma_start3A_168, %dma_start3A_169] : memref<1000000x128xf32, #tpu.memory_space<hbm>> -> memref<1000000x128xf32, #tpu.memory_space<hbm>>
    tpu.enqueue_indirect_dma source(%arg10 : memref<128x128xf32, #tpu.memory_space<vmem>>) target(%dma_start3A_170 : memref<1000000x128xf32, #tpu.memory_space<hbm>>) offsets(%dma_start3A_167 : memref<128xi32, #tpu.memory_space<vmem>>) semaphore(%arg18 : memref<!tpu.dma_semaphore, #tpu.memory_space<semaphore_mem>>)
    %dma_wait3A_171 = arith.constant 6 : i32
    %dma_wait3A_172 = arith.constant 0 : i32
    %dma_wait3A_173 = tpu.memref_slice %arg8[%dma_wait3A_171, %dma_wait3A_172] : memref<8x128xi32, #tpu.memory_space<vmem>> -> memref<1x128xi32, #tpu.memory_space<vmem>>
    %dma_wait3A_174 = tpu.memref_squeeze %dma_wait3A_173 : memref<1x128xi32, #tpu.memory_space<vmem>> -> memref<128xi32, #tpu.memory_space<vmem>>
    %dma_wait3A_175 = arith.constant 0 : i32
    %dma_wait3A_176 = arith.constant 0 : i32
    %dma_wait3A_177 = tpu.memref_slice %arg2[%dma_wait3A_175, %dma_wait3A_176] : memref<16384x128xf32, #tpu.memory_space<hbm>> -> memref<16384x128xf32, #tpu.memory_space<hbm>>
    tpu.wait_indirect_dma semaphore(%arg15 : memref<!tpu.dma_semaphore, #tpu.memory_space<semaphore_mem>>) src(%dma_wait3A_177 : memref<16384x128xf32, #tpu.memory_space<hbm>>) dst(%arg11 : memref<128x128xf32, #tpu.memory_space<vmem>>)
    %dma_start3A_178 = arith.constant 6 : i32
    %dma_start3A_179 = arith.constant 0 : i32
    %dma_start3A_180 = tpu.memref_slice %arg7[%dma_start3A_178, %dma_start3A_179] : memref<8x128xi32, #tpu.memory_space<vmem>> -> memref<1x128xi32, #tpu.memory_space<vmem>>
    %dma_start3A_181 = tpu.memref_squeeze %dma_start3A_180 : memref<1x128xi32, #tpu.memory_space<vmem>> -> memref<128xi32, #tpu.memory_space<vmem>>
    %dma_start3A_182 = arith.constant 0 : i32
    %dma_start3A_183 = arith.constant 0 : i32
    %dma_start3A_184 = tpu.memref_slice %arg5[%dma_start3A_182, %dma_start3A_183] : memref<1000000x128xf32, #tpu.memory_space<hbm>> -> memref<1000000x128xf32, #tpu.memory_space<hbm>>
    tpu.enqueue_indirect_dma source(%arg11 : memref<128x128xf32, #tpu.memory_space<vmem>>) target(%dma_start3A_184 : memref<1000000x128xf32, #tpu.memory_space<hbm>>) offsets(%dma_start3A_181 : memref<128xi32, #tpu.memory_space<vmem>>) semaphore(%arg19 : memref<!tpu.dma_semaphore, #tpu.memory_space<semaphore_mem>>)
    %dma_wait3A_185 = arith.constant 7 : i32
    %dma_wait3A_186 = arith.constant 0 : i32
    %dma_wait3A_187 = tpu.memref_slice %arg8[%dma_wait3A_185, %dma_wait3A_186] : memref<8x128xi32, #tpu.memory_space<vmem>> -> memref<1x128xi32, #tpu.memory_space<vmem>>
    %dma_wait3A_188 = tpu.memref_squeeze %dma_wait3A_187 : memref<1x128xi32, #tpu.memory_space<vmem>> -> memref<128xi32, #tpu.memory_space<vmem>>
    %dma_wait3A_189 = arith.constant 0 : i32
    %dma_wait3A_190 = arith.constant 0 : i32
    %dma_wait3A_191 = tpu.memref_slice %arg2[%dma_wait3A_189, %dma_wait3A_190] : memref<16384x128xf32, #tpu.memory_space<hbm>> -> memref<16384x128xf32, #tpu.memory_space<hbm>>
    tpu.wait_indirect_dma semaphore(%arg16 : memref<!tpu.dma_semaphore, #tpu.memory_space<semaphore_mem>>) src(%dma_wait3A_191 : memref<16384x128xf32, #tpu.memory_space<hbm>>) dst(%arg12 : memref<128x128xf32, #tpu.memory_space<vmem>>)
    %dma_start3A_192 = arith.constant 7 : i32
    %dma_start3A_193 = arith.constant 0 : i32
    %dma_start3A_194 = tpu.memref_slice %arg7[%dma_start3A_192, %dma_start3A_193] : memref<8x128xi32, #tpu.memory_space<vmem>> -> memref<1x128xi32, #tpu.memory_space<vmem>>
    %dma_start3A_195 = tpu.memref_squeeze %dma_start3A_194 : memref<1x128xi32, #tpu.memory_space<vmem>> -> memref<128xi32, #tpu.memory_space<vmem>>
    %dma_start3A_196 = arith.constant 0 : i32
    %dma_start3A_197 = arith.constant 0 : i32
    %dma_start3A_198 = tpu.memref_slice %arg5[%dma_start3A_196, %dma_start3A_197] : memref<1000000x128xf32, #tpu.memory_space<hbm>> -> memref<1000000x128xf32, #tpu.memory_space<hbm>>
    tpu.enqueue_indirect_dma source(%arg12 : memref<128x128xf32, #tpu.memory_space<vmem>>) target(%dma_start3A_198 : memref<1000000x128xf32, #tpu.memory_space<hbm>>) offsets(%dma_start3A_195 : memref<128xi32, #tpu.memory_space<vmem>>) semaphore(%arg20 : memref<!tpu.dma_semaphore, #tpu.memory_space<semaphore_mem>>)
    %dma_wait3A_199 = arith.constant 4 : i32
    %dma_wait3A_200 = arith.constant 0 : i32
    %dma_wait3A_201 = tpu.memref_slice %arg7[%dma_wait3A_199, %dma_wait3A_200] : memref<8x128xi32, #tpu.memory_space<vmem>> -> memref<1x128xi32, #tpu.memory_space<vmem>>
    %dma_wait3A_202 = tpu.memref_squeeze %dma_wait3A_201 : memref<1x128xi32, #tpu.memory_space<vmem>> -> memref<128xi32, #tpu.memory_space<vmem>>
    %dma_wait3A_203 = arith.constant 0 : i32
    %dma_wait3A_204 = arith.constant 0 : i32
    %dma_wait3A_205 = tpu.memref_slice %arg5[%dma_wait3A_203, %dma_wait3A_204] : memref<1000000x128xf32, #tpu.memory_space<hbm>> -> memref<1000000x128xf32, #tpu.memory_space<hbm>>
    tpu.wait_indirect_dma semaphore(%arg17 : memref<!tpu.dma_semaphore, #tpu.memory_space<semaphore_mem>>) src(%arg9 : memref<128x128xf32, #tpu.memory_space<vmem>>) dst(%dma_wait3A_205 : memref<1000000x128xf32, #tpu.memory_space<hbm>>)
    %dma_wait3A_206 = arith.constant 5 : i32
    %dma_wait3A_207 = arith.constant 0 : i32
    %dma_wait3A_208 = tpu.memref_slice %arg7[%dma_wait3A_206, %dma_wait3A_207] : memref<8x128xi32, #tpu.memory_space<vmem>> -> memref<1x128xi32, #tpu.memory_space<vmem>>
    %dma_wait3A_209 = tpu.memref_squeeze %dma_wait3A_208 : memref<1x128xi32, #tpu.memory_space<vmem>> -> memref<128xi32, #tpu.memory_space<vmem>>
    %dma_wait3A_210 = arith.constant 0 : i32
    %dma_wait3A_211 = arith.constant 0 : i32
    %dma_wait3A_212 = tpu.memref_slice %arg5[%dma_wait3A_210, %dma_wait3A_211] : memref<1000000x128xf32, #tpu.memory_space<hbm>> -> memref<1000000x128xf32, #tpu.memory_space<hbm>>
    tpu.wait_indirect_dma semaphore(%arg18 : memref<!tpu.dma_semaphore, #tpu.memory_space<semaphore_mem>>) src(%arg10 : memref<128x128xf32, #tpu.memory_space<vmem>>) dst(%dma_wait3A_212 : memref<1000000x128xf32, #tpu.memory_space<hbm>>)
    %dma_wait3A_213 = arith.constant 6 : i32
    %dma_wait3A_214 = arith.constant 0 : i32
    %dma_wait3A_215 = tpu.memref_slice %arg7[%dma_wait3A_213, %dma_wait3A_214] : memref<8x128xi32, #tpu.memory_space<vmem>> -> memref<1x128xi32, #tpu.memory_space<vmem>>
    %dma_wait3A_216 = tpu.memref_squeeze %dma_wait3A_215 : memref<1x128xi32, #tpu.memory_space<vmem>> -> memref<128xi32, #tpu.memory_space<vmem>>
    %dma_wait3A_217 = arith.constant 0 : i32
    %dma_wait3A_218 = arith.constant 0 : i32
    %dma_wait3A_219 = tpu.memref_slice %arg5[%dma_wait3A_217, %dma_wait3A_218] : memref<1000000x128xf32, #tpu.memory_space<hbm>> -> memref<1000000x128xf32, #tpu.memory_space<hbm>>
    tpu.wait_indirect_dma semaphore(%arg19 : memref<!tpu.dma_semaphore, #tpu.memory_space<semaphore_mem>>) src(%arg11 : memref<128x128xf32, #tpu.memory_space<vmem>>) dst(%dma_wait3A_219 : memref<1000000x128xf32, #tpu.memory_space<hbm>>)
    %dma_wait3A_220 = arith.constant 7 : i32
    %dma_wait3A_221 = arith.constant 0 : i32
    %dma_wait3A_222 = tpu.memref_slice %arg7[%dma_wait3A_220, %dma_wait3A_221] : memref<8x128xi32, #tpu.memory_space<vmem>> -> memref<1x128xi32, #tpu.memory_space<vmem>>
    %dma_wait3A_223 = tpu.memref_squeeze %dma_wait3A_222 : memref<1x128xi32, #tpu.memory_space<vmem>> -> memref<128xi32, #tpu.memory_space<vmem>>
    %dma_wait3A_224 = arith.constant 0 : i32
    %dma_wait3A_225 = arith.constant 0 : i32
    %dma_wait3A_226 = tpu.memref_slice %arg5[%dma_wait3A_224, %dma_wait3A_225] : memref<1000000x128xf32, #tpu.memory_space<hbm>> -> memref<1000000x128xf32, #tpu.memory_space<hbm>>
    tpu.wait_indirect_dma semaphore(%arg20 : memref<!tpu.dma_semaphore, #tpu.memory_space<semaphore_mem>>) src(%arg12 : memref<128x128xf32, #tpu.memory_space<vmem>>) dst(%dma_wait3A_226 : memref<1000000x128xf32, #tpu.memory_space<hbm>>)
    return
  }
}

#map = affine_map<(d0, d1) -> (0, 0)>
module attributes {stable_mosaic.version = 14 : i64} {
  func.func @_sc_zero_body(%arg0: i32, %arg1: i32, %arg2: memref<1000x128xf32, #tpu.memory_space<hbm>>, %arg3: memref<1000000x128xf32, #tpu.memory_space<hbm>>, %arg4: memref<1000x128xf32, #tpu.memory_space<vmem>>, %arg5: memref<!tpu.dma_semaphore, #tpu.memory_space<semaphore_mem>>) attributes {dimension_semantics = [#tpu.dimension_semantics<core_parallel>, #tpu.dimension_semantics<subcore_parallel>], iteration_bounds = array<i64: 2, 16>, scalar_prefetch = 0 : i64, scratch_operands = 2 : i64, tpu.core_type = #tpu.core_type<sc_vector_subcore>, window_params = [{transform_indices = #map}, {transform_indices = #map}]} {
    %mul3A = arith.constant 2 : i32
    %mul3A_0 = arith.muli %arg1, %mul3A : i32
    %add3A = arith.addi %mul3A_0, %arg0 : i32
    "tpu.region"() ({
      %run_scoped3A = tpu.sem_alloc : memref<!tpu.dma_semaphore, #tpu.memory_space<semaphore_mem>>
      tpu.enqueue_dma source(%arg2 : memref<1000x128xf32, #tpu.memory_space<hbm>>) target(%arg4 : memref<1000x128xf32, #tpu.memory_space<vmem>>) target_semaphore(%run_scoped3A : memref<!tpu.dma_semaphore, #tpu.memory_space<semaphore_mem>>)
      tpu.wait_dma2 semaphore(%run_scoped3A : memref<!tpu.dma_semaphore, #tpu.memory_space<semaphore_mem>>) src(%arg2 : memref<1000x128xf32, #tpu.memory_space<hbm>>) dst(%arg4 : memref<1000x128xf32, #tpu.memory_space<vmem>>)
      tpu.yield
    }) : () -> ()
    %add3A_1 = arith.constant 0 : i32
    %add3A_2 = arith.addi %add3A, %add3A_1 : i32
    %lt3A = arith.constant 1000 : i32
    %lt3A_3 = arith.cmpi slt, %add3A_2, %lt3A : i32
    %convert_element_type3A = arith.extui %lt3A_3 : i1 to i32
    %cond3A = arith.constant 0 : i32
    %cond3A_4 = arith.cmpi ne, %convert_element_type3A, %cond3A : i32
    scf.if %cond3A_4 {
      %mul3A_446 = arith.constant 1000 : i32
      %mul3A_447 = arith.muli %add3A_2, %mul3A_446 : i32
      %dma_start3A = arith.constant 0 : i32
      %dma_start3A_448 = tpu.memref_slice %arg3[%mul3A_447, %dma_start3A] : memref<1000000x128xf32, #tpu.memory_space<hbm>> -> memref<1000x128xf32, #tpu.memory_space<hbm>>
      %dma_start3A_449 = arith.constant 0 : i32
      %dma_start3A_450 = tpu.memref_slice %arg3[%mul3A_447, %dma_start3A_449] : memref<1000000x128xf32, #tpu.memory_space<hbm>> -> memref<1000x128xf32, #tpu.memory_space<hbm>>
      tpu.enqueue_dma source(%arg4 : memref<1000x128xf32, #tpu.memory_space<vmem>>) target(%dma_start3A_450 : memref<1000x128xf32, #tpu.memory_space<hbm>>) target_semaphore(%arg5 : memref<!tpu.dma_semaphore, #tpu.memory_space<semaphore_mem>>)
    } else {
    }
    %add3A_5 = arith.constant 32 : i32
    %add3A_6 = arith.addi %add3A, %add3A_5 : i32
    %lt3A_7 = arith.constant 1000 : i32
    %lt3A_8 = arith.cmpi slt, %add3A_6, %lt3A_7 : i32
    %convert_element_type3A_9 = arith.extui %lt3A_8 : i1 to i32
    %cond3A_10 = arith.constant 0 : i32
    %cond3A_11 = arith.cmpi ne, %convert_element_type3A_9, %cond3A_10 : i32
    scf.if %cond3A_11 {
      %mul3A_446 = arith.constant 1000 : i32
      %mul3A_447 = arith.muli %add3A_6, %mul3A_446 : i32
      %dma_start3A = arith.constant 0 : i32
      %dma_start3A_448 = tpu.memref_slice %arg3[%mul3A_447, %dma_start3A] : memref<1000000x128xf32, #tpu.memory_space<hbm>> -> memref<1000x128xf32, #tpu.memory_space<hbm>>
      %dma_start3A_449 = arith.constant 0 : i32
      %dma_start3A_450 = tpu.memref_slice %arg3[%mul3A_447, %dma_start3A_449] : memref<1000000x128xf32, #tpu.memory_space<hbm>> -> memref<1000x128xf32, #tpu.memory_space<hbm>>
      tpu.enqueue_dma source(%arg4 : memref<1000x128xf32, #tpu.memory_space<vmem>>) target(%dma_start3A_450 : memref<1000x128xf32, #tpu.memory_space<hbm>>) target_semaphore(%arg5 : memref<!tpu.dma_semaphore, #tpu.memory_space<semaphore_mem>>)
    } else {
    }
    %add3A_12 = arith.constant 64 : i32
    %add3A_13 = arith.addi %add3A, %add3A_12 : i32
    %lt3A_14 = arith.constant 1000 : i32
    %lt3A_15 = arith.cmpi slt, %add3A_13, %lt3A_14 : i32
    %convert_element_type3A_16 = arith.extui %lt3A_15 : i1 to i32
    %cond3A_17 = arith.constant 0 : i32
    %cond3A_18 = arith.cmpi ne, %convert_element_type3A_16, %cond3A_17 : i32
    scf.if %cond3A_18 {
      %mul3A_446 = arith.constant 1000 : i32
      %mul3A_447 = arith.muli %add3A_13, %mul3A_446 : i32
      %dma_start3A = arith.constant 0 : i32
      %dma_start3A_448 = tpu.memref_slice %arg3[%mul3A_447, %dma_start3A] : memref<1000000x128xf32, #tpu.memory_space<hbm>> -> memref<1000x128xf32, #tpu.memory_space<hbm>>
      %dma_start3A_449 = arith.constant 0 : i32
      %dma_start3A_450 = tpu.memref_slice %arg3[%mul3A_447, %dma_start3A_449] : memref<1000000x128xf32, #tpu.memory_space<hbm>> -> memref<1000x128xf32, #tpu.memory_space<hbm>>
      tpu.enqueue_dma source(%arg4 : memref<1000x128xf32, #tpu.memory_space<vmem>>) target(%dma_start3A_450 : memref<1000x128xf32, #tpu.memory_space<hbm>>) target_semaphore(%arg5 : memref<!tpu.dma_semaphore, #tpu.memory_space<semaphore_mem>>)
    } else {
    }
    %add3A_19 = arith.constant 96 : i32
    %add3A_20 = arith.addi %add3A, %add3A_19 : i32
    %lt3A_21 = arith.constant 1000 : i32
    %lt3A_22 = arith.cmpi slt, %add3A_20, %lt3A_21 : i32
    %convert_element_type3A_23 = arith.extui %lt3A_22 : i1 to i32
    %cond3A_24 = arith.constant 0 : i32
    %cond3A_25 = arith.cmpi ne, %convert_element_type3A_23, %cond3A_24 : i32
    scf.if %cond3A_25 {
      %mul3A_446 = arith.constant 1000 : i32
      %mul3A_447 = arith.muli %add3A_20, %mul3A_446 : i32
      %dma_start3A = arith.constant 0 : i32
      %dma_start3A_448 = tpu.memref_slice %arg3[%mul3A_447, %dma_start3A] : memref<1000000x128xf32, #tpu.memory_space<hbm>> -> memref<1000x128xf32, #tpu.memory_space<hbm>>
      %dma_start3A_449 = arith.constant 0 : i32
      %dma_start3A_450 = tpu.memref_slice %arg3[%mul3A_447, %dma_start3A_449] : memref<1000000x128xf32, #tpu.memory_space<hbm>> -> memref<1000x128xf32, #tpu.memory_space<hbm>>
      tpu.enqueue_dma source(%arg4 : memref<1000x128xf32, #tpu.memory_space<vmem>>) target(%dma_start3A_450 : memref<1000x128xf32, #tpu.memory_space<hbm>>) target_semaphore(%arg5 : memref<!tpu.dma_semaphore, #tpu.memory_space<semaphore_mem>>)
    } else {
    }
    %add3A_26 = arith.constant 128 : i32
    %add3A_27 = arith.addi %add3A, %add3A_26 : i32
    %lt3A_28 = arith.constant 1000 : i32
    %lt3A_29 = arith.cmpi slt, %add3A_27, %lt3A_28 : i32
    %convert_element_type3A_30 = arith.extui %lt3A_29 : i1 to i32
    %cond3A_31 = arith.constant 0 : i32
    %cond3A_32 = arith.cmpi ne, %convert_element_type3A_30, %cond3A_31 : i32
    scf.if %cond3A_32 {
      %mul3A_446 = arith.constant 1000 : i32
      %mul3A_447 = arith.muli %add3A_27, %mul3A_446 : i32
      %dma_start3A = arith.constant 0 : i32
      %dma_start3A_448 = tpu.memref_slice %arg3[%mul3A_447, %dma_start3A] : memref<1000000x128xf32, #tpu.memory_space<hbm>> -> memref<1000x128xf32, #tpu.memory_space<hbm>>
      %dma_start3A_449 = arith.constant 0 : i32
      %dma_start3A_450 = tpu.memref_slice %arg3[%mul3A_447, %dma_start3A_449] : memref<1000000x128xf32, #tpu.memory_space<hbm>> -> memref<1000x128xf32, #tpu.memory_space<hbm>>
      tpu.enqueue_dma source(%arg4 : memref<1000x128xf32, #tpu.memory_space<vmem>>) target(%dma_start3A_450 : memref<1000x128xf32, #tpu.memory_space<hbm>>) target_semaphore(%arg5 : memref<!tpu.dma_semaphore, #tpu.memory_space<semaphore_mem>>)
    } else {
    }
    %add3A_33 = arith.constant 160 : i32
    %add3A_34 = arith.addi %add3A, %add3A_33 : i32
    %lt3A_35 = arith.constant 1000 : i32
    %lt3A_36 = arith.cmpi slt, %add3A_34, %lt3A_35 : i32
    %convert_element_type3A_37 = arith.extui %lt3A_36 : i1 to i32
    %cond3A_38 = arith.constant 0 : i32
    %cond3A_39 = arith.cmpi ne, %convert_element_type3A_37, %cond3A_38 : i32
    scf.if %cond3A_39 {
      %mul3A_446 = arith.constant 1000 : i32
      %mul3A_447 = arith.muli %add3A_34, %mul3A_446 : i32
      %dma_start3A = arith.constant 0 : i32
      %dma_start3A_448 = tpu.memref_slice %arg3[%mul3A_447, %dma_start3A] : memref<1000000x128xf32, #tpu.memory_space<hbm>> -> memref<1000x128xf32, #tpu.memory_space<hbm>>
      %dma_start3A_449 = arith.constant 0 : i32
      %dma_start3A_450 = tpu.memref_slice %arg3[%mul3A_447, %dma_start3A_449] : memref<1000000x128xf32, #tpu.memory_space<hbm>> -> memref<1000x128xf32, #tpu.memory_space<hbm>>
      tpu.enqueue_dma source(%arg4 : memref<1000x128xf32, #tpu.memory_space<vmem>>) target(%dma_start3A_450 : memref<1000x128xf32, #tpu.memory_space<hbm>>) target_semaphore(%arg5 : memref<!tpu.dma_semaphore, #tpu.memory_space<semaphore_mem>>)
    } else {
    }
    %add3A_40 = arith.constant 192 : i32
    %add3A_41 = arith.addi %add3A, %add3A_40 : i32
    %lt3A_42 = arith.constant 1000 : i32
    %lt3A_43 = arith.cmpi slt, %add3A_41, %lt3A_42 : i32
    %convert_element_type3A_44 = arith.extui %lt3A_43 : i1 to i32
    %cond3A_45 = arith.constant 0 : i32
    %cond3A_46 = arith.cmpi ne, %convert_element_type3A_44, %cond3A_45 : i32
    scf.if %cond3A_46 {
      %mul3A_446 = arith.constant 1000 : i32
      %mul3A_447 = arith.muli %add3A_41, %mul3A_446 : i32
      %dma_start3A = arith.constant 0 : i32
      %dma_start3A_448 = tpu.memref_slice %arg3[%mul3A_447, %dma_start3A] : memref<1000000x128xf32, #tpu.memory_space<hbm>> -> memref<1000x128xf32, #tpu.memory_space<hbm>>
      %dma_start3A_449 = arith.constant 0 : i32
      %dma_start3A_450 = tpu.memref_slice %arg3[%mul3A_447, %dma_start3A_449] : memref<1000000x128xf32, #tpu.memory_space<hbm>> -> memref<1000x128xf32, #tpu.memory_space<hbm>>
      tpu.enqueue_dma source(%arg4 : memref<1000x128xf32, #tpu.memory_space<vmem>>) target(%dma_start3A_450 : memref<1000x128xf32, #tpu.memory_space<hbm>>) target_semaphore(%arg5 : memref<!tpu.dma_semaphore, #tpu.memory_space<semaphore_mem>>)
    } else {
    }
    %add3A_47 = arith.constant 224 : i32
    %add3A_48 = arith.addi %add3A, %add3A_47 : i32
    %lt3A_49 = arith.constant 1000 : i32
    %lt3A_50 = arith.cmpi slt, %add3A_48, %lt3A_49 : i32
    %convert_element_type3A_51 = arith.extui %lt3A_50 : i1 to i32
    %cond3A_52 = arith.constant 0 : i32
    %cond3A_53 = arith.cmpi ne, %convert_element_type3A_51, %cond3A_52 : i32
    scf.if %cond3A_53 {
      %mul3A_446 = arith.constant 1000 : i32
      %mul3A_447 = arith.muli %add3A_48, %mul3A_446 : i32
      %dma_start3A = arith.constant 0 : i32
      %dma_start3A_448 = tpu.memref_slice %arg3[%mul3A_447, %dma_start3A] : memref<1000000x128xf32, #tpu.memory_space<hbm>> -> memref<1000x128xf32, #tpu.memory_space<hbm>>
      %dma_start3A_449 = arith.constant 0 : i32
      %dma_start3A_450 = tpu.memref_slice %arg3[%mul3A_447, %dma_start3A_449] : memref<1000000x128xf32, #tpu.memory_space<hbm>> -> memref<1000x128xf32, #tpu.memory_space<hbm>>
      tpu.enqueue_dma source(%arg4 : memref<1000x128xf32, #tpu.memory_space<vmem>>) target(%dma_start3A_450 : memref<1000x128xf32, #tpu.memory_space<hbm>>) target_semaphore(%arg5 : memref<!tpu.dma_semaphore, #tpu.memory_space<semaphore_mem>>)
    } else {
    }
    %add3A_54 = arith.constant 256 : i32
    %add3A_55 = arith.addi %add3A, %add3A_54 : i32
    %lt3A_56 = arith.constant 1000 : i32
    %lt3A_57 = arith.cmpi slt, %add3A_55, %lt3A_56 : i32
    %convert_element_type3A_58 = arith.extui %lt3A_57 : i1 to i32
    %cond3A_59 = arith.constant 0 : i32
    %cond3A_60 = arith.cmpi ne, %convert_element_type3A_58, %cond3A_59 : i32
    scf.if %cond3A_60 {
      %mul3A_446 = arith.constant 1000 : i32
      %mul3A_447 = arith.muli %add3A_55, %mul3A_446 : i32
      %dma_start3A = arith.constant 0 : i32
      %dma_start3A_448 = tpu.memref_slice %arg3[%mul3A_447, %dma_start3A] : memref<1000000x128xf32, #tpu.memory_space<hbm>> -> memref<1000x128xf32, #tpu.memory_space<hbm>>
      %dma_start3A_449 = arith.constant 0 : i32
      %dma_start3A_450 = tpu.memref_slice %arg3[%mul3A_447, %dma_start3A_449] : memref<1000000x128xf32, #tpu.memory_space<hbm>> -> memref<1000x128xf32, #tpu.memory_space<hbm>>
      tpu.enqueue_dma source(%arg4 : memref<1000x128xf32, #tpu.memory_space<vmem>>) target(%dma_start3A_450 : memref<1000x128xf32, #tpu.memory_space<hbm>>) target_semaphore(%arg5 : memref<!tpu.dma_semaphore, #tpu.memory_space<semaphore_mem>>)
    } else {
    }
    %add3A_61 = arith.constant 288 : i32
    %add3A_62 = arith.addi %add3A, %add3A_61 : i32
    %lt3A_63 = arith.constant 1000 : i32
    %lt3A_64 = arith.cmpi slt, %add3A_62, %lt3A_63 : i32
    %convert_element_type3A_65 = arith.extui %lt3A_64 : i1 to i32
    %cond3A_66 = arith.constant 0 : i32
    %cond3A_67 = arith.cmpi ne, %convert_element_type3A_65, %cond3A_66 : i32
    scf.if %cond3A_67 {
      %mul3A_446 = arith.constant 1000 : i32
      %mul3A_447 = arith.muli %add3A_62, %mul3A_446 : i32
      %dma_start3A = arith.constant 0 : i32
      %dma_start3A_448 = tpu.memref_slice %arg3[%mul3A_447, %dma_start3A] : memref<1000000x128xf32, #tpu.memory_space<hbm>> -> memref<1000x128xf32, #tpu.memory_space<hbm>>
      %dma_start3A_449 = arith.constant 0 : i32
      %dma_start3A_450 = tpu.memref_slice %arg3[%mul3A_447, %dma_start3A_449] : memref<1000000x128xf32, #tpu.memory_space<hbm>> -> memref<1000x128xf32, #tpu.memory_space<hbm>>
      tpu.enqueue_dma source(%arg4 : memref<1000x128xf32, #tpu.memory_space<vmem>>) target(%dma_start3A_450 : memref<1000x128xf32, #tpu.memory_space<hbm>>) target_semaphore(%arg5 : memref<!tpu.dma_semaphore, #tpu.memory_space<semaphore_mem>>)
    } else {
    }
    %add3A_68 = arith.constant 320 : i32
    %add3A_69 = arith.addi %add3A, %add3A_68 : i32
    %lt3A_70 = arith.constant 1000 : i32
    %lt3A_71 = arith.cmpi slt, %add3A_69, %lt3A_70 : i32
    %convert_element_type3A_72 = arith.extui %lt3A_71 : i1 to i32
    %cond3A_73 = arith.constant 0 : i32
    %cond3A_74 = arith.cmpi ne, %convert_element_type3A_72, %cond3A_73 : i32
    scf.if %cond3A_74 {
      %mul3A_446 = arith.constant 1000 : i32
      %mul3A_447 = arith.muli %add3A_69, %mul3A_446 : i32
      %dma_start3A = arith.constant 0 : i32
      %dma_start3A_448 = tpu.memref_slice %arg3[%mul3A_447, %dma_start3A] : memref<1000000x128xf32, #tpu.memory_space<hbm>> -> memref<1000x128xf32, #tpu.memory_space<hbm>>
      %dma_start3A_449 = arith.constant 0 : i32
      %dma_start3A_450 = tpu.memref_slice %arg3[%mul3A_447, %dma_start3A_449] : memref<1000000x128xf32, #tpu.memory_space<hbm>> -> memref<1000x128xf32, #tpu.memory_space<hbm>>
      tpu.enqueue_dma source(%arg4 : memref<1000x128xf32, #tpu.memory_space<vmem>>) target(%dma_start3A_450 : memref<1000x128xf32, #tpu.memory_space<hbm>>) target_semaphore(%arg5 : memref<!tpu.dma_semaphore, #tpu.memory_space<semaphore_mem>>)
    } else {
    }
    %add3A_75 = arith.constant 352 : i32
    %add3A_76 = arith.addi %add3A, %add3A_75 : i32
    %lt3A_77 = arith.constant 1000 : i32
    %lt3A_78 = arith.cmpi slt, %add3A_76, %lt3A_77 : i32
    %convert_element_type3A_79 = arith.extui %lt3A_78 : i1 to i32
    %cond3A_80 = arith.constant 0 : i32
    %cond3A_81 = arith.cmpi ne, %convert_element_type3A_79, %cond3A_80 : i32
    scf.if %cond3A_81 {
      %mul3A_446 = arith.constant 1000 : i32
      %mul3A_447 = arith.muli %add3A_76, %mul3A_446 : i32
      %dma_start3A = arith.constant 0 : i32
      %dma_start3A_448 = tpu.memref_slice %arg3[%mul3A_447, %dma_start3A] : memref<1000000x128xf32, #tpu.memory_space<hbm>> -> memref<1000x128xf32, #tpu.memory_space<hbm>>
      %dma_start3A_449 = arith.constant 0 : i32
      %dma_start3A_450 = tpu.memref_slice %arg3[%mul3A_447, %dma_start3A_449] : memref<1000000x128xf32, #tpu.memory_space<hbm>> -> memref<1000x128xf32, #tpu.memory_space<hbm>>
      tpu.enqueue_dma source(%arg4 : memref<1000x128xf32, #tpu.memory_space<vmem>>) target(%dma_start3A_450 : memref<1000x128xf32, #tpu.memory_space<hbm>>) target_semaphore(%arg5 : memref<!tpu.dma_semaphore, #tpu.memory_space<semaphore_mem>>)
    } else {
    }
    %add3A_82 = arith.constant 384 : i32
    %add3A_83 = arith.addi %add3A, %add3A_82 : i32
    %lt3A_84 = arith.constant 1000 : i32
    %lt3A_85 = arith.cmpi slt, %add3A_83, %lt3A_84 : i32
    %convert_element_type3A_86 = arith.extui %lt3A_85 : i1 to i32
    %cond3A_87 = arith.constant 0 : i32
    %cond3A_88 = arith.cmpi ne, %convert_element_type3A_86, %cond3A_87 : i32
    scf.if %cond3A_88 {
      %mul3A_446 = arith.constant 1000 : i32
      %mul3A_447 = arith.muli %add3A_83, %mul3A_446 : i32
      %dma_start3A = arith.constant 0 : i32
      %dma_start3A_448 = tpu.memref_slice %arg3[%mul3A_447, %dma_start3A] : memref<1000000x128xf32, #tpu.memory_space<hbm>> -> memref<1000x128xf32, #tpu.memory_space<hbm>>
      %dma_start3A_449 = arith.constant 0 : i32
      %dma_start3A_450 = tpu.memref_slice %arg3[%mul3A_447, %dma_start3A_449] : memref<1000000x128xf32, #tpu.memory_space<hbm>> -> memref<1000x128xf32, #tpu.memory_space<hbm>>
      tpu.enqueue_dma source(%arg4 : memref<1000x128xf32, #tpu.memory_space<vmem>>) target(%dma_start3A_450 : memref<1000x128xf32, #tpu.memory_space<hbm>>) target_semaphore(%arg5 : memref<!tpu.dma_semaphore, #tpu.memory_space<semaphore_mem>>)
    } else {
    }
    %add3A_89 = arith.constant 416 : i32
    %add3A_90 = arith.addi %add3A, %add3A_89 : i32
    %lt3A_91 = arith.constant 1000 : i32
    %lt3A_92 = arith.cmpi slt, %add3A_90, %lt3A_91 : i32
    %convert_element_type3A_93 = arith.extui %lt3A_92 : i1 to i32
    %cond3A_94 = arith.constant 0 : i32
    %cond3A_95 = arith.cmpi ne, %convert_element_type3A_93, %cond3A_94 : i32
    scf.if %cond3A_95 {
      %mul3A_446 = arith.constant 1000 : i32
      %mul3A_447 = arith.muli %add3A_90, %mul3A_446 : i32
      %dma_start3A = arith.constant 0 : i32
      %dma_start3A_448 = tpu.memref_slice %arg3[%mul3A_447, %dma_start3A] : memref<1000000x128xf32, #tpu.memory_space<hbm>> -> memref<1000x128xf32, #tpu.memory_space<hbm>>
      %dma_start3A_449 = arith.constant 0 : i32
      %dma_start3A_450 = tpu.memref_slice %arg3[%mul3A_447, %dma_start3A_449] : memref<1000000x128xf32, #tpu.memory_space<hbm>> -> memref<1000x128xf32, #tpu.memory_space<hbm>>
      tpu.enqueue_dma source(%arg4 : memref<1000x128xf32, #tpu.memory_space<vmem>>) target(%dma_start3A_450 : memref<1000x128xf32, #tpu.memory_space<hbm>>) target_semaphore(%arg5 : memref<!tpu.dma_semaphore, #tpu.memory_space<semaphore_mem>>)
    } else {
    }
    %add3A_96 = arith.constant 448 : i32
    %add3A_97 = arith.addi %add3A, %add3A_96 : i32
    %lt3A_98 = arith.constant 1000 : i32
    %lt3A_99 = arith.cmpi slt, %add3A_97, %lt3A_98 : i32
    %convert_element_type3A_100 = arith.extui %lt3A_99 : i1 to i32
    %cond3A_101 = arith.constant 0 : i32
    %cond3A_102 = arith.cmpi ne, %convert_element_type3A_100, %cond3A_101 : i32
    scf.if %cond3A_102 {
      %mul3A_446 = arith.constant 1000 : i32
      %mul3A_447 = arith.muli %add3A_97, %mul3A_446 : i32
      %dma_start3A = arith.constant 0 : i32
      %dma_start3A_448 = tpu.memref_slice %arg3[%mul3A_447, %dma_start3A] : memref<1000000x128xf32, #tpu.memory_space<hbm>> -> memref<1000x128xf32, #tpu.memory_space<hbm>>
      %dma_start3A_449 = arith.constant 0 : i32
      %dma_start3A_450 = tpu.memref_slice %arg3[%mul3A_447, %dma_start3A_449] : memref<1000000x128xf32, #tpu.memory_space<hbm>> -> memref<1000x128xf32, #tpu.memory_space<hbm>>
      tpu.enqueue_dma source(%arg4 : memref<1000x128xf32, #tpu.memory_space<vmem>>) target(%dma_start3A_450 : memref<1000x128xf32, #tpu.memory_space<hbm>>) target_semaphore(%arg5 : memref<!tpu.dma_semaphore, #tpu.memory_space<semaphore_mem>>)
    } else {
    }
    %add3A_103 = arith.constant 480 : i32
    %add3A_104 = arith.addi %add3A, %add3A_103 : i32
    %lt3A_105 = arith.constant 1000 : i32
    %lt3A_106 = arith.cmpi slt, %add3A_104, %lt3A_105 : i32
    %convert_element_type3A_107 = arith.extui %lt3A_106 : i1 to i32
    %cond3A_108 = arith.constant 0 : i32
    %cond3A_109 = arith.cmpi ne, %convert_element_type3A_107, %cond3A_108 : i32
    scf.if %cond3A_109 {
      %mul3A_446 = arith.constant 1000 : i32
      %mul3A_447 = arith.muli %add3A_104, %mul3A_446 : i32
      %dma_start3A = arith.constant 0 : i32
      %dma_start3A_448 = tpu.memref_slice %arg3[%mul3A_447, %dma_start3A] : memref<1000000x128xf32, #tpu.memory_space<hbm>> -> memref<1000x128xf32, #tpu.memory_space<hbm>>
      %dma_start3A_449 = arith.constant 0 : i32
      %dma_start3A_450 = tpu.memref_slice %arg3[%mul3A_447, %dma_start3A_449] : memref<1000000x128xf32, #tpu.memory_space<hbm>> -> memref<1000x128xf32, #tpu.memory_space<hbm>>
      tpu.enqueue_dma source(%arg4 : memref<1000x128xf32, #tpu.memory_space<vmem>>) target(%dma_start3A_450 : memref<1000x128xf32, #tpu.memory_space<hbm>>) target_semaphore(%arg5 : memref<!tpu.dma_semaphore, #tpu.memory_space<semaphore_mem>>)
    } else {
    }
    %add3A_110 = arith.constant 512 : i32
    %add3A_111 = arith.addi %add3A, %add3A_110 : i32
    %lt3A_112 = arith.constant 1000 : i32
    %lt3A_113 = arith.cmpi slt, %add3A_111, %lt3A_112 : i32
    %convert_element_type3A_114 = arith.extui %lt3A_113 : i1 to i32
    %cond3A_115 = arith.constant 0 : i32
    %cond3A_116 = arith.cmpi ne, %convert_element_type3A_114, %cond3A_115 : i32
    scf.if %cond3A_116 {
      %mul3A_446 = arith.constant 1000 : i32
      %mul3A_447 = arith.muli %add3A_111, %mul3A_446 : i32
      %dma_start3A = arith.constant 0 : i32
      %dma_start3A_448 = tpu.memref_slice %arg3[%mul3A_447, %dma_start3A] : memref<1000000x128xf32, #tpu.memory_space<hbm>> -> memref<1000x128xf32, #tpu.memory_space<hbm>>
      %dma_start3A_449 = arith.constant 0 : i32
      %dma_start3A_450 = tpu.memref_slice %arg3[%mul3A_447, %dma_start3A_449] : memref<1000000x128xf32, #tpu.memory_space<hbm>> -> memref<1000x128xf32, #tpu.memory_space<hbm>>
      tpu.enqueue_dma source(%arg4 : memref<1000x128xf32, #tpu.memory_space<vmem>>) target(%dma_start3A_450 : memref<1000x128xf32, #tpu.memory_space<hbm>>) target_semaphore(%arg5 : memref<!tpu.dma_semaphore, #tpu.memory_space<semaphore_mem>>)
    } else {
    }
    %add3A_117 = arith.constant 544 : i32
    %add3A_118 = arith.addi %add3A, %add3A_117 : i32
    %lt3A_119 = arith.constant 1000 : i32
    %lt3A_120 = arith.cmpi slt, %add3A_118, %lt3A_119 : i32
    %convert_element_type3A_121 = arith.extui %lt3A_120 : i1 to i32
    %cond3A_122 = arith.constant 0 : i32
    %cond3A_123 = arith.cmpi ne, %convert_element_type3A_121, %cond3A_122 : i32
    scf.if %cond3A_123 {
      %mul3A_446 = arith.constant 1000 : i32
      %mul3A_447 = arith.muli %add3A_118, %mul3A_446 : i32
      %dma_start3A = arith.constant 0 : i32
      %dma_start3A_448 = tpu.memref_slice %arg3[%mul3A_447, %dma_start3A] : memref<1000000x128xf32, #tpu.memory_space<hbm>> -> memref<1000x128xf32, #tpu.memory_space<hbm>>
      %dma_start3A_449 = arith.constant 0 : i32
      %dma_start3A_450 = tpu.memref_slice %arg3[%mul3A_447, %dma_start3A_449] : memref<1000000x128xf32, #tpu.memory_space<hbm>> -> memref<1000x128xf32, #tpu.memory_space<hbm>>
      tpu.enqueue_dma source(%arg4 : memref<1000x128xf32, #tpu.memory_space<vmem>>) target(%dma_start3A_450 : memref<1000x128xf32, #tpu.memory_space<hbm>>) target_semaphore(%arg5 : memref<!tpu.dma_semaphore, #tpu.memory_space<semaphore_mem>>)
    } else {
    }
    %add3A_124 = arith.constant 576 : i32
    %add3A_125 = arith.addi %add3A, %add3A_124 : i32
    %lt3A_126 = arith.constant 1000 : i32
    %lt3A_127 = arith.cmpi slt, %add3A_125, %lt3A_126 : i32
    %convert_element_type3A_128 = arith.extui %lt3A_127 : i1 to i32
    %cond3A_129 = arith.constant 0 : i32
    %cond3A_130 = arith.cmpi ne, %convert_element_type3A_128, %cond3A_129 : i32
    scf.if %cond3A_130 {
      %mul3A_446 = arith.constant 1000 : i32
      %mul3A_447 = arith.muli %add3A_125, %mul3A_446 : i32
      %dma_start3A = arith.constant 0 : i32
      %dma_start3A_448 = tpu.memref_slice %arg3[%mul3A_447, %dma_start3A] : memref<1000000x128xf32, #tpu.memory_space<hbm>> -> memref<1000x128xf32, #tpu.memory_space<hbm>>
      %dma_start3A_449 = arith.constant 0 : i32
      %dma_start3A_450 = tpu.memref_slice %arg3[%mul3A_447, %dma_start3A_449] : memref<1000000x128xf32, #tpu.memory_space<hbm>> -> memref<1000x128xf32, #tpu.memory_space<hbm>>
      tpu.enqueue_dma source(%arg4 : memref<1000x128xf32, #tpu.memory_space<vmem>>) target(%dma_start3A_450 : memref<1000x128xf32, #tpu.memory_space<hbm>>) target_semaphore(%arg5 : memref<!tpu.dma_semaphore, #tpu.memory_space<semaphore_mem>>)
    } else {
    }
    %add3A_131 = arith.constant 608 : i32
    %add3A_132 = arith.addi %add3A, %add3A_131 : i32
    %lt3A_133 = arith.constant 1000 : i32
    %lt3A_134 = arith.cmpi slt, %add3A_132, %lt3A_133 : i32
    %convert_element_type3A_135 = arith.extui %lt3A_134 : i1 to i32
    %cond3A_136 = arith.constant 0 : i32
    %cond3A_137 = arith.cmpi ne, %convert_element_type3A_135, %cond3A_136 : i32
    scf.if %cond3A_137 {
      %mul3A_446 = arith.constant 1000 : i32
      %mul3A_447 = arith.muli %add3A_132, %mul3A_446 : i32
      %dma_start3A = arith.constant 0 : i32
      %dma_start3A_448 = tpu.memref_slice %arg3[%mul3A_447, %dma_start3A] : memref<1000000x128xf32, #tpu.memory_space<hbm>> -> memref<1000x128xf32, #tpu.memory_space<hbm>>
      %dma_start3A_449 = arith.constant 0 : i32
      %dma_start3A_450 = tpu.memref_slice %arg3[%mul3A_447, %dma_start3A_449] : memref<1000000x128xf32, #tpu.memory_space<hbm>> -> memref<1000x128xf32, #tpu.memory_space<hbm>>
      tpu.enqueue_dma source(%arg4 : memref<1000x128xf32, #tpu.memory_space<vmem>>) target(%dma_start3A_450 : memref<1000x128xf32, #tpu.memory_space<hbm>>) target_semaphore(%arg5 : memref<!tpu.dma_semaphore, #tpu.memory_space<semaphore_mem>>)
    } else {
    }
    %add3A_138 = arith.constant 640 : i32
    %add3A_139 = arith.addi %add3A, %add3A_138 : i32
    %lt3A_140 = arith.constant 1000 : i32
    %lt3A_141 = arith.cmpi slt, %add3A_139, %lt3A_140 : i32
    %convert_element_type3A_142 = arith.extui %lt3A_141 : i1 to i32
    %cond3A_143 = arith.constant 0 : i32
    %cond3A_144 = arith.cmpi ne, %convert_element_type3A_142, %cond3A_143 : i32
    scf.if %cond3A_144 {
      %mul3A_446 = arith.constant 1000 : i32
      %mul3A_447 = arith.muli %add3A_139, %mul3A_446 : i32
      %dma_start3A = arith.constant 0 : i32
      %dma_start3A_448 = tpu.memref_slice %arg3[%mul3A_447, %dma_start3A] : memref<1000000x128xf32, #tpu.memory_space<hbm>> -> memref<1000x128xf32, #tpu.memory_space<hbm>>
      %dma_start3A_449 = arith.constant 0 : i32
      %dma_start3A_450 = tpu.memref_slice %arg3[%mul3A_447, %dma_start3A_449] : memref<1000000x128xf32, #tpu.memory_space<hbm>> -> memref<1000x128xf32, #tpu.memory_space<hbm>>
      tpu.enqueue_dma source(%arg4 : memref<1000x128xf32, #tpu.memory_space<vmem>>) target(%dma_start3A_450 : memref<1000x128xf32, #tpu.memory_space<hbm>>) target_semaphore(%arg5 : memref<!tpu.dma_semaphore, #tpu.memory_space<semaphore_mem>>)
    } else {
    }
    %add3A_145 = arith.constant 672 : i32
    %add3A_146 = arith.addi %add3A, %add3A_145 : i32
    %lt3A_147 = arith.constant 1000 : i32
    %lt3A_148 = arith.cmpi slt, %add3A_146, %lt3A_147 : i32
    %convert_element_type3A_149 = arith.extui %lt3A_148 : i1 to i32
    %cond3A_150 = arith.constant 0 : i32
    %cond3A_151 = arith.cmpi ne, %convert_element_type3A_149, %cond3A_150 : i32
    scf.if %cond3A_151 {
      %mul3A_446 = arith.constant 1000 : i32
      %mul3A_447 = arith.muli %add3A_146, %mul3A_446 : i32
      %dma_start3A = arith.constant 0 : i32
      %dma_start3A_448 = tpu.memref_slice %arg3[%mul3A_447, %dma_start3A] : memref<1000000x128xf32, #tpu.memory_space<hbm>> -> memref<1000x128xf32, #tpu.memory_space<hbm>>
      %dma_start3A_449 = arith.constant 0 : i32
      %dma_start3A_450 = tpu.memref_slice %arg3[%mul3A_447, %dma_start3A_449] : memref<1000000x128xf32, #tpu.memory_space<hbm>> -> memref<1000x128xf32, #tpu.memory_space<hbm>>
      tpu.enqueue_dma source(%arg4 : memref<1000x128xf32, #tpu.memory_space<vmem>>) target(%dma_start3A_450 : memref<1000x128xf32, #tpu.memory_space<hbm>>) target_semaphore(%arg5 : memref<!tpu.dma_semaphore, #tpu.memory_space<semaphore_mem>>)
    } else {
    }
    %add3A_152 = arith.constant 704 : i32
    %add3A_153 = arith.addi %add3A, %add3A_152 : i32
    %lt3A_154 = arith.constant 1000 : i32
    %lt3A_155 = arith.cmpi slt, %add3A_153, %lt3A_154 : i32
    %convert_element_type3A_156 = arith.extui %lt3A_155 : i1 to i32
    %cond3A_157 = arith.constant 0 : i32
    %cond3A_158 = arith.cmpi ne, %convert_element_type3A_156, %cond3A_157 : i32
    scf.if %cond3A_158 {
      %mul3A_446 = arith.constant 1000 : i32
      %mul3A_447 = arith.muli %add3A_153, %mul3A_446 : i32
      %dma_start3A = arith.constant 0 : i32
      %dma_start3A_448 = tpu.memref_slice %arg3[%mul3A_447, %dma_start3A] : memref<1000000x128xf32, #tpu.memory_space<hbm>> -> memref<1000x128xf32, #tpu.memory_space<hbm>>
      %dma_start3A_449 = arith.constant 0 : i32
      %dma_start3A_450 = tpu.memref_slice %arg3[%mul3A_447, %dma_start3A_449] : memref<1000000x128xf32, #tpu.memory_space<hbm>> -> memref<1000x128xf32, #tpu.memory_space<hbm>>
      tpu.enqueue_dma source(%arg4 : memref<1000x128xf32, #tpu.memory_space<vmem>>) target(%dma_start3A_450 : memref<1000x128xf32, #tpu.memory_space<hbm>>) target_semaphore(%arg5 : memref<!tpu.dma_semaphore, #tpu.memory_space<semaphore_mem>>)
    } else {
    }
    %add3A_159 = arith.constant 736 : i32
    %add3A_160 = arith.addi %add3A, %add3A_159 : i32
    %lt3A_161 = arith.constant 1000 : i32
    %lt3A_162 = arith.cmpi slt, %add3A_160, %lt3A_161 : i32
    %convert_element_type3A_163 = arith.extui %lt3A_162 : i1 to i32
    %cond3A_164 = arith.constant 0 : i32
    %cond3A_165 = arith.cmpi ne, %convert_element_type3A_163, %cond3A_164 : i32
    scf.if %cond3A_165 {
      %mul3A_446 = arith.constant 1000 : i32
      %mul3A_447 = arith.muli %add3A_160, %mul3A_446 : i32
      %dma_start3A = arith.constant 0 : i32
      %dma_start3A_448 = tpu.memref_slice %arg3[%mul3A_447, %dma_start3A] : memref<1000000x128xf32, #tpu.memory_space<hbm>> -> memref<1000x128xf32, #tpu.memory_space<hbm>>
      %dma_start3A_449 = arith.constant 0 : i32
      %dma_start3A_450 = tpu.memref_slice %arg3[%mul3A_447, %dma_start3A_449] : memref<1000000x128xf32, #tpu.memory_space<hbm>> -> memref<1000x128xf32, #tpu.memory_space<hbm>>
      tpu.enqueue_dma source(%arg4 : memref<1000x128xf32, #tpu.memory_space<vmem>>) target(%dma_start3A_450 : memref<1000x128xf32, #tpu.memory_space<hbm>>) target_semaphore(%arg5 : memref<!tpu.dma_semaphore, #tpu.memory_space<semaphore_mem>>)
    } else {
    }
    %add3A_166 = arith.constant 768 : i32
    %add3A_167 = arith.addi %add3A, %add3A_166 : i32
    %lt3A_168 = arith.constant 1000 : i32
    %lt3A_169 = arith.cmpi slt, %add3A_167, %lt3A_168 : i32
    %convert_element_type3A_170 = arith.extui %lt3A_169 : i1 to i32
    %cond3A_171 = arith.constant 0 : i32
    %cond3A_172 = arith.cmpi ne, %convert_element_type3A_170, %cond3A_171 : i32
    scf.if %cond3A_172 {
      %mul3A_446 = arith.constant 1000 : i32
      %mul3A_447 = arith.muli %add3A_167, %mul3A_446 : i32
      %dma_start3A = arith.constant 0 : i32
      %dma_start3A_448 = tpu.memref_slice %arg3[%mul3A_447, %dma_start3A] : memref<1000000x128xf32, #tpu.memory_space<hbm>> -> memref<1000x128xf32, #tpu.memory_space<hbm>>
      %dma_start3A_449 = arith.constant 0 : i32
      %dma_start3A_450 = tpu.memref_slice %arg3[%mul3A_447, %dma_start3A_449] : memref<1000000x128xf32, #tpu.memory_space<hbm>> -> memref<1000x128xf32, #tpu.memory_space<hbm>>
      tpu.enqueue_dma source(%arg4 : memref<1000x128xf32, #tpu.memory_space<vmem>>) target(%dma_start3A_450 : memref<1000x128xf32, #tpu.memory_space<hbm>>) target_semaphore(%arg5 : memref<!tpu.dma_semaphore, #tpu.memory_space<semaphore_mem>>)
    } else {
    }
    %add3A_173 = arith.constant 800 : i32
    %add3A_174 = arith.addi %add3A, %add3A_173 : i32
    %lt3A_175 = arith.constant 1000 : i32
    %lt3A_176 = arith.cmpi slt, %add3A_174, %lt3A_175 : i32
    %convert_element_type3A_177 = arith.extui %lt3A_176 : i1 to i32
    %cond3A_178 = arith.constant 0 : i32
    %cond3A_179 = arith.cmpi ne, %convert_element_type3A_177, %cond3A_178 : i32
    scf.if %cond3A_179 {
      %mul3A_446 = arith.constant 1000 : i32
      %mul3A_447 = arith.muli %add3A_174, %mul3A_446 : i32
      %dma_start3A = arith.constant 0 : i32
      %dma_start3A_448 = tpu.memref_slice %arg3[%mul3A_447, %dma_start3A] : memref<1000000x128xf32, #tpu.memory_space<hbm>> -> memref<1000x128xf32, #tpu.memory_space<hbm>>
      %dma_start3A_449 = arith.constant 0 : i32
      %dma_start3A_450 = tpu.memref_slice %arg3[%mul3A_447, %dma_start3A_449] : memref<1000000x128xf32, #tpu.memory_space<hbm>> -> memref<1000x128xf32, #tpu.memory_space<hbm>>
      tpu.enqueue_dma source(%arg4 : memref<1000x128xf32, #tpu.memory_space<vmem>>) target(%dma_start3A_450 : memref<1000x128xf32, #tpu.memory_space<hbm>>) target_semaphore(%arg5 : memref<!tpu.dma_semaphore, #tpu.memory_space<semaphore_mem>>)
    } else {
    }
    %add3A_180 = arith.constant 832 : i32
    %add3A_181 = arith.addi %add3A, %add3A_180 : i32
    %lt3A_182 = arith.constant 1000 : i32
    %lt3A_183 = arith.cmpi slt, %add3A_181, %lt3A_182 : i32
    %convert_element_type3A_184 = arith.extui %lt3A_183 : i1 to i32
    %cond3A_185 = arith.constant 0 : i32
    %cond3A_186 = arith.cmpi ne, %convert_element_type3A_184, %cond3A_185 : i32
    scf.if %cond3A_186 {
      %mul3A_446 = arith.constant 1000 : i32
      %mul3A_447 = arith.muli %add3A_181, %mul3A_446 : i32
      %dma_start3A = arith.constant 0 : i32
      %dma_start3A_448 = tpu.memref_slice %arg3[%mul3A_447, %dma_start3A] : memref<1000000x128xf32, #tpu.memory_space<hbm>> -> memref<1000x128xf32, #tpu.memory_space<hbm>>
      %dma_start3A_449 = arith.constant 0 : i32
      %dma_start3A_450 = tpu.memref_slice %arg3[%mul3A_447, %dma_start3A_449] : memref<1000000x128xf32, #tpu.memory_space<hbm>> -> memref<1000x128xf32, #tpu.memory_space<hbm>>
      tpu.enqueue_dma source(%arg4 : memref<1000x128xf32, #tpu.memory_space<vmem>>) target(%dma_start3A_450 : memref<1000x128xf32, #tpu.memory_space<hbm>>) target_semaphore(%arg5 : memref<!tpu.dma_semaphore, #tpu.memory_space<semaphore_mem>>)
    } else {
    }
    %add3A_187 = arith.constant 864 : i32
    %add3A_188 = arith.addi %add3A, %add3A_187 : i32
    %lt3A_189 = arith.constant 1000 : i32
    %lt3A_190 = arith.cmpi slt, %add3A_188, %lt3A_189 : i32
    %convert_element_type3A_191 = arith.extui %lt3A_190 : i1 to i32
    %cond3A_192 = arith.constant 0 : i32
    %cond3A_193 = arith.cmpi ne, %convert_element_type3A_191, %cond3A_192 : i32
    scf.if %cond3A_193 {
      %mul3A_446 = arith.constant 1000 : i32
      %mul3A_447 = arith.muli %add3A_188, %mul3A_446 : i32
      %dma_start3A = arith.constant 0 : i32
      %dma_start3A_448 = tpu.memref_slice %arg3[%mul3A_447, %dma_start3A] : memref<1000000x128xf32, #tpu.memory_space<hbm>> -> memref<1000x128xf32, #tpu.memory_space<hbm>>
      %dma_start3A_449 = arith.constant 0 : i32
      %dma_start3A_450 = tpu.memref_slice %arg3[%mul3A_447, %dma_start3A_449] : memref<1000000x128xf32, #tpu.memory_space<hbm>> -> memref<1000x128xf32, #tpu.memory_space<hbm>>
      tpu.enqueue_dma source(%arg4 : memref<1000x128xf32, #tpu.memory_space<vmem>>) target(%dma_start3A_450 : memref<1000x128xf32, #tpu.memory_space<hbm>>) target_semaphore(%arg5 : memref<!tpu.dma_semaphore, #tpu.memory_space<semaphore_mem>>)
    } else {
    }
    %add3A_194 = arith.constant 896 : i32
    %add3A_195 = arith.addi %add3A, %add3A_194 : i32
    %lt3A_196 = arith.constant 1000 : i32
    %lt3A_197 = arith.cmpi slt, %add3A_195, %lt3A_196 : i32
    %convert_element_type3A_198 = arith.extui %lt3A_197 : i1 to i32
    %cond3A_199 = arith.constant 0 : i32
    %cond3A_200 = arith.cmpi ne, %convert_element_type3A_198, %cond3A_199 : i32
    scf.if %cond3A_200 {
      %mul3A_446 = arith.constant 1000 : i32
      %mul3A_447 = arith.muli %add3A_195, %mul3A_446 : i32
      %dma_start3A = arith.constant 0 : i32
      %dma_start3A_448 = tpu.memref_slice %arg3[%mul3A_447, %dma_start3A] : memref<1000000x128xf32, #tpu.memory_space<hbm>> -> memref<1000x128xf32, #tpu.memory_space<hbm>>
      %dma_start3A_449 = arith.constant 0 : i32
      %dma_start3A_450 = tpu.memref_slice %arg3[%mul3A_447, %dma_start3A_449] : memref<1000000x128xf32, #tpu.memory_space<hbm>> -> memref<1000x128xf32, #tpu.memory_space<hbm>>
      tpu.enqueue_dma source(%arg4 : memref<1000x128xf32, #tpu.memory_space<vmem>>) target(%dma_start3A_450 : memref<1000x128xf32, #tpu.memory_space<hbm>>) target_semaphore(%arg5 : memref<!tpu.dma_semaphore, #tpu.memory_space<semaphore_mem>>)
    } else {
    }
    %add3A_201 = arith.constant 928 : i32
    %add3A_202 = arith.addi %add3A, %add3A_201 : i32
    %lt3A_203 = arith.constant 1000 : i32
    %lt3A_204 = arith.cmpi slt, %add3A_202, %lt3A_203 : i32
    %convert_element_type3A_205 = arith.extui %lt3A_204 : i1 to i32
    %cond3A_206 = arith.constant 0 : i32
    %cond3A_207 = arith.cmpi ne, %convert_element_type3A_205, %cond3A_206 : i32
    scf.if %cond3A_207 {
      %mul3A_446 = arith.constant 1000 : i32
      %mul3A_447 = arith.muli %add3A_202, %mul3A_446 : i32
      %dma_start3A = arith.constant 0 : i32
      %dma_start3A_448 = tpu.memref_slice %arg3[%mul3A_447, %dma_start3A] : memref<1000000x128xf32, #tpu.memory_space<hbm>> -> memref<1000x128xf32, #tpu.memory_space<hbm>>
      %dma_start3A_449 = arith.constant 0 : i32
      %dma_start3A_450 = tpu.memref_slice %arg3[%mul3A_447, %dma_start3A_449] : memref<1000000x128xf32, #tpu.memory_space<hbm>> -> memref<1000x128xf32, #tpu.memory_space<hbm>>
      tpu.enqueue_dma source(%arg4 : memref<1000x128xf32, #tpu.memory_space<vmem>>) target(%dma_start3A_450 : memref<1000x128xf32, #tpu.memory_space<hbm>>) target_semaphore(%arg5 : memref<!tpu.dma_semaphore, #tpu.memory_space<semaphore_mem>>)
    } else {
    }
    %add3A_208 = arith.constant 960 : i32
    %add3A_209 = arith.addi %add3A, %add3A_208 : i32
    %lt3A_210 = arith.constant 1000 : i32
    %lt3A_211 = arith.cmpi slt, %add3A_209, %lt3A_210 : i32
    %convert_element_type3A_212 = arith.extui %lt3A_211 : i1 to i32
    %cond3A_213 = arith.constant 0 : i32
    %cond3A_214 = arith.cmpi ne, %convert_element_type3A_212, %cond3A_213 : i32
    scf.if %cond3A_214 {
      %mul3A_446 = arith.constant 1000 : i32
      %mul3A_447 = arith.muli %add3A_209, %mul3A_446 : i32
      %dma_start3A = arith.constant 0 : i32
      %dma_start3A_448 = tpu.memref_slice %arg3[%mul3A_447, %dma_start3A] : memref<1000000x128xf32, #tpu.memory_space<hbm>> -> memref<1000x128xf32, #tpu.memory_space<hbm>>
      %dma_start3A_449 = arith.constant 0 : i32
      %dma_start3A_450 = tpu.memref_slice %arg3[%mul3A_447, %dma_start3A_449] : memref<1000000x128xf32, #tpu.memory_space<hbm>> -> memref<1000x128xf32, #tpu.memory_space<hbm>>
      tpu.enqueue_dma source(%arg4 : memref<1000x128xf32, #tpu.memory_space<vmem>>) target(%dma_start3A_450 : memref<1000x128xf32, #tpu.memory_space<hbm>>) target_semaphore(%arg5 : memref<!tpu.dma_semaphore, #tpu.memory_space<semaphore_mem>>)
    } else {
    }
    %add3A_215 = arith.constant 992 : i32
    %add3A_216 = arith.addi %add3A, %add3A_215 : i32
    %lt3A_217 = arith.constant 1000 : i32
    %lt3A_218 = arith.cmpi slt, %add3A_216, %lt3A_217 : i32
    %convert_element_type3A_219 = arith.extui %lt3A_218 : i1 to i32
    %cond3A_220 = arith.constant 0 : i32
    %cond3A_221 = arith.cmpi ne, %convert_element_type3A_219, %cond3A_220 : i32
    scf.if %cond3A_221 {
      %mul3A_446 = arith.constant 1000 : i32
      %mul3A_447 = arith.muli %add3A_216, %mul3A_446 : i32
      %dma_start3A = arith.constant 0 : i32
      %dma_start3A_448 = tpu.memref_slice %arg3[%mul3A_447, %dma_start3A] : memref<1000000x128xf32, #tpu.memory_space<hbm>> -> memref<1000x128xf32, #tpu.memory_space<hbm>>
      %dma_start3A_449 = arith.constant 0 : i32
      %dma_start3A_450 = tpu.memref_slice %arg3[%mul3A_447, %dma_start3A_449] : memref<1000000x128xf32, #tpu.memory_space<hbm>> -> memref<1000x128xf32, #tpu.memory_space<hbm>>
      tpu.enqueue_dma source(%arg4 : memref<1000x128xf32, #tpu.memory_space<vmem>>) target(%dma_start3A_450 : memref<1000x128xf32, #tpu.memory_space<hbm>>) target_semaphore(%arg5 : memref<!tpu.dma_semaphore, #tpu.memory_space<semaphore_mem>>)
    } else {
    }
    %add3A_222 = arith.constant 0 : i32
    %add3A_223 = arith.addi %add3A, %add3A_222 : i32
    %lt3A_224 = arith.constant 1000 : i32
    %lt3A_225 = arith.cmpi slt, %add3A_223, %lt3A_224 : i32
    %convert_element_type3A_226 = arith.extui %lt3A_225 : i1 to i32
    %cond3A_227 = arith.constant 0 : i32
    %cond3A_228 = arith.cmpi ne, %convert_element_type3A_226, %cond3A_227 : i32
    scf.if %cond3A_228 {
      %dma_wait3A = arith.constant 0 : i32
      %dma_wait3A_446 = arith.constant 0 : i32
      %dma_wait3A_447 = tpu.memref_slice %arg3[%dma_wait3A, %dma_wait3A_446] : memref<1000000x128xf32, #tpu.memory_space<hbm>> -> memref<1000x128xf32, #tpu.memory_space<hbm>>
      %dma_wait3A_448 = arith.constant 0 : i32
      %dma_wait3A_449 = arith.constant 0 : i32
      %dma_wait3A_450 = tpu.memref_slice %arg3[%dma_wait3A_448, %dma_wait3A_449] : memref<1000000x128xf32, #tpu.memory_space<hbm>> -> memref<1000x128xf32, #tpu.memory_space<hbm>>
      tpu.wait_dma2 semaphore(%arg5 : memref<!tpu.dma_semaphore, #tpu.memory_space<semaphore_mem>>) src(%arg4 : memref<1000x128xf32, #tpu.memory_space<vmem>>) dst(%dma_wait3A_450 : memref<1000x128xf32, #tpu.memory_space<hbm>>)
    } else {
    }
    %add3A_229 = arith.constant 32 : i32
    %add3A_230 = arith.addi %add3A, %add3A_229 : i32
    %lt3A_231 = arith.constant 1000 : i32
    %lt3A_232 = arith.cmpi slt, %add3A_230, %lt3A_231 : i32
    %convert_element_type3A_233 = arith.extui %lt3A_232 : i1 to i32
    %cond3A_234 = arith.constant 0 : i32
    %cond3A_235 = arith.cmpi ne, %convert_element_type3A_233, %cond3A_234 : i32
    scf.if %cond3A_235 {
      %dma_wait3A = arith.constant 0 : i32
      %dma_wait3A_446 = arith.constant 0 : i32
      %dma_wait3A_447 = tpu.memref_slice %arg3[%dma_wait3A, %dma_wait3A_446] : memref<1000000x128xf32, #tpu.memory_space<hbm>> -> memref<1000x128xf32, #tpu.memory_space<hbm>>
      %dma_wait3A_448 = arith.constant 0 : i32
      %dma_wait3A_449 = arith.constant 0 : i32
      %dma_wait3A_450 = tpu.memref_slice %arg3[%dma_wait3A_448, %dma_wait3A_449] : memref<1000000x128xf32, #tpu.memory_space<hbm>> -> memref<1000x128xf32, #tpu.memory_space<hbm>>
      tpu.wait_dma2 semaphore(%arg5 : memref<!tpu.dma_semaphore, #tpu.memory_space<semaphore_mem>>) src(%arg4 : memref<1000x128xf32, #tpu.memory_space<vmem>>) dst(%dma_wait3A_450 : memref<1000x128xf32, #tpu.memory_space<hbm>>)
    } else {
    }
    %add3A_236 = arith.constant 64 : i32
    %add3A_237 = arith.addi %add3A, %add3A_236 : i32
    %lt3A_238 = arith.constant 1000 : i32
    %lt3A_239 = arith.cmpi slt, %add3A_237, %lt3A_238 : i32
    %convert_element_type3A_240 = arith.extui %lt3A_239 : i1 to i32
    %cond3A_241 = arith.constant 0 : i32
    %cond3A_242 = arith.cmpi ne, %convert_element_type3A_240, %cond3A_241 : i32
    scf.if %cond3A_242 {
      %dma_wait3A = arith.constant 0 : i32
      %dma_wait3A_446 = arith.constant 0 : i32
      %dma_wait3A_447 = tpu.memref_slice %arg3[%dma_wait3A, %dma_wait3A_446] : memref<1000000x128xf32, #tpu.memory_space<hbm>> -> memref<1000x128xf32, #tpu.memory_space<hbm>>
      %dma_wait3A_448 = arith.constant 0 : i32
      %dma_wait3A_449 = arith.constant 0 : i32
      %dma_wait3A_450 = tpu.memref_slice %arg3[%dma_wait3A_448, %dma_wait3A_449] : memref<1000000x128xf32, #tpu.memory_space<hbm>> -> memref<1000x128xf32, #tpu.memory_space<hbm>>
      tpu.wait_dma2 semaphore(%arg5 : memref<!tpu.dma_semaphore, #tpu.memory_space<semaphore_mem>>) src(%arg4 : memref<1000x128xf32, #tpu.memory_space<vmem>>) dst(%dma_wait3A_450 : memref<1000x128xf32, #tpu.memory_space<hbm>>)
    } else {
    }
    %add3A_243 = arith.constant 96 : i32
    %add3A_244 = arith.addi %add3A, %add3A_243 : i32
    %lt3A_245 = arith.constant 1000 : i32
    %lt3A_246 = arith.cmpi slt, %add3A_244, %lt3A_245 : i32
    %convert_element_type3A_247 = arith.extui %lt3A_246 : i1 to i32
    %cond3A_248 = arith.constant 0 : i32
    %cond3A_249 = arith.cmpi ne, %convert_element_type3A_247, %cond3A_248 : i32
    scf.if %cond3A_249 {
      %dma_wait3A = arith.constant 0 : i32
      %dma_wait3A_446 = arith.constant 0 : i32
      %dma_wait3A_447 = tpu.memref_slice %arg3[%dma_wait3A, %dma_wait3A_446] : memref<1000000x128xf32, #tpu.memory_space<hbm>> -> memref<1000x128xf32, #tpu.memory_space<hbm>>
      %dma_wait3A_448 = arith.constant 0 : i32
      %dma_wait3A_449 = arith.constant 0 : i32
      %dma_wait3A_450 = tpu.memref_slice %arg3[%dma_wait3A_448, %dma_wait3A_449] : memref<1000000x128xf32, #tpu.memory_space<hbm>> -> memref<1000x128xf32, #tpu.memory_space<hbm>>
      tpu.wait_dma2 semaphore(%arg5 : memref<!tpu.dma_semaphore, #tpu.memory_space<semaphore_mem>>) src(%arg4 : memref<1000x128xf32, #tpu.memory_space<vmem>>) dst(%dma_wait3A_450 : memref<1000x128xf32, #tpu.memory_space<hbm>>)
    } else {
    }
    %add3A_250 = arith.constant 128 : i32
    %add3A_251 = arith.addi %add3A, %add3A_250 : i32
    %lt3A_252 = arith.constant 1000 : i32
    %lt3A_253 = arith.cmpi slt, %add3A_251, %lt3A_252 : i32
    %convert_element_type3A_254 = arith.extui %lt3A_253 : i1 to i32
    %cond3A_255 = arith.constant 0 : i32
    %cond3A_256 = arith.cmpi ne, %convert_element_type3A_254, %cond3A_255 : i32
    scf.if %cond3A_256 {
      %dma_wait3A = arith.constant 0 : i32
      %dma_wait3A_446 = arith.constant 0 : i32
      %dma_wait3A_447 = tpu.memref_slice %arg3[%dma_wait3A, %dma_wait3A_446] : memref<1000000x128xf32, #tpu.memory_space<hbm>> -> memref<1000x128xf32, #tpu.memory_space<hbm>>
      %dma_wait3A_448 = arith.constant 0 : i32
      %dma_wait3A_449 = arith.constant 0 : i32
      %dma_wait3A_450 = tpu.memref_slice %arg3[%dma_wait3A_448, %dma_wait3A_449] : memref<1000000x128xf32, #tpu.memory_space<hbm>> -> memref<1000x128xf32, #tpu.memory_space<hbm>>
      tpu.wait_dma2 semaphore(%arg5 : memref<!tpu.dma_semaphore, #tpu.memory_space<semaphore_mem>>) src(%arg4 : memref<1000x128xf32, #tpu.memory_space<vmem>>) dst(%dma_wait3A_450 : memref<1000x128xf32, #tpu.memory_space<hbm>>)
    } else {
    }
    %add3A_257 = arith.constant 160 : i32
    %add3A_258 = arith.addi %add3A, %add3A_257 : i32
    %lt3A_259 = arith.constant 1000 : i32
    %lt3A_260 = arith.cmpi slt, %add3A_258, %lt3A_259 : i32
    %convert_element_type3A_261 = arith.extui %lt3A_260 : i1 to i32
    %cond3A_262 = arith.constant 0 : i32
    %cond3A_263 = arith.cmpi ne, %convert_element_type3A_261, %cond3A_262 : i32
    scf.if %cond3A_263 {
      %dma_wait3A = arith.constant 0 : i32
      %dma_wait3A_446 = arith.constant 0 : i32
      %dma_wait3A_447 = tpu.memref_slice %arg3[%dma_wait3A, %dma_wait3A_446] : memref<1000000x128xf32, #tpu.memory_space<hbm>> -> memref<1000x128xf32, #tpu.memory_space<hbm>>
      %dma_wait3A_448 = arith.constant 0 : i32
      %dma_wait3A_449 = arith.constant 0 : i32
      %dma_wait3A_450 = tpu.memref_slice %arg3[%dma_wait3A_448, %dma_wait3A_449] : memref<1000000x128xf32, #tpu.memory_space<hbm>> -> memref<1000x128xf32, #tpu.memory_space<hbm>>
      tpu.wait_dma2 semaphore(%arg5 : memref<!tpu.dma_semaphore, #tpu.memory_space<semaphore_mem>>) src(%arg4 : memref<1000x128xf32, #tpu.memory_space<vmem>>) dst(%dma_wait3A_450 : memref<1000x128xf32, #tpu.memory_space<hbm>>)
    } else {
    }
    %add3A_264 = arith.constant 192 : i32
    %add3A_265 = arith.addi %add3A, %add3A_264 : i32
    %lt3A_266 = arith.constant 1000 : i32
    %lt3A_267 = arith.cmpi slt, %add3A_265, %lt3A_266 : i32
    %convert_element_type3A_268 = arith.extui %lt3A_267 : i1 to i32
    %cond3A_269 = arith.constant 0 : i32
    %cond3A_270 = arith.cmpi ne, %convert_element_type3A_268, %cond3A_269 : i32
    scf.if %cond3A_270 {
      %dma_wait3A = arith.constant 0 : i32
      %dma_wait3A_446 = arith.constant 0 : i32
      %dma_wait3A_447 = tpu.memref_slice %arg3[%dma_wait3A, %dma_wait3A_446] : memref<1000000x128xf32, #tpu.memory_space<hbm>> -> memref<1000x128xf32, #tpu.memory_space<hbm>>
      %dma_wait3A_448 = arith.constant 0 : i32
      %dma_wait3A_449 = arith.constant 0 : i32
      %dma_wait3A_450 = tpu.memref_slice %arg3[%dma_wait3A_448, %dma_wait3A_449] : memref<1000000x128xf32, #tpu.memory_space<hbm>> -> memref<1000x128xf32, #tpu.memory_space<hbm>>
      tpu.wait_dma2 semaphore(%arg5 : memref<!tpu.dma_semaphore, #tpu.memory_space<semaphore_mem>>) src(%arg4 : memref<1000x128xf32, #tpu.memory_space<vmem>>) dst(%dma_wait3A_450 : memref<1000x128xf32, #tpu.memory_space<hbm>>)
    } else {
    }
    %add3A_271 = arith.constant 224 : i32
    %add3A_272 = arith.addi %add3A, %add3A_271 : i32
    %lt3A_273 = arith.constant 1000 : i32
    %lt3A_274 = arith.cmpi slt, %add3A_272, %lt3A_273 : i32
    %convert_element_type3A_275 = arith.extui %lt3A_274 : i1 to i32
    %cond3A_276 = arith.constant 0 : i32
    %cond3A_277 = arith.cmpi ne, %convert_element_type3A_275, %cond3A_276 : i32
    scf.if %cond3A_277 {
      %dma_wait3A = arith.constant 0 : i32
      %dma_wait3A_446 = arith.constant 0 : i32
      %dma_wait3A_447 = tpu.memref_slice %arg3[%dma_wait3A, %dma_wait3A_446] : memref<1000000x128xf32, #tpu.memory_space<hbm>> -> memref<1000x128xf32, #tpu.memory_space<hbm>>
      %dma_wait3A_448 = arith.constant 0 : i32
      %dma_wait3A_449 = arith.constant 0 : i32
      %dma_wait3A_450 = tpu.memref_slice %arg3[%dma_wait3A_448, %dma_wait3A_449] : memref<1000000x128xf32, #tpu.memory_space<hbm>> -> memref<1000x128xf32, #tpu.memory_space<hbm>>
      tpu.wait_dma2 semaphore(%arg5 : memref<!tpu.dma_semaphore, #tpu.memory_space<semaphore_mem>>) src(%arg4 : memref<1000x128xf32, #tpu.memory_space<vmem>>) dst(%dma_wait3A_450 : memref<1000x128xf32, #tpu.memory_space<hbm>>)
    } else {
    }
    %add3A_278 = arith.constant 256 : i32
    %add3A_279 = arith.addi %add3A, %add3A_278 : i32
    %lt3A_280 = arith.constant 1000 : i32
    %lt3A_281 = arith.cmpi slt, %add3A_279, %lt3A_280 : i32
    %convert_element_type3A_282 = arith.extui %lt3A_281 : i1 to i32
    %cond3A_283 = arith.constant 0 : i32
    %cond3A_284 = arith.cmpi ne, %convert_element_type3A_282, %cond3A_283 : i32
    scf.if %cond3A_284 {
      %dma_wait3A = arith.constant 0 : i32
      %dma_wait3A_446 = arith.constant 0 : i32
      %dma_wait3A_447 = tpu.memref_slice %arg3[%dma_wait3A, %dma_wait3A_446] : memref<1000000x128xf32, #tpu.memory_space<hbm>> -> memref<1000x128xf32, #tpu.memory_space<hbm>>
      %dma_wait3A_448 = arith.constant 0 : i32
      %dma_wait3A_449 = arith.constant 0 : i32
      %dma_wait3A_450 = tpu.memref_slice %arg3[%dma_wait3A_448, %dma_wait3A_449] : memref<1000000x128xf32, #tpu.memory_space<hbm>> -> memref<1000x128xf32, #tpu.memory_space<hbm>>
      tpu.wait_dma2 semaphore(%arg5 : memref<!tpu.dma_semaphore, #tpu.memory_space<semaphore_mem>>) src(%arg4 : memref<1000x128xf32, #tpu.memory_space<vmem>>) dst(%dma_wait3A_450 : memref<1000x128xf32, #tpu.memory_space<hbm>>)
    } else {
    }
    %add3A_285 = arith.constant 288 : i32
    %add3A_286 = arith.addi %add3A, %add3A_285 : i32
    %lt3A_287 = arith.constant 1000 : i32
    %lt3A_288 = arith.cmpi slt, %add3A_286, %lt3A_287 : i32
    %convert_element_type3A_289 = arith.extui %lt3A_288 : i1 to i32
    %cond3A_290 = arith.constant 0 : i32
    %cond3A_291 = arith.cmpi ne, %convert_element_type3A_289, %cond3A_290 : i32
    scf.if %cond3A_291 {
      %dma_wait3A = arith.constant 0 : i32
      %dma_wait3A_446 = arith.constant 0 : i32
      %dma_wait3A_447 = tpu.memref_slice %arg3[%dma_wait3A, %dma_wait3A_446] : memref<1000000x128xf32, #tpu.memory_space<hbm>> -> memref<1000x128xf32, #tpu.memory_space<hbm>>
      %dma_wait3A_448 = arith.constant 0 : i32
      %dma_wait3A_449 = arith.constant 0 : i32
      %dma_wait3A_450 = tpu.memref_slice %arg3[%dma_wait3A_448, %dma_wait3A_449] : memref<1000000x128xf32, #tpu.memory_space<hbm>> -> memref<1000x128xf32, #tpu.memory_space<hbm>>
      tpu.wait_dma2 semaphore(%arg5 : memref<!tpu.dma_semaphore, #tpu.memory_space<semaphore_mem>>) src(%arg4 : memref<1000x128xf32, #tpu.memory_space<vmem>>) dst(%dma_wait3A_450 : memref<1000x128xf32, #tpu.memory_space<hbm>>)
    } else {
    }
    %add3A_292 = arith.constant 320 : i32
    %add3A_293 = arith.addi %add3A, %add3A_292 : i32
    %lt3A_294 = arith.constant 1000 : i32
    %lt3A_295 = arith.cmpi slt, %add3A_293, %lt3A_294 : i32
    %convert_element_type3A_296 = arith.extui %lt3A_295 : i1 to i32
    %cond3A_297 = arith.constant 0 : i32
    %cond3A_298 = arith.cmpi ne, %convert_element_type3A_296, %cond3A_297 : i32
    scf.if %cond3A_298 {
      %dma_wait3A = arith.constant 0 : i32
      %dma_wait3A_446 = arith.constant 0 : i32
      %dma_wait3A_447 = tpu.memref_slice %arg3[%dma_wait3A, %dma_wait3A_446] : memref<1000000x128xf32, #tpu.memory_space<hbm>> -> memref<1000x128xf32, #tpu.memory_space<hbm>>
      %dma_wait3A_448 = arith.constant 0 : i32
      %dma_wait3A_449 = arith.constant 0 : i32
      %dma_wait3A_450 = tpu.memref_slice %arg3[%dma_wait3A_448, %dma_wait3A_449] : memref<1000000x128xf32, #tpu.memory_space<hbm>> -> memref<1000x128xf32, #tpu.memory_space<hbm>>
      tpu.wait_dma2 semaphore(%arg5 : memref<!tpu.dma_semaphore, #tpu.memory_space<semaphore_mem>>) src(%arg4 : memref<1000x128xf32, #tpu.memory_space<vmem>>) dst(%dma_wait3A_450 : memref<1000x128xf32, #tpu.memory_space<hbm>>)
    } else {
    }
    %add3A_299 = arith.constant 352 : i32
    %add3A_300 = arith.addi %add3A, %add3A_299 : i32
    %lt3A_301 = arith.constant 1000 : i32
    %lt3A_302 = arith.cmpi slt, %add3A_300, %lt3A_301 : i32
    %convert_element_type3A_303 = arith.extui %lt3A_302 : i1 to i32
    %cond3A_304 = arith.constant 0 : i32
    %cond3A_305 = arith.cmpi ne, %convert_element_type3A_303, %cond3A_304 : i32
    scf.if %cond3A_305 {
      %dma_wait3A = arith.constant 0 : i32
      %dma_wait3A_446 = arith.constant 0 : i32
      %dma_wait3A_447 = tpu.memref_slice %arg3[%dma_wait3A, %dma_wait3A_446] : memref<1000000x128xf32, #tpu.memory_space<hbm>> -> memref<1000x128xf32, #tpu.memory_space<hbm>>
      %dma_wait3A_448 = arith.constant 0 : i32
      %dma_wait3A_449 = arith.constant 0 : i32
      %dma_wait3A_450 = tpu.memref_slice %arg3[%dma_wait3A_448, %dma_wait3A_449] : memref<1000000x128xf32, #tpu.memory_space<hbm>> -> memref<1000x128xf32, #tpu.memory_space<hbm>>
      tpu.wait_dma2 semaphore(%arg5 : memref<!tpu.dma_semaphore, #tpu.memory_space<semaphore_mem>>) src(%arg4 : memref<1000x128xf32, #tpu.memory_space<vmem>>) dst(%dma_wait3A_450 : memref<1000x128xf32, #tpu.memory_space<hbm>>)
    } else {
    }
    %add3A_306 = arith.constant 384 : i32
    %add3A_307 = arith.addi %add3A, %add3A_306 : i32
    %lt3A_308 = arith.constant 1000 : i32
    %lt3A_309 = arith.cmpi slt, %add3A_307, %lt3A_308 : i32
    %convert_element_type3A_310 = arith.extui %lt3A_309 : i1 to i32
    %cond3A_311 = arith.constant 0 : i32
    %cond3A_312 = arith.cmpi ne, %convert_element_type3A_310, %cond3A_311 : i32
    scf.if %cond3A_312 {
      %dma_wait3A = arith.constant 0 : i32
      %dma_wait3A_446 = arith.constant 0 : i32
      %dma_wait3A_447 = tpu.memref_slice %arg3[%dma_wait3A, %dma_wait3A_446] : memref<1000000x128xf32, #tpu.memory_space<hbm>> -> memref<1000x128xf32, #tpu.memory_space<hbm>>
      %dma_wait3A_448 = arith.constant 0 : i32
      %dma_wait3A_449 = arith.constant 0 : i32
      %dma_wait3A_450 = tpu.memref_slice %arg3[%dma_wait3A_448, %dma_wait3A_449] : memref<1000000x128xf32, #tpu.memory_space<hbm>> -> memref<1000x128xf32, #tpu.memory_space<hbm>>
      tpu.wait_dma2 semaphore(%arg5 : memref<!tpu.dma_semaphore, #tpu.memory_space<semaphore_mem>>) src(%arg4 : memref<1000x128xf32, #tpu.memory_space<vmem>>) dst(%dma_wait3A_450 : memref<1000x128xf32, #tpu.memory_space<hbm>>)
    } else {
    }
    %add3A_313 = arith.constant 416 : i32
    %add3A_314 = arith.addi %add3A, %add3A_313 : i32
    %lt3A_315 = arith.constant 1000 : i32
    %lt3A_316 = arith.cmpi slt, %add3A_314, %lt3A_315 : i32
    %convert_element_type3A_317 = arith.extui %lt3A_316 : i1 to i32
    %cond3A_318 = arith.constant 0 : i32
    %cond3A_319 = arith.cmpi ne, %convert_element_type3A_317, %cond3A_318 : i32
    scf.if %cond3A_319 {
      %dma_wait3A = arith.constant 0 : i32
      %dma_wait3A_446 = arith.constant 0 : i32
      %dma_wait3A_447 = tpu.memref_slice %arg3[%dma_wait3A, %dma_wait3A_446] : memref<1000000x128xf32, #tpu.memory_space<hbm>> -> memref<1000x128xf32, #tpu.memory_space<hbm>>
      %dma_wait3A_448 = arith.constant 0 : i32
      %dma_wait3A_449 = arith.constant 0 : i32
      %dma_wait3A_450 = tpu.memref_slice %arg3[%dma_wait3A_448, %dma_wait3A_449] : memref<1000000x128xf32, #tpu.memory_space<hbm>> -> memref<1000x128xf32, #tpu.memory_space<hbm>>
      tpu.wait_dma2 semaphore(%arg5 : memref<!tpu.dma_semaphore, #tpu.memory_space<semaphore_mem>>) src(%arg4 : memref<1000x128xf32, #tpu.memory_space<vmem>>) dst(%dma_wait3A_450 : memref<1000x128xf32, #tpu.memory_space<hbm>>)
    } else {
    }
    %add3A_320 = arith.constant 448 : i32
    %add3A_321 = arith.addi %add3A, %add3A_320 : i32
    %lt3A_322 = arith.constant 1000 : i32
    %lt3A_323 = arith.cmpi slt, %add3A_321, %lt3A_322 : i32
    %convert_element_type3A_324 = arith.extui %lt3A_323 : i1 to i32
    %cond3A_325 = arith.constant 0 : i32
    %cond3A_326 = arith.cmpi ne, %convert_element_type3A_324, %cond3A_325 : i32
    scf.if %cond3A_326 {
      %dma_wait3A = arith.constant 0 : i32
      %dma_wait3A_446 = arith.constant 0 : i32
      %dma_wait3A_447 = tpu.memref_slice %arg3[%dma_wait3A, %dma_wait3A_446] : memref<1000000x128xf32, #tpu.memory_space<hbm>> -> memref<1000x128xf32, #tpu.memory_space<hbm>>
      %dma_wait3A_448 = arith.constant 0 : i32
      %dma_wait3A_449 = arith.constant 0 : i32
      %dma_wait3A_450 = tpu.memref_slice %arg3[%dma_wait3A_448, %dma_wait3A_449] : memref<1000000x128xf32, #tpu.memory_space<hbm>> -> memref<1000x128xf32, #tpu.memory_space<hbm>>
      tpu.wait_dma2 semaphore(%arg5 : memref<!tpu.dma_semaphore, #tpu.memory_space<semaphore_mem>>) src(%arg4 : memref<1000x128xf32, #tpu.memory_space<vmem>>) dst(%dma_wait3A_450 : memref<1000x128xf32, #tpu.memory_space<hbm>>)
    } else {
    }
    %add3A_327 = arith.constant 480 : i32
    %add3A_328 = arith.addi %add3A, %add3A_327 : i32
    %lt3A_329 = arith.constant 1000 : i32
    %lt3A_330 = arith.cmpi slt, %add3A_328, %lt3A_329 : i32
    %convert_element_type3A_331 = arith.extui %lt3A_330 : i1 to i32
    %cond3A_332 = arith.constant 0 : i32
    %cond3A_333 = arith.cmpi ne, %convert_element_type3A_331, %cond3A_332 : i32
    scf.if %cond3A_333 {
      %dma_wait3A = arith.constant 0 : i32
      %dma_wait3A_446 = arith.constant 0 : i32
      %dma_wait3A_447 = tpu.memref_slice %arg3[%dma_wait3A, %dma_wait3A_446] : memref<1000000x128xf32, #tpu.memory_space<hbm>> -> memref<1000x128xf32, #tpu.memory_space<hbm>>
      %dma_wait3A_448 = arith.constant 0 : i32
      %dma_wait3A_449 = arith.constant 0 : i32
      %dma_wait3A_450 = tpu.memref_slice %arg3[%dma_wait3A_448, %dma_wait3A_449] : memref<1000000x128xf32, #tpu.memory_space<hbm>> -> memref<1000x128xf32, #tpu.memory_space<hbm>>
      tpu.wait_dma2 semaphore(%arg5 : memref<!tpu.dma_semaphore, #tpu.memory_space<semaphore_mem>>) src(%arg4 : memref<1000x128xf32, #tpu.memory_space<vmem>>) dst(%dma_wait3A_450 : memref<1000x128xf32, #tpu.memory_space<hbm>>)
    } else {
    }
    %add3A_334 = arith.constant 512 : i32
    %add3A_335 = arith.addi %add3A, %add3A_334 : i32
    %lt3A_336 = arith.constant 1000 : i32
    %lt3A_337 = arith.cmpi slt, %add3A_335, %lt3A_336 : i32
    %convert_element_type3A_338 = arith.extui %lt3A_337 : i1 to i32
    %cond3A_339 = arith.constant 0 : i32
    %cond3A_340 = arith.cmpi ne, %convert_element_type3A_338, %cond3A_339 : i32
    scf.if %cond3A_340 {
      %dma_wait3A = arith.constant 0 : i32
      %dma_wait3A_446 = arith.constant 0 : i32
      %dma_wait3A_447 = tpu.memref_slice %arg3[%dma_wait3A, %dma_wait3A_446] : memref<1000000x128xf32, #tpu.memory_space<hbm>> -> memref<1000x128xf32, #tpu.memory_space<hbm>>
      %dma_wait3A_448 = arith.constant 0 : i32
      %dma_wait3A_449 = arith.constant 0 : i32
      %dma_wait3A_450 = tpu.memref_slice %arg3[%dma_wait3A_448, %dma_wait3A_449] : memref<1000000x128xf32, #tpu.memory_space<hbm>> -> memref<1000x128xf32, #tpu.memory_space<hbm>>
      tpu.wait_dma2 semaphore(%arg5 : memref<!tpu.dma_semaphore, #tpu.memory_space<semaphore_mem>>) src(%arg4 : memref<1000x128xf32, #tpu.memory_space<vmem>>) dst(%dma_wait3A_450 : memref<1000x128xf32, #tpu.memory_space<hbm>>)
    } else {
    }
    %add3A_341 = arith.constant 544 : i32
    %add3A_342 = arith.addi %add3A, %add3A_341 : i32
    %lt3A_343 = arith.constant 1000 : i32
    %lt3A_344 = arith.cmpi slt, %add3A_342, %lt3A_343 : i32
    %convert_element_type3A_345 = arith.extui %lt3A_344 : i1 to i32
    %cond3A_346 = arith.constant 0 : i32
    %cond3A_347 = arith.cmpi ne, %convert_element_type3A_345, %cond3A_346 : i32
    scf.if %cond3A_347 {
      %dma_wait3A = arith.constant 0 : i32
      %dma_wait3A_446 = arith.constant 0 : i32
      %dma_wait3A_447 = tpu.memref_slice %arg3[%dma_wait3A, %dma_wait3A_446] : memref<1000000x128xf32, #tpu.memory_space<hbm>> -> memref<1000x128xf32, #tpu.memory_space<hbm>>
      %dma_wait3A_448 = arith.constant 0 : i32
      %dma_wait3A_449 = arith.constant 0 : i32
      %dma_wait3A_450 = tpu.memref_slice %arg3[%dma_wait3A_448, %dma_wait3A_449] : memref<1000000x128xf32, #tpu.memory_space<hbm>> -> memref<1000x128xf32, #tpu.memory_space<hbm>>
      tpu.wait_dma2 semaphore(%arg5 : memref<!tpu.dma_semaphore, #tpu.memory_space<semaphore_mem>>) src(%arg4 : memref<1000x128xf32, #tpu.memory_space<vmem>>) dst(%dma_wait3A_450 : memref<1000x128xf32, #tpu.memory_space<hbm>>)
    } else {
    }
    %add3A_348 = arith.constant 576 : i32
    %add3A_349 = arith.addi %add3A, %add3A_348 : i32
    %lt3A_350 = arith.constant 1000 : i32
    %lt3A_351 = arith.cmpi slt, %add3A_349, %lt3A_350 : i32
    %convert_element_type3A_352 = arith.extui %lt3A_351 : i1 to i32
    %cond3A_353 = arith.constant 0 : i32
    %cond3A_354 = arith.cmpi ne, %convert_element_type3A_352, %cond3A_353 : i32
    scf.if %cond3A_354 {
      %dma_wait3A = arith.constant 0 : i32
      %dma_wait3A_446 = arith.constant 0 : i32
      %dma_wait3A_447 = tpu.memref_slice %arg3[%dma_wait3A, %dma_wait3A_446] : memref<1000000x128xf32, #tpu.memory_space<hbm>> -> memref<1000x128xf32, #tpu.memory_space<hbm>>
      %dma_wait3A_448 = arith.constant 0 : i32
      %dma_wait3A_449 = arith.constant 0 : i32
      %dma_wait3A_450 = tpu.memref_slice %arg3[%dma_wait3A_448, %dma_wait3A_449] : memref<1000000x128xf32, #tpu.memory_space<hbm>> -> memref<1000x128xf32, #tpu.memory_space<hbm>>
      tpu.wait_dma2 semaphore(%arg5 : memref<!tpu.dma_semaphore, #tpu.memory_space<semaphore_mem>>) src(%arg4 : memref<1000x128xf32, #tpu.memory_space<vmem>>) dst(%dma_wait3A_450 : memref<1000x128xf32, #tpu.memory_space<hbm>>)
    } else {
    }
    %add3A_355 = arith.constant 608 : i32
    %add3A_356 = arith.addi %add3A, %add3A_355 : i32
    %lt3A_357 = arith.constant 1000 : i32
    %lt3A_358 = arith.cmpi slt, %add3A_356, %lt3A_357 : i32
    %convert_element_type3A_359 = arith.extui %lt3A_358 : i1 to i32
    %cond3A_360 = arith.constant 0 : i32
    %cond3A_361 = arith.cmpi ne, %convert_element_type3A_359, %cond3A_360 : i32
    scf.if %cond3A_361 {
      %dma_wait3A = arith.constant 0 : i32
      %dma_wait3A_446 = arith.constant 0 : i32
      %dma_wait3A_447 = tpu.memref_slice %arg3[%dma_wait3A, %dma_wait3A_446] : memref<1000000x128xf32, #tpu.memory_space<hbm>> -> memref<1000x128xf32, #tpu.memory_space<hbm>>
      %dma_wait3A_448 = arith.constant 0 : i32
      %dma_wait3A_449 = arith.constant 0 : i32
      %dma_wait3A_450 = tpu.memref_slice %arg3[%dma_wait3A_448, %dma_wait3A_449] : memref<1000000x128xf32, #tpu.memory_space<hbm>> -> memref<1000x128xf32, #tpu.memory_space<hbm>>
      tpu.wait_dma2 semaphore(%arg5 : memref<!tpu.dma_semaphore, #tpu.memory_space<semaphore_mem>>) src(%arg4 : memref<1000x128xf32, #tpu.memory_space<vmem>>) dst(%dma_wait3A_450 : memref<1000x128xf32, #tpu.memory_space<hbm>>)
    } else {
    }
    %add3A_362 = arith.constant 640 : i32
    %add3A_363 = arith.addi %add3A, %add3A_362 : i32
    %lt3A_364 = arith.constant 1000 : i32
    %lt3A_365 = arith.cmpi slt, %add3A_363, %lt3A_364 : i32
    %convert_element_type3A_366 = arith.extui %lt3A_365 : i1 to i32
    %cond3A_367 = arith.constant 0 : i32
    %cond3A_368 = arith.cmpi ne, %convert_element_type3A_366, %cond3A_367 : i32
    scf.if %cond3A_368 {
      %dma_wait3A = arith.constant 0 : i32
      %dma_wait3A_446 = arith.constant 0 : i32
      %dma_wait3A_447 = tpu.memref_slice %arg3[%dma_wait3A, %dma_wait3A_446] : memref<1000000x128xf32, #tpu.memory_space<hbm>> -> memref<1000x128xf32, #tpu.memory_space<hbm>>
      %dma_wait3A_448 = arith.constant 0 : i32
      %dma_wait3A_449 = arith.constant 0 : i32
      %dma_wait3A_450 = tpu.memref_slice %arg3[%dma_wait3A_448, %dma_wait3A_449] : memref<1000000x128xf32, #tpu.memory_space<hbm>> -> memref<1000x128xf32, #tpu.memory_space<hbm>>
      tpu.wait_dma2 semaphore(%arg5 : memref<!tpu.dma_semaphore, #tpu.memory_space<semaphore_mem>>) src(%arg4 : memref<1000x128xf32, #tpu.memory_space<vmem>>) dst(%dma_wait3A_450 : memref<1000x128xf32, #tpu.memory_space<hbm>>)
    } else {
    }
    %add3A_369 = arith.constant 672 : i32
    %add3A_370 = arith.addi %add3A, %add3A_369 : i32
    %lt3A_371 = arith.constant 1000 : i32
    %lt3A_372 = arith.cmpi slt, %add3A_370, %lt3A_371 : i32
    %convert_element_type3A_373 = arith.extui %lt3A_372 : i1 to i32
    %cond3A_374 = arith.constant 0 : i32
    %cond3A_375 = arith.cmpi ne, %convert_element_type3A_373, %cond3A_374 : i32
    scf.if %cond3A_375 {
      %dma_wait3A = arith.constant 0 : i32
      %dma_wait3A_446 = arith.constant 0 : i32
      %dma_wait3A_447 = tpu.memref_slice %arg3[%dma_wait3A, %dma_wait3A_446] : memref<1000000x128xf32, #tpu.memory_space<hbm>> -> memref<1000x128xf32, #tpu.memory_space<hbm>>
      %dma_wait3A_448 = arith.constant 0 : i32
      %dma_wait3A_449 = arith.constant 0 : i32
      %dma_wait3A_450 = tpu.memref_slice %arg3[%dma_wait3A_448, %dma_wait3A_449] : memref<1000000x128xf32, #tpu.memory_space<hbm>> -> memref<1000x128xf32, #tpu.memory_space<hbm>>
      tpu.wait_dma2 semaphore(%arg5 : memref<!tpu.dma_semaphore, #tpu.memory_space<semaphore_mem>>) src(%arg4 : memref<1000x128xf32, #tpu.memory_space<vmem>>) dst(%dma_wait3A_450 : memref<1000x128xf32, #tpu.memory_space<hbm>>)
    } else {
    }
    %add3A_376 = arith.constant 704 : i32
    %add3A_377 = arith.addi %add3A, %add3A_376 : i32
    %lt3A_378 = arith.constant 1000 : i32
    %lt3A_379 = arith.cmpi slt, %add3A_377, %lt3A_378 : i32
    %convert_element_type3A_380 = arith.extui %lt3A_379 : i1 to i32
    %cond3A_381 = arith.constant 0 : i32
    %cond3A_382 = arith.cmpi ne, %convert_element_type3A_380, %cond3A_381 : i32
    scf.if %cond3A_382 {
      %dma_wait3A = arith.constant 0 : i32
      %dma_wait3A_446 = arith.constant 0 : i32
      %dma_wait3A_447 = tpu.memref_slice %arg3[%dma_wait3A, %dma_wait3A_446] : memref<1000000x128xf32, #tpu.memory_space<hbm>> -> memref<1000x128xf32, #tpu.memory_space<hbm>>
      %dma_wait3A_448 = arith.constant 0 : i32
      %dma_wait3A_449 = arith.constant 0 : i32
      %dma_wait3A_450 = tpu.memref_slice %arg3[%dma_wait3A_448, %dma_wait3A_449] : memref<1000000x128xf32, #tpu.memory_space<hbm>> -> memref<1000x128xf32, #tpu.memory_space<hbm>>
      tpu.wait_dma2 semaphore(%arg5 : memref<!tpu.dma_semaphore, #tpu.memory_space<semaphore_mem>>) src(%arg4 : memref<1000x128xf32, #tpu.memory_space<vmem>>) dst(%dma_wait3A_450 : memref<1000x128xf32, #tpu.memory_space<hbm>>)
    } else {
    }
    %add3A_383 = arith.constant 736 : i32
    %add3A_384 = arith.addi %add3A, %add3A_383 : i32
    %lt3A_385 = arith.constant 1000 : i32
    %lt3A_386 = arith.cmpi slt, %add3A_384, %lt3A_385 : i32
    %convert_element_type3A_387 = arith.extui %lt3A_386 : i1 to i32
    %cond3A_388 = arith.constant 0 : i32
    %cond3A_389 = arith.cmpi ne, %convert_element_type3A_387, %cond3A_388 : i32
    scf.if %cond3A_389 {
      %dma_wait3A = arith.constant 0 : i32
      %dma_wait3A_446 = arith.constant 0 : i32
      %dma_wait3A_447 = tpu.memref_slice %arg3[%dma_wait3A, %dma_wait3A_446] : memref<1000000x128xf32, #tpu.memory_space<hbm>> -> memref<1000x128xf32, #tpu.memory_space<hbm>>
      %dma_wait3A_448 = arith.constant 0 : i32
      %dma_wait3A_449 = arith.constant 0 : i32
      %dma_wait3A_450 = tpu.memref_slice %arg3[%dma_wait3A_448, %dma_wait3A_449] : memref<1000000x128xf32, #tpu.memory_space<hbm>> -> memref<1000x128xf32, #tpu.memory_space<hbm>>
      tpu.wait_dma2 semaphore(%arg5 : memref<!tpu.dma_semaphore, #tpu.memory_space<semaphore_mem>>) src(%arg4 : memref<1000x128xf32, #tpu.memory_space<vmem>>) dst(%dma_wait3A_450 : memref<1000x128xf32, #tpu.memory_space<hbm>>)
    } else {
    }
    %add3A_390 = arith.constant 768 : i32
    %add3A_391 = arith.addi %add3A, %add3A_390 : i32
    %lt3A_392 = arith.constant 1000 : i32
    %lt3A_393 = arith.cmpi slt, %add3A_391, %lt3A_392 : i32
    %convert_element_type3A_394 = arith.extui %lt3A_393 : i1 to i32
    %cond3A_395 = arith.constant 0 : i32
    %cond3A_396 = arith.cmpi ne, %convert_element_type3A_394, %cond3A_395 : i32
    scf.if %cond3A_396 {
      %dma_wait3A = arith.constant 0 : i32
      %dma_wait3A_446 = arith.constant 0 : i32
      %dma_wait3A_447 = tpu.memref_slice %arg3[%dma_wait3A, %dma_wait3A_446] : memref<1000000x128xf32, #tpu.memory_space<hbm>> -> memref<1000x128xf32, #tpu.memory_space<hbm>>
      %dma_wait3A_448 = arith.constant 0 : i32
      %dma_wait3A_449 = arith.constant 0 : i32
      %dma_wait3A_450 = tpu.memref_slice %arg3[%dma_wait3A_448, %dma_wait3A_449] : memref<1000000x128xf32, #tpu.memory_space<hbm>> -> memref<1000x128xf32, #tpu.memory_space<hbm>>
      tpu.wait_dma2 semaphore(%arg5 : memref<!tpu.dma_semaphore, #tpu.memory_space<semaphore_mem>>) src(%arg4 : memref<1000x128xf32, #tpu.memory_space<vmem>>) dst(%dma_wait3A_450 : memref<1000x128xf32, #tpu.memory_space<hbm>>)
    } else {
    }
    %add3A_397 = arith.constant 800 : i32
    %add3A_398 = arith.addi %add3A, %add3A_397 : i32
    %lt3A_399 = arith.constant 1000 : i32
    %lt3A_400 = arith.cmpi slt, %add3A_398, %lt3A_399 : i32
    %convert_element_type3A_401 = arith.extui %lt3A_400 : i1 to i32
    %cond3A_402 = arith.constant 0 : i32
    %cond3A_403 = arith.cmpi ne, %convert_element_type3A_401, %cond3A_402 : i32
    scf.if %cond3A_403 {
      %dma_wait3A = arith.constant 0 : i32
      %dma_wait3A_446 = arith.constant 0 : i32
      %dma_wait3A_447 = tpu.memref_slice %arg3[%dma_wait3A, %dma_wait3A_446] : memref<1000000x128xf32, #tpu.memory_space<hbm>> -> memref<1000x128xf32, #tpu.memory_space<hbm>>
      %dma_wait3A_448 = arith.constant 0 : i32
      %dma_wait3A_449 = arith.constant 0 : i32
      %dma_wait3A_450 = tpu.memref_slice %arg3[%dma_wait3A_448, %dma_wait3A_449] : memref<1000000x128xf32, #tpu.memory_space<hbm>> -> memref<1000x128xf32, #tpu.memory_space<hbm>>
      tpu.wait_dma2 semaphore(%arg5 : memref<!tpu.dma_semaphore, #tpu.memory_space<semaphore_mem>>) src(%arg4 : memref<1000x128xf32, #tpu.memory_space<vmem>>) dst(%dma_wait3A_450 : memref<1000x128xf32, #tpu.memory_space<hbm>>)
    } else {
    }
    %add3A_404 = arith.constant 832 : i32
    %add3A_405 = arith.addi %add3A, %add3A_404 : i32
    %lt3A_406 = arith.constant 1000 : i32
    %lt3A_407 = arith.cmpi slt, %add3A_405, %lt3A_406 : i32
    %convert_element_type3A_408 = arith.extui %lt3A_407 : i1 to i32
    %cond3A_409 = arith.constant 0 : i32
    %cond3A_410 = arith.cmpi ne, %convert_element_type3A_408, %cond3A_409 : i32
    scf.if %cond3A_410 {
      %dma_wait3A = arith.constant 0 : i32
      %dma_wait3A_446 = arith.constant 0 : i32
      %dma_wait3A_447 = tpu.memref_slice %arg3[%dma_wait3A, %dma_wait3A_446] : memref<1000000x128xf32, #tpu.memory_space<hbm>> -> memref<1000x128xf32, #tpu.memory_space<hbm>>
      %dma_wait3A_448 = arith.constant 0 : i32
      %dma_wait3A_449 = arith.constant 0 : i32
      %dma_wait3A_450 = tpu.memref_slice %arg3[%dma_wait3A_448, %dma_wait3A_449] : memref<1000000x128xf32, #tpu.memory_space<hbm>> -> memref<1000x128xf32, #tpu.memory_space<hbm>>
      tpu.wait_dma2 semaphore(%arg5 : memref<!tpu.dma_semaphore, #tpu.memory_space<semaphore_mem>>) src(%arg4 : memref<1000x128xf32, #tpu.memory_space<vmem>>) dst(%dma_wait3A_450 : memref<1000x128xf32, #tpu.memory_space<hbm>>)
    } else {
    }
    %add3A_411 = arith.constant 864 : i32
    %add3A_412 = arith.addi %add3A, %add3A_411 : i32
    %lt3A_413 = arith.constant 1000 : i32
    %lt3A_414 = arith.cmpi slt, %add3A_412, %lt3A_413 : i32
    %convert_element_type3A_415 = arith.extui %lt3A_414 : i1 to i32
    %cond3A_416 = arith.constant 0 : i32
    %cond3A_417 = arith.cmpi ne, %convert_element_type3A_415, %cond3A_416 : i32
    scf.if %cond3A_417 {
      %dma_wait3A = arith.constant 0 : i32
      %dma_wait3A_446 = arith.constant 0 : i32
      %dma_wait3A_447 = tpu.memref_slice %arg3[%dma_wait3A, %dma_wait3A_446] : memref<1000000x128xf32, #tpu.memory_space<hbm>> -> memref<1000x128xf32, #tpu.memory_space<hbm>>
      %dma_wait3A_448 = arith.constant 0 : i32
      %dma_wait3A_449 = arith.constant 0 : i32
      %dma_wait3A_450 = tpu.memref_slice %arg3[%dma_wait3A_448, %dma_wait3A_449] : memref<1000000x128xf32, #tpu.memory_space<hbm>> -> memref<1000x128xf32, #tpu.memory_space<hbm>>
      tpu.wait_dma2 semaphore(%arg5 : memref<!tpu.dma_semaphore, #tpu.memory_space<semaphore_mem>>) src(%arg4 : memref<1000x128xf32, #tpu.memory_space<vmem>>) dst(%dma_wait3A_450 : memref<1000x128xf32, #tpu.memory_space<hbm>>)
    } else {
    }
    %add3A_418 = arith.constant 896 : i32
    %add3A_419 = arith.addi %add3A, %add3A_418 : i32
    %lt3A_420 = arith.constant 1000 : i32
    %lt3A_421 = arith.cmpi slt, %add3A_419, %lt3A_420 : i32
    %convert_element_type3A_422 = arith.extui %lt3A_421 : i1 to i32
    %cond3A_423 = arith.constant 0 : i32
    %cond3A_424 = arith.cmpi ne, %convert_element_type3A_422, %cond3A_423 : i32
    scf.if %cond3A_424 {
      %dma_wait3A = arith.constant 0 : i32
      %dma_wait3A_446 = arith.constant 0 : i32
      %dma_wait3A_447 = tpu.memref_slice %arg3[%dma_wait3A, %dma_wait3A_446] : memref<1000000x128xf32, #tpu.memory_space<hbm>> -> memref<1000x128xf32, #tpu.memory_space<hbm>>
      %dma_wait3A_448 = arith.constant 0 : i32
      %dma_wait3A_449 = arith.constant 0 : i32
      %dma_wait3A_450 = tpu.memref_slice %arg3[%dma_wait3A_448, %dma_wait3A_449] : memref<1000000x128xf32, #tpu.memory_space<hbm>> -> memref<1000x128xf32, #tpu.memory_space<hbm>>
      tpu.wait_dma2 semaphore(%arg5 : memref<!tpu.dma_semaphore, #tpu.memory_space<semaphore_mem>>) src(%arg4 : memref<1000x128xf32, #tpu.memory_space<vmem>>) dst(%dma_wait3A_450 : memref<1000x128xf32, #tpu.memory_space<hbm>>)
    } else {
    }
    %add3A_425 = arith.constant 928 : i32
    %add3A_426 = arith.addi %add3A, %add3A_425 : i32
    %lt3A_427 = arith.constant 1000 : i32
    %lt3A_428 = arith.cmpi slt, %add3A_426, %lt3A_427 : i32
    %convert_element_type3A_429 = arith.extui %lt3A_428 : i1 to i32
    %cond3A_430 = arith.constant 0 : i32
    %cond3A_431 = arith.cmpi ne, %convert_element_type3A_429, %cond3A_430 : i32
    scf.if %cond3A_431 {
      %dma_wait3A = arith.constant 0 : i32
      %dma_wait3A_446 = arith.constant 0 : i32
      %dma_wait3A_447 = tpu.memref_slice %arg3[%dma_wait3A, %dma_wait3A_446] : memref<1000000x128xf32, #tpu.memory_space<hbm>> -> memref<1000x128xf32, #tpu.memory_space<hbm>>
      %dma_wait3A_448 = arith.constant 0 : i32
      %dma_wait3A_449 = arith.constant 0 : i32
      %dma_wait3A_450 = tpu.memref_slice %arg3[%dma_wait3A_448, %dma_wait3A_449] : memref<1000000x128xf32, #tpu.memory_space<hbm>> -> memref<1000x128xf32, #tpu.memory_space<hbm>>
      tpu.wait_dma2 semaphore(%arg5 : memref<!tpu.dma_semaphore, #tpu.memory_space<semaphore_mem>>) src(%arg4 : memref<1000x128xf32, #tpu.memory_space<vmem>>) dst(%dma_wait3A_450 : memref<1000x128xf32, #tpu.memory_space<hbm>>)
    } else {
    }
    %add3A_432 = arith.constant 960 : i32
    %add3A_433 = arith.addi %add3A, %add3A_432 : i32
    %lt3A_434 = arith.constant 1000 : i32
    %lt3A_435 = arith.cmpi slt, %add3A_433, %lt3A_434 : i32
    %convert_element_type3A_436 = arith.extui %lt3A_435 : i1 to i32
    %cond3A_437 = arith.constant 0 : i32
    %cond3A_438 = arith.cmpi ne, %convert_element_type3A_436, %cond3A_437 : i32
    scf.if %cond3A_438 {
      %dma_wait3A = arith.constant 0 : i32
      %dma_wait3A_446 = arith.constant 0 : i32
      %dma_wait3A_447 = tpu.memref_slice %arg3[%dma_wait3A, %dma_wait3A_446] : memref<1000000x128xf32, #tpu.memory_space<hbm>> -> memref<1000x128xf32, #tpu.memory_space<hbm>>
      %dma_wait3A_448 = arith.constant 0 : i32
      %dma_wait3A_449 = arith.constant 0 : i32
      %dma_wait3A_450 = tpu.memref_slice %arg3[%dma_wait3A_448, %dma_wait3A_449] : memref<1000000x128xf32, #tpu.memory_space<hbm>> -> memref<1000x128xf32, #tpu.memory_space<hbm>>
      tpu.wait_dma2 semaphore(%arg5 : memref<!tpu.dma_semaphore, #tpu.memory_space<semaphore_mem>>) src(%arg4 : memref<1000x128xf32, #tpu.memory_space<vmem>>) dst(%dma_wait3A_450 : memref<1000x128xf32, #tpu.memory_space<hbm>>)
    } else {
    }
    %add3A_439 = arith.constant 992 : i32
    %add3A_440 = arith.addi %add3A, %add3A_439 : i32
    %lt3A_441 = arith.constant 1000 : i32
    %lt3A_442 = arith.cmpi slt, %add3A_440, %lt3A_441 : i32
    %convert_element_type3A_443 = arith.extui %lt3A_442 : i1 to i32
    %cond3A_444 = arith.constant 0 : i32
    %cond3A_445 = arith.cmpi ne, %convert_element_type3A_443, %cond3A_444 : i32
    scf.if %cond3A_445 {
      %dma_wait3A = arith.constant 0 : i32
      %dma_wait3A_446 = arith.constant 0 : i32
      %dma_wait3A_447 = tpu.memref_slice %arg3[%dma_wait3A, %dma_wait3A_446] : memref<1000000x128xf32, #tpu.memory_space<hbm>> -> memref<1000x128xf32, #tpu.memory_space<hbm>>
      %dma_wait3A_448 = arith.constant 0 : i32
      %dma_wait3A_449 = arith.constant 0 : i32
      %dma_wait3A_450 = tpu.memref_slice %arg3[%dma_wait3A_448, %dma_wait3A_449] : memref<1000000x128xf32, #tpu.memory_space<hbm>> -> memref<1000x128xf32, #tpu.memory_space<hbm>>
      tpu.wait_dma2 semaphore(%arg5 : memref<!tpu.dma_semaphore, #tpu.memory_space<semaphore_mem>>) src(%arg4 : memref<1000x128xf32, #tpu.memory_space<vmem>>) dst(%dma_wait3A_450 : memref<1000x128xf32, #tpu.memory_space<hbm>>)
    } else {
    }
    return
  }
}

module attributes {stable_mosaic.version = 14 : i64} {
  func.func @_tower_body(%arg0: i32, %arg1: memref<2048x1xf32, #tpu.memory_space<vmem>>, %arg2: memref<2048x64xf32, #tpu.memory_space<vmem>>, %arg3: memref<1x32xf32, #tpu.memory_space<vmem>>, %arg4: memref<1x32xf32, #tpu.memory_space<vmem>>, %arg5: memref<64x64xf32, #tpu.memory_space<vmem>>, %arg6: memref<64xf32, #tpu.memory_space<vmem>>, %arg7: memref<64x256xf32, #tpu.memory_space<vmem>>, %arg8: memref<32x256xf32, #tpu.memory_space<vmem>>, %arg9: memref<1x256xf32, #tpu.memory_space<vmem>>, %arg10: memref<256x128xf32, #tpu.memory_space<vmem>>, %arg11: memref<1x128xf32, #tpu.memory_space<vmem>>, %arg12: memref<128x256xf32, #tpu.memory_space<vmem>>, %arg13: memref<64x256xf32, #tpu.memory_space<vmem>>, %arg14: memref<32x256xf32, #tpu.memory_space<vmem>>, %arg15: memref<1x256xf32, #tpu.memory_space<vmem>>, %arg16: memref<256x128xf32, #tpu.memory_space<vmem>>, %arg17: memref<1x128xf32, #tpu.memory_space<vmem>>, %arg18: memref<128x384xf32, #tpu.memory_space<vmem>>, %arg19: memref<1x384xf32, #tpu.memory_space<vmem>>, %arg20: memref<128x384xf32, #tpu.memory_space<vmem>>, %arg21: memref<1x384xf32, #tpu.memory_space<vmem>>, %arg22: memref<2048x256xf32, #tpu.memory_space<vmem>>, %arg23: memref<2048x128xf32, #tpu.memory_space<vmem>>) attributes {dimension_semantics = [#tpu.dimension_semantics<arbitrary>], iteration_bounds = array<i64: 8>, scalar_prefetch = 0 : i64, scratch_operands = 0 : i64, tpu.core_type = #tpu.core_type<tc>, window_params = [{transform_indices = @transform_0, window_bounds = array<i64: 2048, 1>}, {transform_indices = @transform_1, window_bounds = array<i64: 2048, 64>}, {pipeline_mode = #tpu.pipeline_mode<synchronous>, transform_indices = @transform_2, window_bounds = array<i64: 1, 32>}, {pipeline_mode = #tpu.pipeline_mode<synchronous>, transform_indices = @transform_3, window_bounds = array<i64: 1, 32>}, {pipeline_mode = #tpu.pipeline_mode<synchronous>, transform_indices = @transform_4, window_bounds = array<i64: 64, 64>}, {pipeline_mode = #tpu.pipeline_mode<synchronous>, transform_indices = @transform_5, window_bounds = array<i64: 64>}, {pipeline_mode = #tpu.pipeline_mode<synchronous>, transform_indices = @transform_6, window_bounds = array<i64: 64, 256>}, {pipeline_mode = #tpu.pipeline_mode<synchronous>, transform_indices = @transform_7, window_bounds = array<i64: 32, 256>}, {pipeline_mode = #tpu.pipeline_mode<synchronous>, transform_indices = @transform_8, window_bounds = array<i64: 1, 256>}, {pipeline_mode = #tpu.pipeline_mode<synchronous>, transform_indices = @transform_9, window_bounds = array<i64: 256, 128>}, {pipeline_mode = #tpu.pipeline_mode<synchronous>, transform_indices = @transform_10, window_bounds = array<i64: 1, 128>}, {pipeline_mode = #tpu.pipeline_mode<synchronous>, transform_indices = @transform_11, window_bounds = array<i64: 128, 256>}, {pipeline_mode = #tpu.pipeline_mode<synchronous>, transform_indices = @transform_12, window_bounds = array<i64: 64, 256>}, {pipeline_mode = #tpu.pipeline_mode<synchronous>, transform_indices = @transform_13, window_bounds = array<i64: 32, 256>}, {pipeline_mode = #tpu.pipeline_mode<synchronous>, transform_indices = @transform_14, window_bounds = array<i64: 1, 256>}, {pipeline_mode = #tpu.pipeline_mode<synchronous>, transform_indices = @transform_15, window_bounds = array<i64: 256, 128>}, {pipeline_mode = #tpu.pipeline_mode<synchronous>, transform_indices = @transform_16, window_bounds = array<i64: 1, 128>}, {pipeline_mode = #tpu.pipeline_mode<synchronous>, transform_indices = @transform_17, window_bounds = array<i64: 128, 384>}, {pipeline_mode = #tpu.pipeline_mode<synchronous>, transform_indices = @transform_18, window_bounds = array<i64: 1, 384>}, {pipeline_mode = #tpu.pipeline_mode<synchronous>, transform_indices = @transform_19, window_bounds = array<i64: 128, 384>}, {pipeline_mode = #tpu.pipeline_mode<synchronous>, transform_indices = @transform_20, window_bounds = array<i64: 1, 384>}, {transform_indices = @transform_21, window_bounds = array<i64: 2048, 256>}, {transform_indices = @transform_22, window_bounds = array<i64: 2048, 128>}]} {
    %get3A = arith.constant 0 : index
    %get3A_0 = arith.constant 0 : index
    %get3A_1 = vector.load %arg1[%get3A, %get3A_0] : memref<2048x1xf32, #tpu.memory_space<vmem>>, vector<2048x1xf32>
    %get3A_2 = arith.constant 0 : index
    %get3A_3 = arith.constant 0 : index
    %get3A_4 = vector.load %arg3[%get3A_2, %get3A_3] : memref<1x32xf32, #tpu.memory_space<vmem>>, vector<1x32xf32>
    %mul3A = vector.broadcast %get3A_1 : vector<2048x1xf32> to vector<2048x32xf32>
    %mul3A_5 = vector.broadcast %get3A_4 : vector<1x32xf32> to vector<2048x32xf32>
    %mul3A_6 = arith.mulf %mul3A, %mul3A_5 : vector<2048x32xf32>
    %get3A_7 = arith.constant 0 : index
    %get3A_8 = arith.constant 0 : index
    %get3A_9 = vector.load %arg4[%get3A_7, %get3A_8] : memref<1x32xf32, #tpu.memory_space<vmem>>, vector<1x32xf32>
    %add3A = vector.broadcast %get3A_9 : vector<1x32xf32> to vector<2048x32xf32>
    %add3A_10 = arith.addf %mul3A_6, %add3A : vector<2048x32xf32>
    %iota3A = tpu.iota {dimensions = array<i32: 1>} : vector<2048x32xi32>
    %eq3A = arith.constant 0 : i32
    %eq3A_11 = vector.broadcast %eq3A : i32 to vector<2048x32xi32>
    %eq3A_12 = arith.cmpi eq, %iota3A, %eq3A_11 : vector<2048x32xi32>
    %sin3A = math.sin %add3A_10 : vector<2048x32xf32>
    %select_n3A = arith.select %eq3A_12, %add3A_10, %sin3A : vector<2048x32xi1>, vector<2048x32xf32>
    %get3A_13 = arith.constant 0 : index
    %get3A_14 = arith.constant 0 : index
    %get3A_15 = vector.load %arg2[%get3A_13, %get3A_14] : memref<2048x64xf32, #tpu.memory_space<vmem>>, vector<2048x64xf32>
    %get3A_16 = arith.constant 0 : index
    %get3A_17 = arith.constant 0 : index
    %get3A_18 = vector.load %arg5[%get3A_16, %get3A_17] : memref<64x64xf32, #tpu.memory_space<vmem>>, vector<64x64xf32>
    %dot_general3A = arith.constant dense<0.000000e+00> : vector<2048x64xf32>
    %dot_general3A_19 = tpu.matmul %get3A_15, %get3A_18, %dot_general3A {dimension_numbers = #tpu.dot_dimension_numbers<[1], [0], [0], [1], [0, 0, 1, 1], [], []>, transpose_lhs_hint = false} : vector<2048x64xf32>, vector<64x64xf32>, vector<2048x64xf32> -> vector<2048x64xf32>
    %get3A_20 = arith.constant 0 : index
    %get3A_21 = vector.load %arg6[%get3A_20] : memref<64xf32, #tpu.memory_space<vmem>>, vector<64xf32>
    %broadcast_in_dim3A = vector.shape_cast %get3A_21 : vector<64xf32> to vector<1x64xf32>
    %add3A_22 = vector.broadcast %broadcast_in_dim3A : vector<1x64xf32> to vector<2048x64xf32>
    %add3A_23 = arith.addf %dot_general3A_19, %add3A_22 : vector<2048x64xf32>
    %get3A_24 = arith.constant 0 : index
    %get3A_25 = arith.constant 0 : index
    %get3A_26 = vector.load %arg7[%get3A_24, %get3A_25] : memref<64x256xf32, #tpu.memory_space<vmem>>, vector<64x256xf32>
    %dot_general3A_27 = arith.constant dense<0.000000e+00> : vector<2048x256xf32>
    %dot_general3A_28 = tpu.matmul %add3A_23, %get3A_26, %dot_general3A_27 {dimension_numbers = #tpu.dot_dimension_numbers<[1], [0], [0], [1], [0, 0, 1, 1], [], []>, transpose_lhs_hint = false} : vector<2048x64xf32>, vector<64x256xf32>, vector<2048x256xf32> -> vector<2048x256xf32>
    %get3A_29 = arith.constant 0 : index
    %get3A_30 = arith.constant 0 : index
    %get3A_31 = vector.load %arg8[%get3A_29, %get3A_30] : memref<32x256xf32, #tpu.memory_space<vmem>>, vector<32x256xf32>
    %dot_general3A_32 = arith.constant dense<0.000000e+00> : vector<2048x256xf32>
    %dot_general3A_33 = tpu.matmul %select_n3A, %get3A_31, %dot_general3A_32 {dimension_numbers = #tpu.dot_dimension_numbers<[1], [0], [0], [1], [0, 0, 1, 1], [], []>, transpose_lhs_hint = false} : vector<2048x32xf32>, vector<32x256xf32>, vector<2048x256xf32> -> vector<2048x256xf32>
    %add3A_34 = arith.addf %dot_general3A_28, %dot_general3A_33 : vector<2048x256xf32>
    %get3A_35 = arith.constant 0 : index
    %get3A_36 = arith.constant 0 : index
    %get3A_37 = vector.load %arg9[%get3A_35, %get3A_36] : memref<1x256xf32, #tpu.memory_space<vmem>>, vector<1x256xf32>
    %add3A_38 = vector.broadcast %get3A_37 : vector<1x256xf32> to vector<2048x256xf32>
    %add3A_39 = arith.addf %add3A_34, %add3A_38 : vector<2048x256xf32>
    %max3A = arith.constant 0.000000e+00 : f32
    %max3A_40 = vector.broadcast %max3A : f32 to vector<2048x256xf32>
    %max3A_41 = arith.maximumf %add3A_39, %max3A_40 : vector<2048x256xf32>
    %get3A_42 = arith.constant 0 : index
    %get3A_43 = arith.constant 0 : index
    %get3A_44 = vector.load %arg10[%get3A_42, %get3A_43] : memref<256x128xf32, #tpu.memory_space<vmem>>, vector<256x128xf32>
    %dot_general3A_45 = arith.constant dense<0.000000e+00> : vector<2048x128xf32>
    %dot_general3A_46 = tpu.matmul %max3A_41, %get3A_44, %dot_general3A_45 {dimension_numbers = #tpu.dot_dimension_numbers<[1], [0], [0], [1], [0, 0, 1, 1], [], []>, transpose_lhs_hint = false} : vector<2048x256xf32>, vector<256x128xf32>, vector<2048x128xf32> -> vector<2048x128xf32>
    %get3A_47 = arith.constant 0 : index
    %get3A_48 = arith.constant 0 : index
    %get3A_49 = vector.load %arg11[%get3A_47, %get3A_48] : memref<1x128xf32, #tpu.memory_space<vmem>>, vector<1x128xf32>
    %add3A_50 = vector.broadcast %get3A_49 : vector<1x128xf32> to vector<2048x128xf32>
    %add3A_51 = arith.addf %dot_general3A_46, %add3A_50 : vector<2048x128xf32>
    %get3A_52 = arith.constant 0 : index
    %get3A_53 = arith.constant 0 : index
    %get3A_54 = vector.load %arg18[%get3A_52, %get3A_53] : memref<128x384xf32, #tpu.memory_space<vmem>>, vector<128x384xf32>
    %dot_general3A_55 = arith.constant dense<0.000000e+00> : vector<2048x384xf32>
    %dot_general3A_56 = tpu.matmul %add3A_51, %get3A_54, %dot_general3A_55 {dimension_numbers = #tpu.dot_dimension_numbers<[1], [0], [0], [1], [0, 0, 1, 1], [], []>, transpose_lhs_hint = false} : vector<2048x128xf32>, vector<128x384xf32>, vector<2048x384xf32> -> vector<2048x384xf32>
    %get3A_57 = arith.constant 0 : index
    %get3A_58 = arith.constant 0 : index
    %get3A_59 = vector.load %arg19[%get3A_57, %get3A_58] : memref<1x384xf32, #tpu.memory_space<vmem>>, vector<1x384xf32>
    %add3A_60 = vector.broadcast %get3A_59 : vector<1x384xf32> to vector<2048x384xf32>
    %add3A_61 = arith.addf %dot_general3A_56, %add3A_60 : vector<2048x384xf32>
    %get3A_62 = arith.constant 0 : index
    %get3A_63 = arith.constant 0 : index
    %get3A_64 = vector.load %arg21[%get3A_62, %get3A_63] : memref<1x384xf32, #tpu.memory_space<vmem>>, vector<1x384xf32>
    %slice3A = vector.extract_strided_slice %add3A_61 {offsets = [0, 0], sizes = [2048, 128], strides = [1, 1]} : vector<2048x384xf32> to vector<2048x128xf32>
    %slice3A_65 = vector.extract_strided_slice %get3A_64 {offsets = [0, 0], sizes = [1, 128], strides = [1, 1]} : vector<1x384xf32> to vector<1x128xf32>
    %add3A_66 = vector.broadcast %slice3A_65 : vector<1x128xf32> to vector<2048x128xf32>
    %add3A_67 = arith.addf %slice3A, %add3A_66 : vector<2048x128xf32>
    %logistic3A = arith.negf %add3A_67 : vector<2048x128xf32>
    %logistic3A_68 = math.exp %logistic3A : vector<2048x128xf32>
    %logistic3A_69 = arith.constant 1.000000e+00 : f32
    %logistic3A_70 = vector.broadcast %logistic3A_69 : f32 to vector<2048x128xf32>
    %logistic3A_71 = arith.addf %logistic3A_70, %logistic3A_68 : vector<2048x128xf32>
    %logistic3A_72 = arith.divf %logistic3A_70, %logistic3A_71 : vector<2048x128xf32>
    %slice3A_73 = vector.extract_strided_slice %add3A_61 {offsets = [0, 128], sizes = [2048, 128], strides = [1, 1]} : vector<2048x384xf32> to vector<2048x128xf32>
    %slice3A_74 = vector.extract_strided_slice %get3A_64 {offsets = [0, 128], sizes = [1, 128], strides = [1, 1]} : vector<1x384xf32> to vector<1x128xf32>
    %add3A_75 = vector.broadcast %slice3A_74 : vector<1x128xf32> to vector<2048x128xf32>
    %add3A_76 = arith.addf %slice3A_73, %add3A_75 : vector<2048x128xf32>
    %logistic3A_77 = arith.negf %add3A_76 : vector<2048x128xf32>
    %logistic3A_78 = math.exp %logistic3A_77 : vector<2048x128xf32>
    %logistic3A_79 = arith.constant 1.000000e+00 : f32
    %logistic3A_80 = vector.broadcast %logistic3A_79 : f32 to vector<2048x128xf32>
    %logistic3A_81 = arith.addf %logistic3A_80, %logistic3A_78 : vector<2048x128xf32>
    %logistic3A_82 = arith.divf %logistic3A_80, %logistic3A_81 : vector<2048x128xf32>
    %slice3A_83 = vector.extract_strided_slice %add3A_61 {offsets = [0, 256], sizes = [2048, 128], strides = [1, 1]} : vector<2048x384xf32> to vector<2048x128xf32>
    %slice3A_84 = vector.extract_strided_slice %get3A_64 {offsets = [0, 256], sizes = [1, 128], strides = [1, 1]} : vector<1x384xf32> to vector<1x128xf32>
    %mul3A_85 = vector.broadcast %slice3A_84 : vector<1x128xf32> to vector<2048x128xf32>
    %mul3A_86 = arith.mulf %logistic3A_72, %mul3A_85 : vector<2048x128xf32>
    %add3A_87 = arith.addf %slice3A_83, %mul3A_86 : vector<2048x128xf32>
    %tanh3A = math.tanh %add3A_87 : vector<2048x128xf32>
    %sub3A = arith.constant 1.000000e+00 : f32
    %sub3A_88 = vector.broadcast %sub3A : f32 to vector<2048x128xf32>
    %sub3A_89 = arith.subf %sub3A_88, %logistic3A_82 : vector<2048x128xf32>
    %mul3A_90 = arith.mulf %sub3A_89, %tanh3A : vector<2048x128xf32>
    %get3A_91 = arith.constant 0 : index
    %get3A_92 = arith.constant 0 : index
    %get3A_93 = vector.load %arg12[%get3A_91, %get3A_92] : memref<128x256xf32, #tpu.memory_space<vmem>>, vector<128x256xf32>
    %dot_general3A_94 = arith.constant dense<0.000000e+00> : vector<2048x256xf32>
    %dot_general3A_95 = tpu.matmul %mul3A_90, %get3A_93, %dot_general3A_94 {dimension_numbers = #tpu.dot_dimension_numbers<[1], [0], [0], [1], [0, 0, 1, 1], [], []>, transpose_lhs_hint = false} : vector<2048x128xf32>, vector<128x256xf32>, vector<2048x256xf32> -> vector<2048x256xf32>
    %get3A_96 = arith.constant 0 : index
    %get3A_97 = arith.constant 0 : index
    %get3A_98 = vector.load %arg13[%get3A_96, %get3A_97] : memref<64x256xf32, #tpu.memory_space<vmem>>, vector<64x256xf32>
    %dot_general3A_99 = arith.constant dense<0.000000e+00> : vector<2048x256xf32>
    %dot_general3A_100 = tpu.matmul %add3A_23, %get3A_98, %dot_general3A_99 {dimension_numbers = #tpu.dot_dimension_numbers<[1], [0], [0], [1], [0, 0, 1, 1], [], []>, transpose_lhs_hint = false} : vector<2048x64xf32>, vector<64x256xf32>, vector<2048x256xf32> -> vector<2048x256xf32>
    %add3A_101 = arith.addf %dot_general3A_95, %dot_general3A_100 : vector<2048x256xf32>
    %get3A_102 = arith.constant 0 : index
    %get3A_103 = arith.constant 0 : index
    %get3A_104 = vector.load %arg14[%get3A_102, %get3A_103] : memref<32x256xf32, #tpu.memory_space<vmem>>, vector<32x256xf32>
    %dot_general3A_105 = arith.constant dense<0.000000e+00> : vector<2048x256xf32>
    %dot_general3A_106 = tpu.matmul %select_n3A, %get3A_104, %dot_general3A_105 {dimension_numbers = #tpu.dot_dimension_numbers<[1], [0], [0], [1], [0, 0, 1, 1], [], []>, transpose_lhs_hint = false} : vector<2048x32xf32>, vector<32x256xf32>, vector<2048x256xf32> -> vector<2048x256xf32>
    %add3A_107 = arith.addf %add3A_101, %dot_general3A_106 : vector<2048x256xf32>
    %get3A_108 = arith.constant 0 : index
    %get3A_109 = arith.constant 0 : index
    %get3A_110 = vector.load %arg15[%get3A_108, %get3A_109] : memref<1x256xf32, #tpu.memory_space<vmem>>, vector<1x256xf32>
    %add3A_111 = vector.broadcast %get3A_110 : vector<1x256xf32> to vector<2048x256xf32>
    %add3A_112 = arith.addf %add3A_107, %add3A_111 : vector<2048x256xf32>
    %max3A_113 = arith.constant 0.000000e+00 : f32
    %max3A_114 = vector.broadcast %max3A_113 : f32 to vector<2048x256xf32>
    %max3A_115 = arith.maximumf %add3A_112, %max3A_114 : vector<2048x256xf32>
    %get3A_116 = arith.constant 0 : index
    %get3A_117 = arith.constant 0 : index
    %get3A_118 = vector.load %arg16[%get3A_116, %get3A_117] : memref<256x128xf32, #tpu.memory_space<vmem>>, vector<256x128xf32>
    %dot_general3A_119 = arith.constant dense<0.000000e+00> : vector<2048x128xf32>
    %dot_general3A_120 = tpu.matmul %max3A_115, %get3A_118, %dot_general3A_119 {dimension_numbers = #tpu.dot_dimension_numbers<[1], [0], [0], [1], [0, 0, 1, 1], [], []>, transpose_lhs_hint = false} : vector<2048x256xf32>, vector<256x128xf32>, vector<2048x128xf32> -> vector<2048x128xf32>
    %get3A_121 = arith.constant 0 : index
    %get3A_122 = arith.constant 0 : index
    %get3A_123 = vector.load %arg17[%get3A_121, %get3A_122] : memref<1x128xf32, #tpu.memory_space<vmem>>, vector<1x128xf32>
    %add3A_124 = vector.broadcast %get3A_123 : vector<1x128xf32> to vector<2048x128xf32>
    %add3A_125 = arith.addf %dot_general3A_120, %add3A_124 : vector<2048x128xf32>
    %get3A_126 = arith.constant 0 : index
    %get3A_127 = arith.constant 0 : index
    %get3A_128 = vector.load %arg18[%get3A_126, %get3A_127] : memref<128x384xf32, #tpu.memory_space<vmem>>, vector<128x384xf32>
    %dot_general3A_129 = arith.constant dense<0.000000e+00> : vector<2048x384xf32>
    %dot_general3A_130 = tpu.matmul %add3A_125, %get3A_128, %dot_general3A_129 {dimension_numbers = #tpu.dot_dimension_numbers<[1], [0], [0], [1], [0, 0, 1, 1], [], []>, transpose_lhs_hint = false} : vector<2048x128xf32>, vector<128x384xf32>, vector<2048x384xf32> -> vector<2048x384xf32>
    %get3A_131 = arith.constant 0 : index
    %get3A_132 = arith.constant 0 : index
    %get3A_133 = vector.load %arg19[%get3A_131, %get3A_132] : memref<1x384xf32, #tpu.memory_space<vmem>>, vector<1x384xf32>
    %add3A_134 = vector.broadcast %get3A_133 : vector<1x384xf32> to vector<2048x384xf32>
    %add3A_135 = arith.addf %dot_general3A_130, %add3A_134 : vector<2048x384xf32>
    %get3A_136 = arith.constant 0 : index
    %get3A_137 = arith.constant 0 : index
    %get3A_138 = vector.load %arg20[%get3A_136, %get3A_137] : memref<128x384xf32, #tpu.memory_space<vmem>>, vector<128x384xf32>
    %dot_general3A_139 = arith.constant dense<0.000000e+00> : vector<2048x384xf32>
    %dot_general3A_140 = tpu.matmul %mul3A_90, %get3A_138, %dot_general3A_139 {dimension_numbers = #tpu.dot_dimension_numbers<[1], [0], [0], [1], [0, 0, 1, 1], [], []>, transpose_lhs_hint = false} : vector<2048x128xf32>, vector<128x384xf32>, vector<2048x384xf32> -> vector<2048x384xf32>
    %add3A_141 = vector.broadcast %get3A_64 : vector<1x384xf32> to vector<2048x384xf32>
    %add3A_142 = arith.addf %dot_general3A_140, %add3A_141 : vector<2048x384xf32>
    %slice3A_143 = vector.extract_strided_slice %add3A_135 {offsets = [0, 0], sizes = [2048, 128], strides = [1, 1]} : vector<2048x384xf32> to vector<2048x128xf32>
    %slice3A_144 = vector.extract_strided_slice %add3A_142 {offsets = [0, 0], sizes = [2048, 128], strides = [1, 1]} : vector<2048x384xf32> to vector<2048x128xf32>
    %add3A_145 = arith.addf %slice3A_143, %slice3A_144 : vector<2048x128xf32>
    %logistic3A_146 = arith.negf %add3A_145 : vector<2048x128xf32>
    %logistic3A_147 = math.exp %logistic3A_146 : vector<2048x128xf32>
    %logistic3A_148 = arith.constant 1.000000e+00 : f32
    %logistic3A_149 = vector.broadcast %logistic3A_148 : f32 to vector<2048x128xf32>
    %logistic3A_150 = arith.addf %logistic3A_149, %logistic3A_147 : vector<2048x128xf32>
    %logistic3A_151 = arith.divf %logistic3A_149, %logistic3A_150 : vector<2048x128xf32>
    %slice3A_152 = vector.extract_strided_slice %add3A_135 {offsets = [0, 128], sizes = [2048, 128], strides = [1, 1]} : vector<2048x384xf32> to vector<2048x128xf32>
    %slice3A_153 = vector.extract_strided_slice %add3A_142 {offsets = [0, 128], sizes = [2048, 128], strides = [1, 1]} : vector<2048x384xf32> to vector<2048x128xf32>
    %add3A_154 = arith.addf %slice3A_152, %slice3A_153 : vector<2048x128xf32>
    %logistic3A_155 = arith.negf %add3A_154 : vector<2048x128xf32>
    %logistic3A_156 = math.exp %logistic3A_155 : vector<2048x128xf32>
    %logistic3A_157 = arith.constant 1.000000e+00 : f32
    %logistic3A_158 = vector.broadcast %logistic3A_157 : f32 to vector<2048x128xf32>
    %logistic3A_159 = arith.addf %logistic3A_158, %logistic3A_156 : vector<2048x128xf32>
    %logistic3A_160 = arith.divf %logistic3A_158, %logistic3A_159 : vector<2048x128xf32>
    %slice3A_161 = vector.extract_strided_slice %add3A_135 {offsets = [0, 256], sizes = [2048, 128], strides = [1, 1]} : vector<2048x384xf32> to vector<2048x128xf32>
    %slice3A_162 = vector.extract_strided_slice %add3A_142 {offsets = [0, 256], sizes = [2048, 128], strides = [1, 1]} : vector<2048x384xf32> to vector<2048x128xf32>
    %mul3A_163 = arith.mulf %logistic3A_151, %slice3A_162 : vector<2048x128xf32>
    %add3A_164 = arith.addf %slice3A_161, %mul3A_163 : vector<2048x128xf32>
    %tanh3A_165 = math.tanh %add3A_164 : vector<2048x128xf32>
    %sub3A_166 = arith.constant 1.000000e+00 : f32
    %sub3A_167 = vector.broadcast %sub3A_166 : f32 to vector<2048x128xf32>
    %sub3A_168 = arith.subf %sub3A_167, %logistic3A_160 : vector<2048x128xf32>
    %mul3A_169 = arith.mulf %sub3A_168, %tanh3A_165 : vector<2048x128xf32>
    %mul3A_170 = arith.mulf %logistic3A_160, %mul3A_90 : vector<2048x128xf32>
    %add3A_171 = arith.addf %mul3A_169, %mul3A_170 : vector<2048x128xf32>
    %swap3A = arith.constant 0 : index
    %swap3A_172 = arith.constant 0 : index
    %swap3A_173 = vector.load %arg22[%swap3A, %swap3A_172] : memref<2048x256xf32, #tpu.memory_space<vmem>>, vector<2048x128xf32>
    tpu.vector_store %arg22[%swap3A, %swap3A_172], %add3A_171 {strides = array<i32>} : memref<2048x256xf32, #tpu.memory_space<vmem>>, vector<2048x128xf32>,
    %swap3A_174 = arith.constant 0 : index
    %swap3A_175 = arith.constant 128 : index
    %swap3A_176 = vector.load %arg22[%swap3A_174, %swap3A_175] : memref<2048x256xf32, #tpu.memory_space<vmem>>, vector<2048x128xf32>
    tpu.vector_store %arg22[%swap3A_174, %swap3A_175], %add3A_171 {strides = array<i32>} : memref<2048x256xf32, #tpu.memory_space<vmem>>, vector<2048x128xf32>,
    %swap3A_177 = arith.constant 0 : index
    %swap3A_178 = arith.constant 0 : index
    %swap3A_179 = vector.load %arg23[%swap3A_177, %swap3A_178] : memref<2048x128xf32, #tpu.memory_space<vmem>>, vector<2048x128xf32>
    tpu.vector_store %arg23[%swap3A_177, %swap3A_178], %add3A_171 {strides = array<i32>} : memref<2048x128xf32, #tpu.memory_space<vmem>>, vector<2048x128xf32>,
    return
  }
  func.func @transform_0(%arg0: i32) -> (i32, i32) {
    %c0_i32 = arith.constant 0 : i32
    %c0_i32_0 = arith.constant 0 : i32
    return %arg0, %c0_i32 : i32, i32
  }
  func.func @transform_1(%arg0: i32) -> (i32, i32) {
    %c0_i32 = arith.constant 0 : i32
    %c0_i32_0 = arith.constant 0 : i32
    return %arg0, %c0_i32 : i32, i32
  }
  func.func @transform_2(%arg0: i32) -> (i32, i32) {
    %c0_i32 = arith.constant 0 : i32
    %c0_i32_0 = arith.constant 0 : i32
    %c0_i32_1 = arith.constant 0 : i32
    return %c0_i32, %c0_i32_0 : i32, i32
  }
  func.func @transform_3(%arg0: i32) -> (i32, i32) {
    %c0_i32 = arith.constant 0 : i32
    %c0_i32_0 = arith.constant 0 : i32
    %c0_i32_1 = arith.constant 0 : i32
    return %c0_i32, %c0_i32_0 : i32, i32
  }
  func.func @transform_4(%arg0: i32) -> (i32, i32) {
    %c0_i32 = arith.constant 0 : i32
    %c0_i32_0 = arith.constant 0 : i32
    %c0_i32_1 = arith.constant 0 : i32
    return %c0_i32, %c0_i32_0 : i32, i32
  }
  func.func @transform_5(%arg0: i32) -> i32 {
    %c0_i32 = arith.constant 0 : i32
    %c0_i32_0 = arith.constant 0 : i32
    return %c0_i32 : i32
  }
  func.func @transform_6(%arg0: i32) -> (i32, i32) {
    %c0_i32 = arith.constant 0 : i32
    %c0_i32_0 = arith.constant 0 : i32
    %c0_i32_1 = arith.constant 0 : i32
    return %c0_i32, %c0_i32_0 : i32, i32
  }
  func.func @transform_7(%arg0: i32) -> (i32, i32) {
    %c0_i32 = arith.constant 0 : i32
    %c0_i32_0 = arith.constant 0 : i32
    %c0_i32_1 = arith.constant 0 : i32
    return %c0_i32, %c0_i32_0 : i32, i32
  }
  func.func @transform_8(%arg0: i32) -> (i32, i32) {
    %c0_i32 = arith.constant 0 : i32
    %c0_i32_0 = arith.constant 0 : i32
    %c0_i32_1 = arith.constant 0 : i32
    return %c0_i32, %c0_i32_0 : i32, i32
  }
  func.func @transform_9(%arg0: i32) -> (i32, i32) {
    %c0_i32 = arith.constant 0 : i32
    %c0_i32_0 = arith.constant 0 : i32
    %c0_i32_1 = arith.constant 0 : i32
    return %c0_i32, %c0_i32_0 : i32, i32
  }
  func.func @transform_10(%arg0: i32) -> (i32, i32) {
    %c0_i32 = arith.constant 0 : i32
    %c0_i32_0 = arith.constant 0 : i32
    %c0_i32_1 = arith.constant 0 : i32
    return %c0_i32, %c0_i32_0 : i32, i32
  }
  func.func @transform_11(%arg0: i32) -> (i32, i32) {
    %c0_i32 = arith.constant 0 : i32
    %c0_i32_0 = arith.constant 0 : i32
    %c0_i32_1 = arith.constant 0 : i32
    return %c0_i32, %c0_i32_0 : i32, i32
  }
  func.func @transform_12(%arg0: i32) -> (i32, i32) {
    %c0_i32 = arith.constant 0 : i32
    %c0_i32_0 = arith.constant 0 : i32
    %c0_i32_1 = arith.constant 0 : i32
    return %c0_i32, %c0_i32_0 : i32, i32
  }
  func.func @transform_13(%arg0: i32) -> (i32, i32) {
    %c0_i32 = arith.constant 0 : i32
    %c0_i32_0 = arith.constant 0 : i32
    %c0_i32_1 = arith.constant 0 : i32
    return %c0_i32, %c0_i32_0 : i32, i32
  }
  func.func @transform_14(%arg0: i32) -> (i32, i32) {
    %c0_i32 = arith.constant 0 : i32
    %c0_i32_0 = arith.constant 0 : i32
    %c0_i32_1 = arith.constant 0 : i32
    return %c0_i32, %c0_i32_0 : i32, i32
  }
  func.func @transform_15(%arg0: i32) -> (i32, i32) {
    %c0_i32 = arith.constant 0 : i32
    %c0_i32_0 = arith.constant 0 : i32
    %c0_i32_1 = arith.constant 0 : i32
    return %c0_i32, %c0_i32_0 : i32, i32
  }
  func.func @transform_16(%arg0: i32) -> (i32, i32) {
    %c0_i32 = arith.constant 0 : i32
    %c0_i32_0 = arith.constant 0 : i32
    %c0_i32_1 = arith.constant 0 : i32
    return %c0_i32, %c0_i32_0 : i32, i32
  }
  func.func @transform_17(%arg0: i32) -> (i32, i32) {
    %c0_i32 = arith.constant 0 : i32
    %c0_i32_0 = arith.constant 0 : i32
    %c0_i32_1 = arith.constant 0 : i32
    return %c0_i32, %c0_i32_0 : i32, i32
  }
  func.func @transform_18(%arg0: i32) -> (i32, i32) {
    %c0_i32 = arith.constant 0 : i32
    %c0_i32_0 = arith.constant 0 : i32
    %c0_i32_1 = arith.constant 0 : i32
    return %c0_i32, %c0_i32_0 : i32, i32
  }
  func.func @transform_19(%arg0: i32) -> (i32, i32) {
    %c0_i32 = arith.constant 0 : i32
    %c0_i32_0 = arith.constant 0 : i32
    %c0_i32_1 = arith.constant 0 : i32
    return %c0_i32, %c0_i32_0 : i32, i32
  }
  func.func @transform_20(%arg0: i32) -> (i32, i32) {
    %c0_i32 = arith.constant 0 : i32
    %c0_i32_0 = arith.constant 0 : i32
    %c0_i32_1 = arith.constant 0 : i32
    return %c0_i32, %c0_i32_0 : i32, i32
  }
  func.func @transform_21(%arg0: i32) -> (i32, i32) {
    %c0_i32 = arith.constant 0 : i32
    %c0_i32_0 = arith.constant 0 : i32
    return %arg0, %c0_i32 : i32, i32
  }
  func.func @transform_22(%arg0: i32) -> (i32, i32) {
    %c0_i32 = arith.constant 0 : i32
    %c0_i32_0 = arith.constant 0 : i32
    return %arg0, %c0_i32 : i32, i32
  }
}

</mosaic_0001>

<sc_bundles>
// kernel: kernel.5.cloned.1.call-start
scs
__scs_entry_jumppad:
0x0: {  	(pc) =	sbr.rel $0x88, $3  }
0x1: {  	(tag) =	ssettag $0x0;
	lr =	simm.s32 $0x1  }
0x2: {  	[smem:$0x3F8B] =	sst lr;
	_ =	strace $0xD0000000  }
0x3: {  	_ = 	snop  }
0x4: {  	_ = 	snop  }
0x5: {  	_ = 	snop  }
0x6: {  	_ = 	snop  }
0x7: {  	_ = 	snop  }
__scs_overlays_trampoline_lowered:
0x8: {  	[smem:$0x3F9A] =	sst s0  }
0x9: {  	[smem:$0x3F9B] =	sst s1  }
0xa: {  	[smem:$0x3F9C] =	sst s2  }
0xb: {  	[smem:$0x3F9D] =	sst s3  }
0xc: {  	[smem:$0x3F9E] =	sst s4  }
0xd: {  	[smem:$0x3F9F] =	sst s5  }
0xe: {  	[smem:$0x3FA0] =	sst s6  }
0xf: {  	[smem:$0x3FA1] =	sst s7  }
0x10: {  	[smem:$0x3FA2] =	sst s8  }
0x11: {  	[smem:$0x3FA3] =	sst s9;
	s0 =	simm.s32 @!p0 $0x0  }
0x12: {  	s1 =	sld [smem:$0x3F89];
	s0 =	simm.s32 @p0 $0x1  }
0x13: {  	[smem:$0x3FA4] =	sst s0;
	s0 =	simm.s32 @!p1 $0x0  }
0x14: {  	s2 =	sld [smem:$0x3F88];
	s0 =	simm.s32 @p1 $0x1  }
0x15: {  	[smem:$0x3FA5] =	sst s0;
	s0 =	simm.s32 @!p2 $0x0  }
0x16: {  	s3 =	sld [smem:$0x3FDB];
	s0 =	simm.s32 @p2 $0x1  }
0x17: {  	s4 =	simm.s32 $0x1BF5;
	[smem:$0x3FA7] =	sst s0  }
0x18: {  	s0 =	sld [smem:$0x3F8A];
	_ =	swait.ge [sflag:s4], $0x0  }
0x19: {  	s7 =	sld [smem:$0x3F8B]  }
0x1a: {  	s8 =	sadd.s32 $0xFFFFE003, lr  }
0x1b: {  	s9 =	sadd.s32 $0xFFFFFEF7, lr;
	s5 =	simm.s32 $0xFFFFFFFF;
	p2 =	slt.u32 s8, $0xFFFFF086  }
0x1c: {  	p1 =	slt.u32 s9, $0xF7A;
	s5 =	simm.s32 @!p2 $0x0  }
0x1d: {  	s5 =	simm.s32 @p1 $0x1;
	p0 =	seq.s32 s7, s2  }
0x1e: {  	s7 =	smul.u32 @!p0 $0xF7A, s2;
	p2 =	seq.s32 @!p0 s5, $0x0  }
0x1f: {  	s9 =	smul.u32 $0xF7A, s1;
	s8 =	simm.s32 @!p0 $0x1BF5;
	p2 =	por !p2, p0  }
0x20: {  	[sflag:s8] =	ssyncset.s32 @!p0 $0xFFFFF086;
	s6 =	sadd.s32 @!p0 s3, s7;
	s7 =	simm.s32 @!p0 $0x108  }
0x21: {  	s3 =	sadd.s32 s3, s9;
	s6 =	sadd.s32 @!p0 $0x88, s6;
	s7 =	simm.s32 @p2 $0x1082  }
0x22: {  	[simem:s7], [sflag:s8] =	dma.local @!p0 [hbm:s6], $0xF7A  }
0x23: {  	s9 =	sor.u32 $0xD0000000, s2;
	s6 =	simm.s32 $0x108;
	_ =	swait.ge @!p0 [sflag:s8], $0x0  }
0x24: {  	s3 =	sadd.s32 $0x88, s3;
	s6 =	simm.s32 @!p1 $0x1082;
	[sflag:s4] =	ssyncset.s32 $0xFFFFF086  }
0x25: {  	[simem:s6], [sflag:s4] =	dma.local [hbm:s3], $0xF7A  }
0x26: {  	[smem:$0x3F8B] =	sst s1;
	(tag) =	ssettag s2;
	_ =	strace s9  }
0x27: {  	s1 =	sld [smem:$0x3F9B]  }
0x28: {  	s2 =	sld [smem:$0x3F9C]  }
0x29: {  	s4 =	sld [smem:$0x3F9E]  }
0x2a: {  	p0 =	seq.s32 s5, $0x0;
	s5 =	sld [smem:$0x3F9F]  }
0x2b: {  	s6 =	sld [smem:$0x3FA0]  }
0x2c: {  	s7 =	sld [smem:$0x3FA1]  }
0x2d: {  	s3 =	simm.s32 $0x108;
	s8 =	sld [smem:$0x3FA2]  }
0x2e: {  	s3 =	simm.s32 @!p0 $0x1082;
	s9 =	sld [smem:$0x3FA3]  }
0x2f: {  	lr =	sadd.s32 s0, s3;
	s0 =	sld [smem:$0x3F9A]  }
0x30: {  	s3 =	sld [smem:$0x3F9D]  }
0x31: {  	[smem:$0x3FA6] =	sst s10  }
0x32: {  	s10 =	sld [smem:$0x3FA4];
	_ =	sdelay $0x3  }
0x33: {  	p0 =	seq.s32 s10, $0x1;
	s10 =	sld [smem:$0x3FA6];
	_ =	sdelay $0x3  }
0x34: {  	[smem:$0x3FA6] =	sst s10  }
0x35: {  	s10 =	sld [smem:$0x3FA5];
	_ =	sdelay $0x3  }
0x36: {  	p1 =	seq.s32 s10, $0x1;
	s10 =	sld [smem:$0x3FA6];
	_ =	sdelay $0x3  }
0x37: {  	[smem:$0x3FA6] =	sst s10  }
0x38: {  	s10 =	sld [smem:$0x3FA7]  }
0x39: {  	_ = 	snop;
	(pc) =	sbr.ind lr, $3  }
0x3a: {  	_ = 	snop  }
0x3b: {  	_ = 	snop  }
0x3c: {  	p2 =	seq.s32 s10, $0x1;
	s10 =	sld [smem:$0x3FA6]  }
0x3d: {  	_ =	shalt  }
0x3e: {  	_ =	shalt  }
0x3f: {  	_ =	shalt  }
0x40: {  	_ =	shalt  }
0x41: {  	_ =	shalt  }
0x42: {  	_ =	shalt  }
0x43: {  	_ =	shalt  }
0x44: {  	_ =	shalt  }
0x45: {  	_ =	shalt  }
0x46: {  	_ =	shalt  }
0x47: {  	_ =	shalt  }
0x48: {  	_ =	shalt  }
0x49: {  	_ =	shalt  }
0x4a: {  	_ =	shalt  }
0x4b: {  	_ =	shalt  }
0x4c: {  	_ =	shalt  }
0x4d: {  	_ =	shalt  }
0x4e: {  	_ =	shalt  }
0x4f: {  	_ =	shalt  }
0x50: {  	_ =	shalt  }
0x51: {  	_ =	shalt  }
0x52: {  	_ =	shalt  }
0x53: {  	_ =	shalt  }
0x54: {  	_ =	shalt  }
0x55: {  	_ =	shalt  }
0x56: {  	_ =	shalt  }
0x57: {  	_ =	shalt  }
0x58: {  	_ =	shalt  }
0x59: {  	_ =	shalt  }
0x5a: {  	_ =	shalt  }
0x5b: {  	_ =	shalt  }
0x5c: {  	_ =	shalt  }
0x5d: {  	_ =	shalt  }
0x5e: {  	_ =	shalt  }
0x5f: {  	_ =	shalt  }
0x60: {  	_ =	shalt  }
0x61: {  	_ =	shalt  }
0x62: {  	_ =	shalt  }
0x63: {  	_ =	shalt  }
0x64: {  	_ =	shalt  }
0x65: {  	_ =	shalt  }
0x66: {  	_ =	shalt  }
0x67: {  	_ =	shalt  }
0x68: {  	_ =	shalt  }
0x69: {  	_ =	shalt  }
0x6a: {  	_ =	shalt  }
0x6b: {  	_ =	shalt  }
0x6c: {  	_ =	shalt  }
0x6d: {  	_ =	shalt  }
0x6e: {  	_ =	shalt  }
0x6f: {  	_ =	shalt  }
0x70: {  	_ =	shalt  }
0x71: {  	_ =	shalt  }
0x72: {  	_ =	shalt  }
0x73: {  	_ =	shalt  }
0x74: {  	_ =	shalt  }
0x75: {  	_ =	shalt  }
0x76: {  	_ =	shalt  }
0x77: {  	_ =	shalt  }
0x78: {  	_ =	shalt  }
0x79: {  	_ =	shalt  }
0x7a: {  	_ =	shalt  }
0x7b: {  	_ =	shalt  }
0x7c: {  	_ =	shalt  }
0x7d: {  	_ =	shalt  }
0x7e: {  	_ =	shalt  }
0x7f: {  	_ =	shalt  }
0x80: {  	_ =	shalt  }
0x81: {  	_ =	shalt  }
0x82: {  	_ =	shalt  }
0x83: {  	_ =	shalt  }
0x84: {  	_ =	shalt  }
0x85: {  	_ =	shalt  }
0x86: {  	_ =	shalt  }
0x87: {  	_ =	shalt  }
.Lfunc_end0:
.L_simem_size_0:
called_computation_lowered:
.L_overlay_start_0:
0x88: {  	s2 =	sld [smem:$0x3FD9]  }
0x89: {  	s3 =	sld [smem:$0x3FFE];
	_ =	sdelay $0x1  }
0x8a: {  	s1 =	srdreg.scid  }
0x8b: {  	s0 =	sand.u32 $0x1, s1  }
0x8c: {  	s14 =	sshll.u32 s0, $0xA;
	s2 =	sadd.s32 s3, s2  }
0x8d: {  	s2 =	sadd.s32 s2, s14  }
0x8e: {  	[smem:$0x3FB2] =	sst s2  }
0x8f: {  	_ = 	snop  }
0x90: {  	s2 =	sld [smem:$0x3FD0];
	_ =	sdelay $0x2  }
0x91: {  	s15 =	simm.s32 $0xA;
	s4 =	simm.s32 $0x10  }
0x92: {  	[smem:s4], [sflag:s15] =	dma.local [hbm:s2], $0x1  }
0x93: {  	_ =	swait.eq [sflag:s15], $0x1  }
0x94: {  	[sflag:s15] =	ssyncset.done $0x0  }
0x95: {  	[sflag:s15] =	ssyncadd.s32 $0xFFFFFFFF  }
0x96: {  	s16 =	sld [smem:$0x11];
	(tm) =	ssettm $0x1  }
0x97: {  	s17 =	sld [smem:$0x3FFB];
	_ =	sdelay $0x3  }
0x98: {  	_ =	strace s17  }
0x99: {  	s3 =	sld [smem:$0x3FFC];
	_ =	sdelay $0x3  }
0x9a: {  	_ =	strace s3  }
0x9b: {  	s3 =	sld [smem:$0x3FFD];
	_ =	sdelay $0x3  }
0x9c: {  	_ =	strace s3  }
0x9d: {  	_ =	strace $0x8FFFFFFF  }
0x9e: {  	s18 =	sld [smem:$0x3FDB];
	_ =	sdelay $0x1  }
0x9f: {  	s19 =	simm.s32 $_scs_section_size  }
0xa0: {  	s5 =	simm.s32 $_size__tile_overlayer_lowered;
	s6 =	simm.s32 $_tile_overlayer_lowered  }
0xa1: {  	s22 =	simm.s32 $0x1BFF;
	s21 =	sshll.u32 s6, $0x1;
	s3 =	sadd.s32 s19, s18  }
0xa2: {  	s7 =	simm.s32 $0x0;
	s20 =	sshll.u32 s5, $0x1;
	s5 =	sadd.s32 s21, s3  }
0xa3: {  	[timem:s7], [sflag:s22] =	dma.local [hbm:s5], s20  }
0xa4: {  	_ =	swait.ge [sflag:s22], s20  }
0xa5: {  	s4 =	ssub.s32 $0x0, s20;
	[sflag:s22] =	ssyncset.done $0x0  }
0xa6: {  	[sflag:s22] =	ssyncadd.s32 s4;
	_ =	sdelay $0x1  }
0xa7: {  	s23 =	simm.s32 $0x1B8B  }
0xa8: {  	_ =	swait.ge [sflag:s23], $0x1  }
0xa9: {  	[sflag:s23] =	ssyncset.done $0x0  }
0xaa: {  	s25 =	simm.s32 $0x1B8E;
	s24 =	sld [smem:$0x3FFE];
	[sflag:s23] =	ssyncadd.s32 $0xFFFFFFFF  }
0xab: {  	s26 =	simm.s32 $execute0_lowered;
	[smem:$0x3FD2] =	sst s25  }
0xac: {  	s5 =	sshll.u32 s26, $0x1;
	_ =	strace $0x80000046;
	[dreg:$0x1] =	wrdreg $0xFFFFFFFF  }
0xad: {  	s28 =	simm.s32 $_size_execute0_lowered;
	s3 =	sadd.s32 s3, s5;
	[dreg:$0x0] =	wrdreg $0x0  }
0xae: {  	s5 =	sshll.u32 s28, $0x1;
	[dreg:$0x2] =	wrdreg s3  }
0xaf: {  	[dreg:$0x3] =	wrdreg s5  }
0xb0: {  	[dreg:$0x4] =	wrdreg $0xC0  }
0xb1: {  	_ =	task [dreg:s7], $0x5FFFF  }
0xb2: {  	[dreg:$0x1] =	wrdreg $0xFFFFFFFF  }
0xb3: {  	[dreg:$0x0] =	wrdreg $0x60  }
0xb4: {  	[dreg:$0x2] =	wrdreg s24  }
0xb5: {  	[dreg:$0x3] =	wrdreg s16  }
0xb6: {  	[dreg:$0x4] =	wrdreg $0x9  }
0xb7: {  	_ =	task.clear_ibuf [dreg:s7], $0x5FFFF;
	_ =	strace $0x90000046  }
0xb8: {  	s29 =	simm.s32 $0x9;
	_ =	strace $0x80000048  }
0xb9: {  	_ =	swait.ge [sflag:s29], $0x1  }
0xba: {  	[sflag:s29] =	ssyncadd.s32 $0xFFFFFFFF  }
0xbb: {  	_ =	strace $0x90000048  }
0xbc: {  	_ =	sfence  }
0xbd: {  	s30 =	sld [smem:$0x0];
	_ =	sdelay $0x2  }
0xbe: {  	s31 =	sshll.u32 s1, $0xD;
	s1 =	sshrl.u32 s1, $0x2  }
0xbf: {  	s3 =	sand.u32 $0x4000, s31;
	s1 =	sadd.s32 s1, s30  }
0xc0: {  	s0 =	sor.u32 s3, s0;
	s1 =	sshll.u32 s1, $0x11  }
0xc1: {  	s0 =	sor.u32 s1, s0  }
0xc2: {  	s0 =	sadd.s32 $0x8F2B, s0  }
0xc3: {  	[sflag:s0] =	ssyncadd.remote.s32 $0x1  }
0xc4: {  	_ =	sfence.sel $0xFFFF  }
0xc5: {  	[dreg:$0x0] =	wrdreg $0xFFFFFFFF;
	(pc) =	sbr.abs _section_cstart, $3  }
0xc6: {  	[dreg:$0x1] =	wrdreg $0xFFFFFFFF  }
0xc7: {  	_ =	task.clear_ibuf [dreg:s7], $0x2FFFF;
	_ =	strace $0x9FFFFFFF  }
0xc8: {  	(tm) =	ssettm $0x7FFFFFFF  }
0xc9: {  	_ =	shalt  }
tec
execute0_lowered:
.L_overlay_start_1:
0x0: {  	(tag) =	ssettag $0x1  }
0x1: {  	s0 =	srdreg.scid;
	s1 =	rddreg [dreg:$0x0]  }
0x2: {  	s30 =	stileid.u32;
	s4 =	rddreg [dreg:$0x1];
	s3 =	simm.s32 $0x0  }
0x3: {  	p1 =	por $0x0, $0x0;
	s0 =	sand.u32 $0x1, s0;
	s2 =	sshll.u32 s30, $0x1  }
0x4: {  	s29 =	simm.s32 $0x2;
	[smem:$0x7FF] =	sst s3;
	s2 =	sor.u32 s0, s2  }
0x5: {  	s1 =	sadd.s32 $0x2800, s1;
	s0 =	ssub.s32 $0x2, s0;
	s5 =	smul.u32 $0x1F400, s2  }
0x6: {  	p0 =	sgt.u32 s30, $0x3;
	s2 =	smul.u32 $0x3E80, s2;
	s25 =	sshrl.u32 s0, $0x1  }
0x7: {  	_ =	strace $0x80000047;
	[dreg:$0x3] =	wrdreg s1;
	s0 =	ssub.s32 s0, s25  }
0x8: {  	s5 =	sshrl.u32 s5, $0x3;
	s19 =	sadd.s32 s4, s2;
	s0 =	smax.u32 s0, $0x1  }
0x9: {  	s2 =	sadd.s32 s4, s5;
	[dreg:$0x4] =	wrdreg s19;
	s1 =	sadd.s32 $0xFFFFFFFF, s0  }
0xa: {  	s0 =	rddreg [dreg:$0x3];
	s20 =	sadd.s32 $0x7D000, s2;
	s21 =	sadd.s32 $0xFA000, s2  }
0xb: {  	s22 =	sadd.s32 $0x177000, s2;
	s23 =	sadd.s32 $0x1F4000, s2;
	s24 =	sadd.s32 $0x271000, s2  }
0xc: {  	s26 =	sadd.s32 $0x2EE000, s2;
	s31 =	sadd.s32 $0x36B000, s2;
	s4 =	sadd.s32 $0x3E8000, s2  }
0xd: {  	s5 =	sadd.s32 $0x465000, s2;
	s6 =	sadd.s32 $0x4E2000, s2;
	s7 =	sadd.s32 $0x55F000, s2  }
0xe: {  	s8 =	sadd.s32 $0x5DC000, s2;
	s9 =	sadd.s32 $0x659000, s2;
	s10 =	sadd.s32 $0x6D6000, s2  }
0xf: {  	s11 =	sadd.s32 $0x753000, s2;
	s12 =	sadd.s32 $0x7D0000, s2;
	[dreg:$0x5] =	wrdreg s20  }
0x10: {  	s13 =	sadd.s32 $0x84D000, s2;
	s14 =	sadd.s32 $0x8CA000, s2;
	[dreg:$0x6] =	wrdreg s21  }
0x11: {  	s15 =	sadd.s32 $0x947000, s2;
	s16 =	sadd.s32 $0x9C4000, s2;
	[dreg:$0x7] =	wrdreg s22  }
0x12: {  	s17 =	sadd.s32 $0xA41000, s2;
	p2 =	sne.s32 s1, $0x0;
	[dreg:$0x8] =	wrdreg s23  }
.Ltmp0:
0x13: {  	s18 =	sadd.s32 $0xABE000, s2;
	[dreg:$0x9] =	wrdreg s24;
	(pc) =	sbr.rel @!p2 .LBB2_1-.Ltmp0, $4  }
0x14: {  	s19 =	sadd.s32 $0xB3B000, s2;
	s28 =	sadd.s32 $0xEA6000, s2;
	[dreg:$0xa] =	wrdreg s26  }
0x15: {  	s25 =	sadd.s32 $0xF23000, s2;
	[dreg:$0xb] =	wrdreg s31;
	s20 =	sadd.s32 $0xBB8000, s2  }
0x16: {  	s21 =	sadd.s32 $0xC35000, s2;
	s22 =	sadd.s32 $0xCB2000, s2;
	s23 =	sadd.s32 $0xD2F000, s2  }
0x17: {  	s24 =	sadd.s32 $0xDAC000, s2;
	s26 =	sadd.s32 $0xE29000, s2;
	s2 =	simm.s32 $0x1  }
0x18: {  	[tilespmem:s3], [sflag:$0x2] =	stream.linear.gather [hbm4b:s0+s3], $0x1F400, $0x38;
	[tilespmem:$0x1F400] =	vst v63  }
0x19: {  	_ =	swait.ge [sflag:s29], $0x1F400  }
0x1a: {  	[sflag:s29] =	ssyncset.done $0x0  }
0x1b: {  	s0 =	rddreg [dreg:$0x4];
	[sflag:s29] =	ssyncadd.s32 $0xFFFE0C00  }
0x1c: {  	[hbm4b:s0+s3] =	stream.linear.scatter [tilespmem:s3], [sflag:$0x1], $0x1F400, $0x38;
	[tilespmem:$0x1F400] =	vst v63  }
0x1d: {  	s30 =	rddreg [dreg:$0x5]  }
0x1e: {  	[hbm4b:s30+s3] =	stream.linear.scatter [tilespmem:s3], [sflag:$0x1], $0x1F400, $0x38;
	[tilespmem:$0x1F400] =	vst v63  }
0x1f: {  	s0 =	rddreg [dreg:$0x6]  }
0x20: {  	[hbm4b:s0+s3] =	stream.linear.scatter [tilespmem:s3], [sflag:$0x1], $0x1F400, $0x38;
	[tilespmem:$0x1F400] =	vst v63  }
0x21: {  	s30 =	rddreg [dreg:$0x7]  }
0x22: {  	[hbm4b:s30+s3] =	stream.linear.scatter [tilespmem:s3], [sflag:$0x1], $0x1F400, $0x38;
	[tilespmem:$0x1F400] =	vst v63  }
0x23: {  	s0 =	rddreg [dreg:$0x8]  }
0x24: {  	[hbm4b:s0+s3] =	stream.linear.scatter [tilespmem:s3], [sflag:$0x1], $0x1F400, $0x38;
	[tilespmem:$0x1F400] =	vst v63  }
0x25: {  	s30 =	rddreg [dreg:$0x9]  }
0x26: {  	[hbm4b:s30+s3] =	stream.linear.scatter [tilespmem:s3], [sflag:$0x1], $0x1F400, $0x38;
	[tilespmem:$0x1F400] =	vst v63  }
0x27: {  	s0 =	rddreg [dreg:$0xa]  }
0x28: {  	[hbm4b:s0+s3] =	stream.linear.scatter [tilespmem:s3], [sflag:$0x1], $0x1F400, $0x38;
	[tilespmem:$0x1F400] =	vst v63  }
0x29: {  	s30 =	rddreg [dreg:$0xb]  }
0x2a: {  	[hbm4b:s30+s3] =	stream.linear.scatter [tilespmem:s3], [sflag:$0x1], $0x1F400, $0x38;
	[tilespmem:$0x1F400] =	vst v63  }
0x2b: {  	_ = 	snop  }
0x2c: {  	[hbm4b:s4+s3] =	stream.linear.scatter [tilespmem:s3], [sflag:$0x1], $0x1F400, $0x38;
	[tilespmem:$0x1F400] =	vst v63  }
0x2d: {  	_ = 	snop  }
0x2e: {  	[hbm4b:s5+s3] =	stream.linear.scatter [tilespmem:s3], [sflag:$0x1], $0x1F400, $0x38;
	[tilespmem:$0x1F400] =	vst v63  }
0x2f: {  	_ = 	snop  }
0x30: {  	[hbm4b:s6+s3] =	stream.linear.scatter [tilespmem:s3], [sflag:$0x1], $0x1F400, $0x38;
	[tilespmem:$0x1F400] =	vst v63  }
0x31: {  	_ = 	snop  }
0x32: {  	[hbm4b:s7+s3] =	stream.linear.scatter [tilespmem:s3], [sflag:$0x1], $0x1F400, $0x38;
	[tilespmem:$0x1F400] =	vst v63  }
0x33: {  	_ = 	snop  }
0x34: {  	[hbm4b:s8+s3] =	stream.linear.scatter [tilespmem:s3], [sflag:$0x1], $0x1F400, $0x38;
	[tilespmem:$0x1F400] =	vst v63  }
0x35: {  	_ = 	snop  }
0x36: {  	[hbm4b:s9+s3] =	stream.linear.scatter [tilespmem:s3], [sflag:$0x1], $0x1F400, $0x38;
	[tilespmem:$0x1F400] =	vst v63  }
0x37: {  	_ = 	snop  }
0x38: {  	[hbm4b:s10+s3] =	stream.linear.scatter [tilespmem:s3], [sflag:$0x1], $0x1F400, $0x38;
	[tilespmem:$0x1F400] =	vst v63  }
0x39: {  	_ = 	snop  }
0x3a: {  	[hbm4b:s11+s3] =	stream.linear.scatter [tilespmem:s3], [sflag:$0x1], $0x1F400, $0x38;
	[tilespmem:$0x1F400] =	vst v63  }
0x3b: {  	_ = 	snop  }
0x3c: {  	[hbm4b:s12+s3] =	stream.linear.scatter [tilespmem:s3], [sflag:$0x1], $0x1F400, $0x38;
	[tilespmem:$0x1F400] =	vst v63  }
0x3d: {  	_ = 	snop  }
0x3e: {  	[hbm4b:s13+s3] =	stream.linear.scatter [tilespmem:s3], [sflag:$0x1], $0x1F400, $0x38;
	[tilespmem:$0x1F400] =	vst v63  }
0x3f: {  	_ = 	snop  }
0x40: {  	[hbm4b:s14+s3] =	stream.linear.scatter [tilespmem:s3], [sflag:$0x1], $0x1F400, $0x38;
	[tilespmem:$0x1F400] =	vst v63  }
0x41: {  	_ = 	snop  }
0x42: {  	[hbm4b:s15+s3] =	stream.linear.scatter [tilespmem:s3], [sflag:$0x1], $0x1F400, $0x38;
	[tilespmem:$0x1F400] =	vst v63  }
0x43: {  	_ = 	snop  }
0x44: {  	[hbm4b:s16+s3] =	stream.linear.scatter [tilespmem:s3], [sflag:$0x1], $0x1F400, $0x38;
	[tilespmem:$0x1F400] =	vst v63  }
0x45: {  	_ = 	snop  }
0x46: {  	[hbm4b:s17+s3] =	stream.linear.scatter [tilespmem:s3], [sflag:$0x1], $0x1F400, $0x38;
	[tilespmem:$0x1F400] =	vst v63  }
0x47: {  	_ = 	snop  }
0x48: {  	[hbm4b:s18+s3] =	stream.linear.scatter [tilespmem:s3], [sflag:$0x1], $0x1F400, $0x38;
	[tilespmem:$0x1F400] =	vst v63  }
0x49: {  	_ = 	snop  }
0x4a: {  	[hbm4b:s19+s3] =	stream.linear.scatter [tilespmem:s3], [sflag:$0x1], $0x1F400, $0x38;
	[tilespmem:$0x1F400] =	vst v63  }
0x4b: {  	_ = 	snop  }
0x4c: {  	[hbm4b:s20+s3] =	stream.linear.scatter [tilespmem:s3], [sflag:$0x1], $0x1F400, $0x38;
	[tilespmem:$0x1F400] =	vst v63  }
0x4d: {  	_ = 	snop  }
0x4e: {  	[hbm4b:s21+s3] =	stream.linear.scatter [tilespmem:s3], [sflag:$0x1], $0x1F400, $0x38;
	[tilespmem:$0x1F400] =	vst v63  }
0x4f: {  	_ = 	snop  }
0x50: {  	[hbm4b:s22+s3] =	stream.linear.scatter [tilespmem:s3], [sflag:$0x1], $0x1F400, $0x38;
	[tilespmem:$0x1F400] =	vst v63  }
0x51: {  	_ = 	snop  }
0x52: {  	[hbm4b:s23+s3] =	stream.linear.scatter [tilespmem:s3], [sflag:$0x1], $0x1F400, $0x38;
	[tilespmem:$0x1F400] =	vst v63  }
0x53: {  	_ = 	snop  }
0x54: {  	[hbm4b:s24+s3] =	stream.linear.scatter [tilespmem:s3], [sflag:$0x1], $0x1F400, $0x38;
	[tilespmem:$0x1F400] =	vst v63  }
0x55: {  	_ = 	snop  }
0x56: {  	[hbm4b:s26+s3] =	stream.linear.scatter [tilespmem:s3], [sflag:$0x1], $0x1F400, $0x38;
	[tilespmem:$0x1F400] =	vst v63  }
0x57: {  	_ = 	snop  }
0x58: {  	[hbm4b:s28+s3] =	stream.linear.scatter [tilespmem:s3], [sflag:$0x1], $0x1F400, $0x38;
	[tilespmem:$0x1F400] =	vst v63  }
0x59: {  	s0 =	simm.s32 @!p0 $0x0  }
0x5a: {  	[hbm4b:s25+s0] =	stream.linear.scatter @!p0 [tilespmem:s0], [sflag:$0x1], $0x1F400, $0x38;
	[tilespmem:$0x1F400] =	vst v63  }
0x5b: {  	_ =	swait.ge [sflag:s2], $0x1F400  }
0x5c: {  	[sflag:s2] =	ssyncset.done $0x0  }
0x5d: {  	[sflag:s2] =	ssyncadd.s32 $0xFFFE0C00  }
0x5e: {  	_ =	swait.ge [sflag:s2], $0x1F400  }
0x5f: {  	[sflag:s2] =	ssyncset.done $0x0  }
0x60: {  	[sflag:s2] =	ssyncadd.s32 $0xFFFE0C00  }
0x61: {  	_ =	swait.ge [sflag:s2], $0x1F400  }
0x62: {  	[sflag:s2] =	ssyncset.done $0x0  }
0x63: {  	[sflag:s2] =	ssyncadd.s32 $0xFFFE0C00  }
0x64: {  	_ =	swait.ge [sflag:s2], $0x1F400  }
0x65: {  	[sflag:s2] =	ssyncset.done $0x0  }
0x66: {  	[sflag:s2] =	ssyncadd.s32 $0xFFFE0C00  }
0x67: {  	_ =	swait.ge [sflag:s2], $0x1F400  }
0x68: {  	[sflag:s2] =	ssyncset.done $0x0  }
0x69: {  	[sflag:s2] =	ssyncadd.s32 $0xFFFE0C00  }
0x6a: {  	_ =	swait.ge [sflag:s2], $0x1F400  }
0x6b: {  	[sflag:s2] =	ssyncset.done $0x0  }
0x6c: {  	[sflag:s2] =	ssyncadd.s32 $0xFFFE0C00  }
0x6d: {  	_ =	swait.ge [sflag:s2], $0x1F400  }
0x6e: {  	[sflag:s2] =	ssyncset.done $0x0  }
0x6f: {  	[sflag:s2] =	ssyncadd.s32 $0xFFFE0C00  }
0x70: {  	_ =	swait.ge [sflag:s2], $0x1F400  }
0x71: {  	[sflag:s2] =	ssyncset.done $0x0  }
0x72: {  	[sflag:s2] =	ssyncadd.s32 $0xFFFE0C00  }
0x73: {  	_ =	swait.ge [sflag:s2], $0x1F400  }
0x74: {  	[sflag:s2] =	ssyncset.done $0x0  }
0x75: {  	[sflag:s2] =	ssyncadd.s32 $0xFFFE0C00  }
0x76: {  	_ =	swait.ge [sflag:s2], $0x1F400  }
0x77: {  	[sflag:s2] =	ssyncset.done $0x0  }
0x78: {  	[sflag:s2] =	ssyncadd.s32 $0xFFFE0C00  }
0x79: {  	_ =	swait.ge [sflag:s2], $0x1F400  }
0x7a: {  	[sflag:s2] =	ssyncset.done $0x0  }
0x7b: {  	[sflag:s2] =	ssyncadd.s32 $0xFFFE0C00  }
0x7c: {  	_ =	swait.ge [sflag:s2], $0x1F400  }
0x7d: {  	[sflag:s2] =	ssyncset.done $0x0  }
0x7e: {  	[sflag:s2] =	ssyncadd.s32 $0xFFFE0C00  }
0x7f: {  	_ =	swait.ge [sflag:s2], $0x1F400  }
0x80: {  	[sflag:s2] =	ssyncset.done $0x0  }
0x81: {  	[sflag:s2] =	ssyncadd.s32 $0xFFFE0C00  }
0x82: {  	_ =	swait.ge [sflag:s2], $0x1F400  }
0x83: {  	[sflag:s2] =	ssyncset.done $0x0  }
0x84: {  	[sflag:s2] =	ssyncadd.s32 $0xFFFE0C00  }
0x85: {  	_ =	swait.ge [sflag:s2], $0x1F400  }
0x86: {  	[sflag:s2] =	ssyncset.done $0x0  }
0x87: {  	[sflag:s2] =	ssyncadd.s32 $0xFFFE0C00  }
0x88: {  	_ =	swait.ge [sflag:s2], $0x1F400  }
0x89: {  	[sflag:s2] =	ssyncset.done $0x0  }
0x8a: {  	[sflag:s2] =	ssyncadd.s32 $0xFFFE0C00  }
0x8b: {  	_ =	swait.ge [sflag:s2], $0x1F400  }
0x8c: {  	[sflag:s2] =	ssyncset.done $0x0  }
0x8d: {  	[sflag:s2] =	ssyncadd.s32 $0xFFFE0C00  }
0x8e: {  	_ =	swait.ge [sflag:s2], $0x1F400  }
0x8f: {  	[sflag:s2] =	ssyncset.done $0x0  }
0x90: {  	[sflag:s2] =	ssyncadd.s32 $0xFFFE0C00  }
0x91: {  	_ =	swait.ge [sflag:s2], $0x1F400  }
0x92: {  	[sflag:s2] =	ssyncset.done $0x0  }
0x93: {  	[sflag:s2] =	ssyncadd.s32 $0xFFFE0C00  }
0x94: {  	_ =	swait.ge [sflag:s2], $0x1F400  }
0x95: {  	[sflag:s2] =	ssyncset.done $0x0  }
0x96: {  	[sflag:s2] =	ssyncadd.s32 $0xFFFE0C00  }
0x97: {  	_ =	swait.ge [sflag:s2], $0x1F400  }
0x98: {  	[sflag:s2] =	ssyncset.done $0x0  }
0x99: {  	[sflag:s2] =	ssyncadd.s32 $0xFFFE0C00  }
0x9a: {  	_ =	swait.ge [sflag:s2], $0x1F400  }
0x9b: {  	[sflag:s2] =	ssyncset.done $0x0  }
0x9c: {  	[sflag:s2] =	ssyncadd.s32 $0xFFFE0C00  }
0x9d: {  	_ =	swait.ge [sflag:s2], $0x1F400  }
0x9e: {  	[sflag:s2] =	ssyncset.done $0x0  }
0x9f: {  	[sflag:s2] =	ssyncadd.s32 $0xFFFE0C00  }
0xa0: {  	_ =	swait.ge [sflag:s2], $0x1F400  }
0xa1: {  	[sflag:s2] =	ssyncset.done $0x0  }
0xa2: {  	[sflag:s2] =	ssyncadd.s32 $0xFFFE0C00  }
0xa3: {  	_ =	swait.ge [sflag:s2], $0x1F400  }
0xa4: {  	[sflag:s2] =	ssyncset.done $0x0  }
0xa5: {  	[sflag:s2] =	ssyncadd.s32 $0xFFFE0C00  }
0xa6: {  	_ =	swait.ge [sflag:s2], $0x1F400  }
0xa7: {  	[sflag:s2] =	ssyncset.done $0x0  }
0xa8: {  	[sflag:s2] =	ssyncadd.s32 $0xFFFE0C00  }
0xa9: {  	_ =	swait.ge [sflag:s2], $0x1F400  }
0xaa: {  	[sflag:s2] =	ssyncset.done $0x0  }
0xab: {  	[sflag:s2] =	ssyncadd.s32 $0xFFFE0C00  }
0xac: {  	_ =	swait.ge [sflag:s2], $0x1F400  }
0xad: {  	[sflag:s2] =	ssyncset.done $0x0  }
0xae: {  	[sflag:s2] =	ssyncadd.s32 $0xFFFE0C00  }
0xaf: {  	_ =	swait.ge [sflag:s2], $0x1F400  }
0xb0: {  	[sflag:s2] =	ssyncset.done $0x0  }
0xb1: {  	[sflag:s2] =	ssyncadd.s32 $0xFFFE0C00  }
0xb2: {  	_ =	swait.ge [sflag:s2], $0x1F400  }
0xb3: {  	s1 =	sadd.s32 $0xFFFFFFFF, s1;
	[sflag:s2] =	ssyncset.done $0x0  }
0xb4: {  	p2 =	sne.s32 s1, $0x0;
	[sflag:s2] =	ssyncadd.s32 $0xFFFE0C00  }
.Ltmp1:
0xb5: {  	_ =	swait.ge [sflag:s2], $0x1F400;
	(pc) =	sbr.rel @!p2 .LBB2_3-.Ltmp1, $4  }
0xb6: {  	[sflag:s2] =	ssyncset.done $0x0  }
0xb7: {  	s31 =	simm.s32 @!p0 $0x1;
	[sflag:s2] =	ssyncadd.s32 $0xFFFE0C00  }
0xb8: {  	_ =	swait.ge @!p0 [sflag:s31], $0x1F400  }
0xb9: {  	p1 =	por $0x1, $0x1;
	s0 =	rddreg [dreg:$0x3];
	[sflag:s31] =	ssyncset.done @!p0 $0x0  }
.LBB2_4:
0xba: {  	[sflag:s31] =	ssyncadd.s32 @!p0 $0xFFFE0C00  }
0xbb: {  	[tilespmem:s3], [sflag:$0x2] =	stream.linear.gather [hbm4b:s0+s3], $0x1F400, $0x38;
	[tilespmem:$0x1F400] =	vst v63  }
0xbc: {  	_ =	swait.ge [sflag:s29], $0x1F400  }
0xbd: {  	[sflag:s29] =	ssyncset.done $0x0  }
0xbe: {  	s0 =	rddreg [dreg:$0x4];
	[sflag:s29] =	ssyncadd.s32 $0xFFFE0C00  }
0xbf: {  	[hbm4b:s0+s3] =	stream.linear.scatter [tilespmem:s3], [sflag:$0x1], $0x1F400, $0x38;
	[tilespmem:$0x1F400] =	vst v63  }
0xc0: {  	s30 =	rddreg [dreg:$0x5]  }
0xc1: {  	[hbm4b:s30+s3] =	stream.linear.scatter [tilespmem:s3], [sflag:$0x1], $0x1F400, $0x38;
	[tilespmem:$0x1F400] =	vst v63  }
0xc2: {  	s0 =	rddreg [dreg:$0x6]  }
0xc3: {  	[hbm4b:s0+s3] =	stream.linear.scatter [tilespmem:s3], [sflag:$0x1], $0x1F400, $0x38;
	[tilespmem:$0x1F400] =	vst v63  }
0xc4: {  	s30 =	rddreg [dreg:$0x7]  }
0xc5: {  	[hbm4b:s30+s3] =	stream.linear.scatter [tilespmem:s3], [sflag:$0x1], $0x1F400, $0x38;
	[tilespmem:$0x1F400] =	vst v63  }
0xc6: {  	s0 =	rddreg [dreg:$0x8]  }
0xc7: {  	[hbm4b:s0+s3] =	stream.linear.scatter [tilespmem:s3], [sflag:$0x1], $0x1F400, $0x38;
	[tilespmem:$0x1F400] =	vst v63  }
0xc8: {  	s30 =	rddreg [dreg:$0x9]  }
0xc9: {  	[hbm4b:s30+s3] =	stream.linear.scatter [tilespmem:s3], [sflag:$0x1], $0x1F400, $0x38;
	[tilespmem:$0x1F400] =	vst v63  }
0xca: {  	s0 =	rddreg [dreg:$0xa]  }
0xcb: {  	[hbm4b:s0+s3] =	stream.linear.scatter [tilespmem:s3], [sflag:$0x1], $0x1F400, $0x38;
	[tilespmem:$0x1F400] =	vst v63  }
0xcc: {  	s30 =	rddreg [dreg:$0xb]  }
0xcd: {  	[hbm4b:s30+s3] =	stream.linear.scatter [tilespmem:s3], [sflag:$0x1], $0x1F400, $0x38;
	[tilespmem:$0x1F400] =	vst v63  }
0xce: {  	_ = 	snop  }
0xcf: {  	[hbm4b:s4+s3] =	stream.linear.scatter [tilespmem:s3], [sflag:$0x1], $0x1F400, $0x38;
	[tilespmem:$0x1F400] =	vst v63  }
0xd0: {  	_ = 	snop  }
0xd1: {  	[hbm4b:s5+s3] =	stream.linear.scatter [tilespmem:s3], [sflag:$0x1], $0x1F400, $0x38;
	[tilespmem:$0x1F400] =	vst v63  }
0xd2: {  	_ = 	snop  }
0xd3: {  	[hbm4b:s6+s3] =	stream.linear.scatter [tilespmem:s3], [sflag:$0x1], $0x1F400, $0x38;
	[tilespmem:$0x1F400] =	vst v63  }
0xd4: {  	_ = 	snop  }
0xd5: {  	[hbm4b:s7+s3] =	stream.linear.scatter [tilespmem:s3], [sflag:$0x1], $0x1F400, $0x38;
	[tilespmem:$0x1F400] =	vst v63  }
0xd6: {  	_ = 	snop  }
0xd7: {  	[hbm4b:s8+s3] =	stream.linear.scatter [tilespmem:s3], [sflag:$0x1], $0x1F400, $0x38;
	[tilespmem:$0x1F400] =	vst v63  }
0xd8: {  	_ = 	snop  }
0xd9: {  	[hbm4b:s9+s3] =	stream.linear.scatter [tilespmem:s3], [sflag:$0x1], $0x1F400, $0x38;
	[tilespmem:$0x1F400] =	vst v63  }
0xda: {  	_ = 	snop  }
0xdb: {  	[hbm4b:s10+s3] =	stream.linear.scatter [tilespmem:s3], [sflag:$0x1], $0x1F400, $0x38;
	[tilespmem:$0x1F400] =	vst v63  }
0xdc: {  	_ = 	snop  }
0xdd: {  	[hbm4b:s11+s3] =	stream.linear.scatter [tilespmem:s3], [sflag:$0x1], $0x1F400, $0x38;
	[tilespmem:$0x1F400] =	vst v63  }
0xde: {  	_ = 	snop  }
0xdf: {  	[hbm4b:s12+s3] =	stream.linear.scatter [tilespmem:s3], [sflag:$0x1], $0x1F400, $0x38;
	[tilespmem:$0x1F400] =	vst v63  }
0xe0: {  	_ = 	snop  }
0xe1: {  	[hbm4b:s13+s3] =	stream.linear.scatter [tilespmem:s3], [sflag:$0x1], $0x1F400, $0x38;
	[tilespmem:$0x1F400] =	vst v63  }
0xe2: {  	_ = 	snop  }
0xe3: {  	[hbm4b:s14+s3] =	stream.linear.scatter [tilespmem:s3], [sflag:$0x1], $0x1F400, $0x38;
	[tilespmem:$0x1F400] =	vst v63  }
0xe4: {  	_ = 	snop  }
0xe5: {  	[hbm4b:s15+s3] =	stream.linear.scatter [tilespmem:s3], [sflag:$0x1], $0x1F400, $0x38;
	[tilespmem:$0x1F400] =	vst v63  }
0xe6: {  	_ = 	snop  }
0xe7: {  	[hbm4b:s16+s3] =	stream.linear.scatter [tilespmem:s3], [sflag:$0x1], $0x1F400, $0x38;
	[tilespmem:$0x1F400] =	vst v63  }
0xe8: {  	_ = 	snop  }
0xe9: {  	[hbm4b:s17+s3] =	stream.linear.scatter [tilespmem:s3], [sflag:$0x1], $0x1F400, $0x38;
	[tilespmem:$0x1F400] =	vst v63  }
0xea: {  	_ = 	snop  }
0xeb: {  	[hbm4b:s18+s3] =	stream.linear.scatter [tilespmem:s3], [sflag:$0x1], $0x1F400, $0x38;
	[tilespmem:$0x1F400] =	vst v63  }
0xec: {  	_ = 	snop  }
0xed: {  	[hbm4b:s19+s3] =	stream.linear.scatter [tilespmem:s3], [sflag:$0x1], $0x1F400, $0x38;
	[tilespmem:$0x1F400] =	vst v63  }
0xee: {  	_ = 	snop  }
0xef: {  	[hbm4b:s20+s3] =	stream.linear.scatter [tilespmem:s3], [sflag:$0x1], $0x1F400, $0x38;
	[tilespmem:$0x1F400] =	vst v63  }
0xf0: {  	_ = 	snop  }
0xf1: {  	[hbm4b:s21+s3] =	stream.linear.scatter [tilespmem:s3], [sflag:$0x1], $0x1F400, $0x38;
	[tilespmem:$0x1F400] =	vst v63  }
0xf2: {  	_ = 	snop  }
0xf3: {  	[hbm4b:s22+s3] =	stream.linear.scatter [tilespmem:s3], [sflag:$0x1], $0x1F400, $0x38;
	[tilespmem:$0x1F400] =	vst v63  }
0xf4: {  	_ = 	snop  }
0xf5: {  	[hbm4b:s23+s3] =	stream.linear.scatter [tilespmem:s3], [sflag:$0x1], $0x1F400, $0x38;
	[tilespmem:$0x1F400] =	vst v63  }
0xf6: {  	_ = 	snop  }
0xf7: {  	[hbm4b:s24+s3] =	stream.linear.scatter [tilespmem:s3], [sflag:$0x1], $0x1F400, $0x38;
	[tilespmem:$0x1F400] =	vst v63  }
0xf8: {  	_ = 	snop  }
0xf9: {  	[hbm4b:s26+s3] =	stream.linear.scatter [tilespmem:s3], [sflag:$0x1], $0x1F400, $0x38;
	[tilespmem:$0x1F400] =	vst v63  }
0xfa: {  	_ = 	snop  }
0xfb: {  	[hbm4b:s28+s3] =	stream.linear.scatter [tilespmem:s3], [sflag:$0x1], $0x1F400, $0x38;
	[tilespmem:$0x1F400] =	vst v63  }
0xfc: {  	s0 =	simm.s32 @!p0 $0x0  }
0xfd: {  	[hbm4b:s25+s0] =	stream.linear.scatter @!p0 [tilespmem:s0], [sflag:$0x1], $0x1F400, $0x38;
	[tilespmem:$0x1F400] =	vst v63  }
0xfe: {  	_ =	swait.ge [sflag:s2], $0x1F400  }
0xff: {  	[sflag:s2] =	ssyncset.done $0x0  }
0x100: {  	[sflag:s2] =	ssyncadd.s32 $0xFFFE0C00  }
0x101: {  	_ =	swait.ge [sflag:s2], $0x1F400  }
0x102: {  	[sflag:s2] =	ssyncset.done $0x0  }
0x103: {  	[sflag:s2] =	ssyncadd.s32 $0xFFFE0C00  }
0x104: {  	_ =	swait.ge [sflag:s2], $0x1F400  }
0x105: {  	[sflag:s2] =	ssyncset.done $0x0  }
0x106: {  	[sflag:s2] =	ssyncadd.s32 $0xFFFE0C00  }
0x107: {  	_ =	swait.ge [sflag:s2], $0x1F400  }
0x108: {  	[sflag:s2] =	ssyncset.done $0x0  }
0x109: {  	[sflag:s2] =	ssyncadd.s32 $0xFFFE0C00  }
0x10a: {  	_ =	swait.ge [sflag:s2], $0x1F400  }
0x10b: {  	[sflag:s2] =	ssyncset.done $0x0  }
0x10c: {  	[sflag:s2] =	ssyncadd.s32 $0xFFFE0C00  }
0x10d: {  	_ =	swait.ge [sflag:s2], $0x1F400  }
0x10e: {  	[sflag:s2] =	ssyncset.done $0x0  }
0x10f: {  	[sflag:s2] =	ssyncadd.s32 $0xFFFE0C00  }
0x110: {  	_ =	swait.ge [sflag:s2], $0x1F400  }
0x111: {  	[sflag:s2] =	ssyncset.done $0x0  }
0x112: {  	[sflag:s2] =	ssyncadd.s32 $0xFFFE0C00  }
0x113: {  	_ =	swait.ge [sflag:s2], $0x1F400  }
0x114: {  	[sflag:s2] =	ssyncset.done $0x0  }
0x115: {  	[sflag:s2] =	ssyncadd.s32 $0xFFFE0C00  }
0x116: {  	_ =	swait.ge [sflag:s2], $0x1F400  }
0x117: {  	[sflag:s2] =	ssyncset.done $0x0  }
0x118: {  	[sflag:s2] =	ssyncadd.s32 $0xFFFE0C00  }
0x119: {  	_ =	swait.ge [sflag:s2], $0x1F400  }
0x11a: {  	[sflag:s2] =	ssyncset.done $0x0  }
0x11b: {  	[sflag:s2] =	ssyncadd.s32 $0xFFFE0C00  }
0x11c: {  	_ =	swait.ge [sflag:s2], $0x1F400  }
0x11d: {  	[sflag:s2] =	ssyncset.done $0x0  }
0x11e: {  	[sflag:s2] =	ssyncadd.s32 $0xFFFE0C00  }
0x11f: {  	_ =	swait.ge [sflag:s2], $0x1F400  }
0x120: {  	[sflag:s2] =	ssyncset.done $0x0  }
0x121: {  	[sflag:s2] =	ssyncadd.s32 $0xFFFE0C00  }
0x122: {  	_ =	swait.ge [sflag:s2], $0x1F400  }
0x123: {  	[sflag:s2] =	ssyncset.done $0x0  }
0x124: {  	[sflag:s2] =	ssyncadd.s32 $0xFFFE0C00  }
0x125: {  	_ =	swait.ge [sflag:s2], $0x1F400  }
0x126: {  	[sflag:s2] =	ssyncset.done $0x0  }
0x127: {  	[sflag:s2] =	ssyncadd.s32 $0xFFFE0C00  }
0x128: {  	_ =	swait.ge [sflag:s2], $0x1F400  }
0x129: {  	[sflag:s2] =	ssyncset.done $0x0  }
0x12a: {  	[sflag:s2] =	ssyncadd.s32 $0xFFFE0C00  }
0x12b: {  	_ =	swait.ge [sflag:s2], $0x1F400  }
0x12c: {  	[sflag:s2] =	ssyncset.done $0x0  }
0x12d: {  	[sflag:s2] =	ssyncadd.s32 $0xFFFE0C00  }
0x12e: {  	_ =	swait.ge [sflag:s2], $0x1F400  }
0x12f: {  	[sflag:s2] =	ssyncset.done $0x0  }
0x130: {  	[sflag:s2] =	ssyncadd.s32 $0xFFFE0C00  }
0x131: {  	_ =	swait.ge [sflag:s2], $0x1F400  }
0x132: {  	[sflag:s2] =	ssyncset.done $0x0  }
0x133: {  	[sflag:s2] =	ssyncadd.s32 $0xFFFE0C00  }
0x134: {  	_ =	swait.ge [sflag:s2], $0x1F400  }
0x135: {  	[sflag:s2] =	ssyncset.done $0x0  }
0x136: {  	[sflag:s2] =	ssyncadd.s32 $0xFFFE0C00  }
0x137: {  	_ =	swait.ge [sflag:s2], $0x1F400  }
0x138: {  	[sflag:s2] =	ssyncset.done $0x0  }
0x139: {  	[sflag:s2] =	ssyncadd.s32 $0xFFFE0C00  }
0x13a: {  	_ =	swait.ge [sflag:s2], $0x1F400  }
0x13b: {  	[sflag:s2] =	ssyncset.done $0x0  }
0x13c: {  	[sflag:s2] =	ssyncadd.s32 $0xFFFE0C00  }
0x13d: {  	_ =	swait.ge [sflag:s2], $0x1F400  }
0x13e: {  	[sflag:s2] =	ssyncset.done $0x0  }
0x13f: {  	[sflag:s2] =	ssyncadd.s32 $0xFFFE0C00  }
0x140: {  	_ =	swait.ge [sflag:s2], $0x1F400  }
0x141: {  	[sflag:s2] =	ssyncset.done $0x0  }
0x142: {  	[sflag:s2] =	ssyncadd.s32 $0xFFFE0C00  }
0x143: {  	_ =	swait.ge [sflag:s2], $0x1F400  }
0x144: {  	[sflag:s2] =	ssyncset.done $0x0  }
0x145: {  	[sflag:s2] =	ssyncadd.s32 $0xFFFE0C00  }
0x146: {  	_ =	swait.ge [sflag:s2], $0x1F400  }
0x147: {  	[sflag:s2] =	ssyncset.done $0x0  }
0x148: {  	[sflag:s2] =	ssyncadd.s32 $0xFFFE0C00  }
0x149: {  	_ =	swait.ge [sflag:s2], $0x1F400  }
0x14a: {  	[sflag:s2] =	ssyncset.done $0x0  }
0x14b: {  	[sflag:s2] =	ssyncadd.s32 $0xFFFE0C00  }
0x14c: {  	_ =	swait.ge [sflag:s2], $0x1F400  }
0x14d: {  	[sflag:s2] =	ssyncset.done $0x0  }
0x14e: {  	[sflag:s2] =	ssyncadd.s32 $0xFFFE0C00  }
0x14f: {  	_ =	swait.ge [sflag:s2], $0x1F400  }
0x150: {  	[sflag:s2] =	ssyncset.done $0x0  }
0x151: {  	[sflag:s2] =	ssyncadd.s32 $0xFFFE0C00  }
0x152: {  	_ =	swait.ge [sflag:s2], $0x1F400  }
0x153: {  	[sflag:s2] =	ssyncset.done $0x0  }
0x154: {  	[sflag:s2] =	ssyncadd.s32 $0xFFFE0C00  }
0x155: {  	_ =	swait.ge [sflag:s2], $0x1F400  }
0x156: {  	s1 =	sadd.s32 $0xFFFFFFFF, s1;
	[sflag:s2] =	ssyncset.done $0x0  }
0x157: {  	p2 =	sne.s32 s1, $0x0;
	[sflag:s2] =	ssyncadd.s32 $0xFFFE0C00  }
.Ltmp2:
0x158: {  	_ =	swait.ge [sflag:s2], $0x1F400;
	(pc) =	sbr.rel @p2 .LBB2_4-.Ltmp2, $4  }
0x159: {  	[sflag:s2] =	ssyncset.done $0x0  }
0x15a: {  	[sflag:s2] =	ssyncadd.s32 $0xFFFE0C00  }
0x15b: {  	_ =	swait.ge @!p0 [sflag:s31], $0x1F400  }
0x15c: {  	s0 =	rddreg [dreg:$0x3];
	[sflag:s31] =	ssyncset.done @!p0 $0x0  }
0x15d: {  	s30 =	stileid.u32  }
.LBB2_6:
0x15e: {  	p1 =	por p0, !p1  }
0x15f: {  	[sflag:s31] =	ssyncadd.s32 @!p1 $0xFFFE0C00  }
0x160: {  	[tilespmem:s3], [sflag:$0x2] =	stream.linear.gather [hbm4b:s0+s3], $0x1F400, $0x38;
	[tilespmem:$0x1F400] =	vst v63  }
0x161: {  	_ =	swait.ge [sflag:s29], $0x1F400  }
0x162: {  	[sflag:s29] =	ssyncset.done $0x0  }
0x163: {  	s31 =	rddreg [dreg:$0x4];
	[sflag:s29] =	ssyncadd.s32 $0xFFFE0C00  }
0x164: {  	[hbm4b:s31+s3] =	stream.linear.scatter [tilespmem:s3], [sflag:$0x1], $0x1F400, $0x38;
	[tilespmem:$0x1F400] =	vst v63  }
0x165: {  	s1 =	rddreg [dreg:$0x5]  }
0x166: {  	[hbm4b:s1+s3] =	stream.linear.scatter [tilespmem:s3], [sflag:$0x1], $0x1F400, $0x38;
	[tilespmem:$0x1F400] =	vst v63  }
0x167: {  	s29 =	rddreg [dreg:$0x6]  }
0x168: {  	[hbm4b:s29+s3] =	stream.linear.scatter [tilespmem:s3], [sflag:$0x1], $0x1F400, $0x38;
	[tilespmem:$0x1F400] =	vst v63  }
0x169: {  	s31 =	rddreg [dreg:$0x7]  }
0x16a: {  	[hbm4b:s31+s3] =	stream.linear.scatter [tilespmem:s3], [sflag:$0x1], $0x1F400, $0x38;
	[tilespmem:$0x1F400] =	vst v63  }
0x16b: {  	s29 =	rddreg [dreg:$0x8]  }
0x16c: {  	[hbm4b:s29+s3] =	stream.linear.scatter [tilespmem:s3], [sflag:$0x1], $0x1F400, $0x38;
	[tilespmem:$0x1F400] =	vst v63  }
0x16d: {  	s31 =	rddreg [dreg:$0x9]  }
0x16e: {  	[hbm4b:s31+s3] =	stream.linear.scatter [tilespmem:s3], [sflag:$0x1], $0x1F400, $0x38;
	[tilespmem:$0x1F400] =	vst v63  }
0x16f: {  	s29 =	rddreg [dreg:$0xa]  }
0x170: {  	[hbm4b:s29+s3] =	stream.linear.scatter [tilespmem:s3], [sflag:$0x1], $0x1F400, $0x38;
	[tilespmem:$0x1F400] =	vst v63  }
0x171: {  	s31 =	rddreg [dreg:$0xb]  }
0x172: {  	[hbm4b:s31+s3] =	stream.linear.scatter [tilespmem:s3], [sflag:$0x1], $0x1F400, $0x38;
	[tilespmem:$0x1F400] =	vst v63  }
0x173: {  	_ = 	snop  }
0x174: {  	[hbm4b:s4+s3] =	stream.linear.scatter [tilespmem:s3], [sflag:$0x1], $0x1F400, $0x38;
	[tilespmem:$0x1F400] =	vst v63  }
0x175: {  	_ = 	snop  }
0x176: {  	[hbm4b:s5+s3] =	stream.linear.scatter [tilespmem:s3], [sflag:$0x1], $0x1F400, $0x38;
	[tilespmem:$0x1F400] =	vst v63  }
0x177: {  	_ = 	snop  }
0x178: {  	[hbm4b:s6+s3] =	stream.linear.scatter [tilespmem:s3], [sflag:$0x1], $0x1F400, $0x38;
	[tilespmem:$0x1F400] =	vst v63  }
0x179: {  	_ = 	snop  }
0x17a: {  	[hbm4b:s7+s3] =	stream.linear.scatter [tilespmem:s3], [sflag:$0x1], $0x1F400, $0x38;
	[tilespmem:$0x1F400] =	vst v63  }
0x17b: {  	_ = 	snop  }
0x17c: {  	[hbm4b:s8+s3] =	stream.linear.scatter [tilespmem:s3], [sflag:$0x1], $0x1F400, $0x38;
	[tilespmem:$0x1F400] =	vst v63  }
0x17d: {  	_ = 	snop  }
0x17e: {  	[hbm4b:s9+s3] =	stream.linear.scatter [tilespmem:s3], [sflag:$0x1], $0x1F400, $0x38;
	[tilespmem:$0x1F400] =	vst v63  }
0x17f: {  	_ = 	snop  }
0x180: {  	[hbm4b:s10+s3] =	stream.linear.scatter [tilespmem:s3], [sflag:$0x1], $0x1F400, $0x38;
	[tilespmem:$0x1F400] =	vst v63  }
0x181: {  	_ = 	snop  }
0x182: {  	[hbm4b:s11+s3] =	stream.linear.scatter [tilespmem:s3], [sflag:$0x1], $0x1F400, $0x38;
	[tilespmem:$0x1F400] =	vst v63  }
0x183: {  	_ = 	snop  }
0x184: {  	[hbm4b:s12+s3] =	stream.linear.scatter [tilespmem:s3], [sflag:$0x1], $0x1F400, $0x38;
	[tilespmem:$0x1F400] =	vst v63  }
0x185: {  	_ = 	snop  }
0x186: {  	[hbm4b:s13+s3] =	stream.linear.scatter [tilespmem:s3], [sflag:$0x1], $0x1F400, $0x38;
	[tilespmem:$0x1F400] =	vst v63  }
0x187: {  	_ = 	snop  }
0x188: {  	[hbm4b:s14+s3] =	stream.linear.scatter [tilespmem:s3], [sflag:$0x1], $0x1F400, $0x38;
	[tilespmem:$0x1F400] =	vst v63  }
0x189: {  	_ = 	snop  }
0x18a: {  	[hbm4b:s15+s3] =	stream.linear.scatter [tilespmem:s3], [sflag:$0x1], $0x1F400, $0x38;
	[tilespmem:$0x1F400] =	vst v63  }
0x18b: {  	_ = 	snop  }
0x18c: {  	[hbm4b:s16+s3] =	stream.linear.scatter [tilespmem:s3], [sflag:$0x1], $0x1F400, $0x38;
	[tilespmem:$0x1F400] =	vst v63  }
0x18d: {  	_ = 	snop  }
0x18e: {  	[hbm4b:s17+s3] =	stream.linear.scatter [tilespmem:s3], [sflag:$0x1], $0x1F400, $0x38;
	[tilespmem:$0x1F400] =	vst v63  }
0x18f: {  	_ = 	snop  }
0x190: {  	[hbm4b:s18+s3] =	stream.linear.scatter [tilespmem:s3], [sflag:$0x1], $0x1F400, $0x38;
	[tilespmem:$0x1F400] =	vst v63  }
0x191: {  	_ = 	snop  }
0x192: {  	[hbm4b:s19+s3] =	stream.linear.scatter [tilespmem:s3], [sflag:$0x1], $0x1F400, $0x38;
	[tilespmem:$0x1F400] =	vst v63  }
0x193: {  	_ = 	snop  }
0x194: {  	[hbm4b:s20+s3] =	stream.linear.scatter [tilespmem:s3], [sflag:$0x1], $0x1F400, $0x38;
	[tilespmem:$0x1F400] =	vst v63  }
0x195: {  	_ = 	snop  }
0x196: {  	[hbm4b:s21+s3] =	stream.linear.scatter [tilespmem:s3], [sflag:$0x1], $0x1F400, $0x38;
	[tilespmem:$0x1F400] =	vst v63  }
0x197: {  	_ = 	snop  }
0x198: {  	[hbm4b:s22+s3] =	stream.linear.scatter [tilespmem:s3], [sflag:$0x1], $0x1F400, $0x38;
	[tilespmem:$0x1F400] =	vst v63  }
0x199: {  	_ = 	snop  }
0x19a: {  	[hbm4b:s23+s3] =	stream.linear.scatter [tilespmem:s3], [sflag:$0x1], $0x1F400, $0x38;
	[tilespmem:$0x1F400] =	vst v63  }
0x19b: {  	_ = 	snop  }
0x19c: {  	[hbm4b:s24+s3] =	stream.linear.scatter [tilespmem:s3], [sflag:$0x1], $0x1F400, $0x38;
	[tilespmem:$0x1F400] =	vst v63  }
0x19d: {  	_ = 	snop  }
0x19e: {  	[hbm4b:s26+s3] =	stream.linear.scatter [tilespmem:s3], [sflag:$0x1], $0x1F400, $0x38;
	[tilespmem:$0x1F400] =	vst v63  }
0x19f: {  	_ = 	snop  }
0x1a0: {  	[hbm4b:s28+s3] =	stream.linear.scatter [tilespmem:s3], [sflag:$0x1], $0x1F400, $0x38;
	[tilespmem:$0x1F400] =	vst v63  }
0x1a1: {  	s0 =	simm.s32 @!p0 $0x0  }
0x1a2: {  	[hbm4b:s25+s0] =	stream.linear.scatter @!p0 [tilespmem:s0], [sflag:$0x1], $0x1F400, $0x38;
	[tilespmem:$0x1F400] =	vst v63  }
0x1a3: {  	_ =	swait.ge [sflag:s2], $0x1F400  }
0x1a4: {  	[sflag:s2] =	ssyncset.done $0x0  }
0x1a5: {  	[sflag:s2] =	ssyncadd.s32 $0xFFFE0C00  }
0x1a6: {  	_ =	swait.ge [sflag:s2], $0x1F400  }
0x1a7: {  	[sflag:s2] =	ssyncset.done $0x0  }
0x1a8: {  	[sflag:s2] =	ssyncadd.s32 $0xFFFE0C00  }
0x1a9: {  	_ =	swait.ge [sflag:s2], $0x1F400  }
0x1aa: {  	[sflag:s2] =	ssyncset.done $0x0  }
0x1ab: {  	[sflag:s2] =	ssyncadd.s32 $0xFFFE0C00  }
0x1ac: {  	_ =	swait.ge [sflag:s2], $0x1F400  }
0x1ad: {  	[sflag:s2] =	ssyncset.done $0x0  }
0x1ae: {  	[sflag:s2] =	ssyncadd.s32 $0xFFFE0C00  }
0x1af: {  	_ =	swait.ge [sflag:s2], $0x1F400  }
0x1b0: {  	[sflag:s2] =	ssyncset.done $0x0  }
0x1b1: {  	[sflag:s2] =	ssyncadd.s32 $0xFFFE0C00  }
0x1b2: {  	_ =	swait.ge [sflag:s2], $0x1F400  }
0x1b3: {  	[sflag:s2] =	ssyncset.done $0x0  }
0x1b4: {  	[sflag:s2] =	ssyncadd.s32 $0xFFFE0C00  }
0x1b5: {  	_ =	swait.ge [sflag:s2], $0x1F400  }
0x1b6: {  	[sflag:s2] =	ssyncset.done $0x0  }
0x1b7: {  	[sflag:s2] =	ssyncadd.s32 $0xFFFE0C00  }
0x1b8: {  	_ =	swait.ge [sflag:s2], $0x1F400  }
0x1b9: {  	[sflag:s2] =	ssyncset.done $0x0  }
0x1ba: {  	[sflag:s2] =	ssyncadd.s32 $0xFFFE0C00  }
0x1bb: {  	_ =	swait.ge [sflag:s2], $0x1F400  }
0x1bc: {  	[sflag:s2] =	ssyncset.done $0x0  }
0x1bd: {  	[sflag:s2] =	ssyncadd.s32 $0xFFFE0C00  }
0x1be: {  	_ =	swait.ge [sflag:s2], $0x1F400  }
0x1bf: {  	[sflag:s2] =	ssyncset.done $0x0  }
0x1c0: {  	[sflag:s2] =	ssyncadd.s32 $0xFFFE0C00  }
0x1c1: {  	_ =	swait.ge [sflag:s2], $0x1F400  }
0x1c2: {  	[sflag:s2] =	ssyncset.done $0x0  }
0x1c3: {  	[sflag:s2] =	ssyncadd.s32 $0xFFFE0C00  }
0x1c4: {  	_ =	swait.ge [sflag:s2], $0x1F400  }
0x1c5: {  	[sflag:s2] =	ssyncset.done $0x0  }
0x1c6: {  	[sflag:s2] =	ssyncadd.s32 $0xFFFE0C00  }
0x1c7: {  	_ =	swait.ge [sflag:s2], $0x1F400  }
0x1c8: {  	[sflag:s2] =	ssyncset.done $0x0  }
0x1c9: {  	[sflag:s2] =	ssyncadd.s32 $0xFFFE0C00  }
0x1ca: {  	_ =	swait.ge [sflag:s2], $0x1F400  }
0x1cb: {  	[sflag:s2] =	ssyncset.done $0x0  }
0x1cc: {  	[sflag:s2] =	ssyncadd.s32 $0xFFFE0C00  }
0x1cd: {  	_ =	swait.ge [sflag:s2], $0x1F400  }
0x1ce: {  	[sflag:s2] =	ssyncset.done $0x0  }
0x1cf: {  	[sflag:s2] =	ssyncadd.s32 $0xFFFE0C00  }
0x1d0: {  	_ =	swait.ge [sflag:s2], $0x1F400  }
0x1d1: {  	[sflag:s2] =	ssyncset.done $0x0  }
0x1d2: {  	[sflag:s2] =	ssyncadd.s32 $0xFFFE0C00  }
0x1d3: {  	_ =	swait.ge [sflag:s2], $0x1F400  }
0x1d4: {  	[sflag:s2] =	ssyncset.done $0x0  }
0x1d5: {  	[sflag:s2] =	ssyncadd.s32 $0xFFFE0C00  }
0x1d6: {  	_ =	swait.ge [sflag:s2], $0x1F400  }
0x1d7: {  	[sflag:s2] =	ssyncset.done $0x0  }
0x1d8: {  	[sflag:s2] =	ssyncadd.s32 $0xFFFE0C00  }
0x1d9: {  	_ =	swait.ge [sflag:s2], $0x1F400  }
0x1da: {  	[sflag:s2] =	ssyncset.done $0x0  }
0x1db: {  	[sflag:s2] =	ssyncadd.s32 $0xFFFE0C00  }
0x1dc: {  	_ =	swait.ge [sflag:s2], $0x1F400  }
0x1dd: {  	[sflag:s2] =	ssyncset.done $0x0  }
0x1de: {  	[sflag:s2] =	ssyncadd.s32 $0xFFFE0C00  }
0x1df: {  	_ =	swait.ge [sflag:s2], $0x1F400  }
0x1e0: {  	[sflag:s2] =	ssyncset.done $0x0  }
0x1e1: {  	[sflag:s2] =	ssyncadd.s32 $0xFFFE0C00  }
0x1e2: {  	_ =	swait.ge [sflag:s2], $0x1F400  }
0x1e3: {  	[sflag:s2] =	ssyncset.done $0x0  }
0x1e4: {  	[sflag:s2] =	ssyncadd.s32 $0xFFFE0C00  }
0x1e5: {  	_ =	swait.ge [sflag:s2], $0x1F400  }
0x1e6: {  	[sflag:s2] =	ssyncset.done $0x0  }
0x1e7: {  	[sflag:s2] =	ssyncadd.s32 $0xFFFE0C00  }
0x1e8: {  	_ =	swait.ge [sflag:s2], $0x1F400  }
0x1e9: {  	[sflag:s2] =	ssyncset.done $0x0  }
0x1ea: {  	[sflag:s2] =	ssyncadd.s32 $0xFFFE0C00  }
0x1eb: {  	_ =	swait.ge [sflag:s2], $0x1F400  }
0x1ec: {  	[sflag:s2] =	ssyncset.done $0x0  }
0x1ed: {  	[sflag:s2] =	ssyncadd.s32 $0xFFFE0C00  }
0x1ee: {  	_ =	swait.ge [sflag:s2], $0x1F400  }
0x1ef: {  	[sflag:s2] =	ssyncset.done $0x0  }
0x1f0: {  	[sflag:s2] =	ssyncadd.s32 $0xFFFE0C00  }
0x1f1: {  	_ =	swait.ge [sflag:s2], $0x1F400  }
0x1f2: {  	[sflag:s2] =	ssyncset.done $0x0  }
0x1f3: {  	[sflag:s2] =	ssyncadd.s32 $0xFFFE0C00  }
0x1f4: {  	_ =	swait.ge [sflag:s2], $0x1F400  }
0x1f5: {  	[sflag:s2] =	ssyncset.done $0x0  }
0x1f6: {  	[sflag:s2] =	ssyncadd.s32 $0xFFFE0C00  }
0x1f7: {  	_ =	swait.ge [sflag:s2], $0x1F400  }
0x1f8: {  	[sflag:s2] =	ssyncset.done $0x0  }
0x1f9: {  	[sflag:s2] =	ssyncadd.s32 $0xFFFE0C00  }
0x1fa: {  	_ =	swait.ge [sflag:s2], $0x1F400  }
0x1fb: {  	[sflag:s2] =	ssyncset.done $0x0  }
0x1fc: {  	[sflag:s2] =	ssyncadd.s32 $0xFFFE0C00  }
0x1fd: {  	_ =	swait.ge [sflag:s2], $0x1F400  }
0x1fe: {  	[sflag:s2] =	ssyncset.done $0x0  }
0x1ff: {  	s0 =	simm.s32 @!p0 $0x1;
	[sflag:s2] =	ssyncadd.s32 $0xFFFE0C00  }
0x200: {  	_ =	swait.ge @!p0 [sflag:s0], $0x1F400  }
0x201: {  	[sflag:s0] =	ssyncset.done @!p0 $0x0  }
0x202: {  	[sflag:s0] =	ssyncadd.s32 @!p0 $0xFFFE0C00  }
0x203: {  	_ =	sfence.sel $0x180000  }
0x204: {  	[bflag:$0x0] =	sbarrier.arrive $0xFFFF  }
0x205: {  	_ =	strace $0x90000047  }
0x206: {  	[bflag:$0x2] =	sbarrier.arrive $0xFFFF  }
0x207: {  	p0 =	sne.s32 s30, $0x0;
	s0 =	rddreg [dreg:$0x2]  }
0x208: {  	s0 =	sadd.s32 @!p0 $0x100000, s0  }
0x209: {  	[sflag:s0] =	ssyncadd.tile.s32 @!p0 $0x1;
	_ =	shalt  }
.LBB2_1:
.Ltmp3:
0x20a: {  	(pc) =	sbr.rel .LBB2_6-.Ltmp3, $2  }
0x20b: {  	_ =	sdelay $0x2  }
0x20c: {  	_ = 	snop  }
.LBB2_3:
.Ltmp4:
0x20d: {  	(pc) =	sbr.rel .LBB2_6-.Ltmp4, $2  }
0x20e: {  	_ =	sdelay $0x2  }
0x20f: {  	s30 =	stileid.u32  }
.Lfunc_end2:
_tile_overlayer_lowered:
.L_overlay_start_2:
0x210: {  	(tag) =	ssettag $0x2  }
0x211: {  	s0 =	rddreg [dreg:$0x0];
	s2 =	stileid.u32  }
0x212: {  	s1 =	rddreg [dreg:$0x1];
	p0 =	sne.s32 s2, $0x0  }
0x213: {  	s3 =	rddreg [dreg:$0x2];
	[bflag:$0x3] =	sbarrier.arrive $0xFFFF;
	s2 =	simm.s32 @!p0 $0x1C02  }
0x214: {  	[timem:s3], [sflag:s2] =	dma.local @!p0 [hbm:s0], s1  }
0x215: {  	s0 =	simm.s32 @!p0 $0x2  }
0x216: {  	_ =	swait.ge @!p0 [sflag:s0], s1  }
0x217: {  	s1 =	ssub.s32 @!p0 $0x0, s1;
	[sflag:s0] =	ssyncset.done @!p0 $0x0  }
0x218: {  	[sflag:s0] =	ssyncadd.s32 @!p0 s1  }
0x219: {  	[bflag:$0x3] =	sbarrier.arrive $0xFFFF  }
0x21a: {  	_ =	shalt  }

// kernel: kernel.8.cloned.1.call-start
scs
__scs_entry_jumppad:
0x0: {  	(pc) =	sbr.rel $0x88, $3  }
0x1: {  	(tag) =	ssettag $0x0;
	lr =	simm.s32 $0x1  }
0x2: {  	[smem:$0x3F8B] =	sst lr;
	_ =	strace $0xD0000000  }
0x3: {  	_ = 	snop  }
0x4: {  	_ = 	snop  }
0x5: {  	_ = 	snop  }
0x6: {  	_ = 	snop  }
0x7: {  	_ = 	snop  }
__scs_overlays_trampoline_lowered:
0x8: {  	[smem:$0x3F9A] =	sst s0  }
0x9: {  	[smem:$0x3F9B] =	sst s1  }
0xa: {  	[smem:$0x3F9C] =	sst s2  }
0xb: {  	[smem:$0x3F9D] =	sst s3  }
0xc: {  	[smem:$0x3F9E] =	sst s4  }
0xd: {  	[smem:$0x3F9F] =	sst s5  }
0xe: {  	[smem:$0x3FA0] =	sst s6  }
0xf: {  	[smem:$0x3FA1] =	sst s7  }
0x10: {  	[smem:$0x3FA2] =	sst s8  }
0x11: {  	[smem:$0x3FA3] =	sst s9;
	s0 =	simm.s32 @!p0 $0x0  }
0x12: {  	s1 =	sld [smem:$0x3F89];
	s0 =	simm.s32 @p0 $0x1  }
0x13: {  	[smem:$0x3FA4] =	sst s0;
	s0 =	simm.s32 @!p1 $0x0  }
0x14: {  	s2 =	sld [smem:$0x3F88];
	s0 =	simm.s32 @p1 $0x1  }
0x15: {  	[smem:$0x3FA5] =	sst s0;
	s0 =	simm.s32 @!p2 $0x0  }
0x16: {  	s3 =	sld [smem:$0x3FDB];
	s0 =	simm.s32 @p2 $0x1  }
0x17: {  	s4 =	simm.s32 $0x1BF5;
	[smem:$0x3FA7] =	sst s0  }
0x18: {  	s0 =	sld [smem:$0x3F8A];
	_ =	swait.ge [sflag:s4], $0x0  }
0x19: {  	s7 =	sld [smem:$0x3F8B]  }
0x1a: {  	s8 =	sadd.s32 $0xFFFFE003, lr  }
0x1b: {  	s9 =	sadd.s32 $0xFFFFFEF7, lr;
	s5 =	simm.s32 $0xFFFFFFFF;
	p2 =	slt.u32 s8, $0xFFFFF086  }
0x1c: {  	p1 =	slt.u32 s9, $0xF7A;
	s5 =	simm.s32 @!p2 $0x0  }
0x1d: {  	s5 =	simm.s32 @p1 $0x1;
	p0 =	seq.s32 s7, s2  }
0x1e: {  	s7 =	smul.u32 @!p0 $0xF7A, s2;
	p2 =	seq.s32 @!p0 s5, $0x0  }
0x1f: {  	s9 =	smul.u32 $0xF7A, s1;
	s8 =	simm.s32 @!p0 $0x1BF5;
	p2 =	por !p2, p0  }
0x20: {  	[sflag:s8] =	ssyncset.s32 @!p0 $0xFFFFF086;
	s6 =	sadd.s32 @!p0 s3, s7;
	s7 =	simm.s32 @!p0 $0x108  }
0x21: {  	s3 =	sadd.s32 s3, s9;
	s6 =	sadd.s32 @!p0 $0x88, s6;
	s7 =	simm.s32 @p2 $0x1082  }
0x22: {  	[simem:s7], [sflag:s8] =	dma.local @!p0 [hbm:s6], $0xF7A  }
0x23: {  	s9 =	sor.u32 $0xD0000000, s2;
	s6 =	simm.s32 $0x108;
	_ =	swait.ge @!p0 [sflag:s8], $0x0  }
0x24: {  	s3 =	sadd.s32 $0x88, s3;
	s6 =	simm.s32 @!p1 $0x1082;
	[sflag:s4] =	ssyncset.s32 $0xFFFFF086  }
0x25: {  	[simem:s6], [sflag:s4] =	dma.local [hbm:s3], $0xF7A  }
0x26: {  	[smem:$0x3F8B] =	sst s1;
	(tag) =	ssettag s2;
	_ =	strace s9  }
0x27: {  	s1 =	sld [smem:$0x3F9B]  }
0x28: {  	s2 =	sld [smem:$0x3F9C]  }
0x29: {  	s4 =	sld [smem:$0x3F9E]  }
0x2a: {  	p0 =	seq.s32 s5, $0x0;
	s5 =	sld [smem:$0x3F9F]  }
0x2b: {  	s6 =	sld [smem:$0x3FA0]  }
0x2c: {  	s7 =	sld [smem:$0x3FA1]  }
0x2d: {  	s3 =	simm.s32 $0x108;
	s8 =	sld [smem:$0x3FA2]  }
0x2e: {  	s3 =	simm.s32 @!p0 $0x1082;
	s9 =	sld [smem:$0x3FA3]  }
0x2f: {  	lr =	sadd.s32 s0, s3;
	s0 =	sld [smem:$0x3F9A]  }
0x30: {  	s3 =	sld [smem:$0x3F9D]  }
0x31: {  	[smem:$0x3FA6] =	sst s10  }
0x32: {  	s10 =	sld [smem:$0x3FA4];
	_ =	sdelay $0x3  }
0x33: {  	p0 =	seq.s32 s10, $0x1;
	s10 =	sld [smem:$0x3FA6];
	_ =	sdelay $0x3  }
0x34: {  	[smem:$0x3FA6] =	sst s10  }
0x35: {  	s10 =	sld [smem:$0x3FA5];
	_ =	sdelay $0x3  }
0x36: {  	p1 =	seq.s32 s10, $0x1;
	s10 =	sld [smem:$0x3FA6];
	_ =	sdelay $0x3  }
0x37: {  	[smem:$0x3FA6] =	sst s10  }
0x38: {  	s10 =	sld [smem:$0x3FA7]  }
0x39: {  	_ = 	snop;
	(pc) =	sbr.ind lr, $3  }
0x3a: {  	_ = 	snop  }
0x3b: {  	_ = 	snop  }
0x3c: {  	p2 =	seq.s32 s10, $0x1;
	s10 =	sld [smem:$0x3FA6]  }
0x3d: {  	_ =	shalt  }
0x3e: {  	_ =	shalt  }
0x3f: {  	_ =	shalt  }
0x40: {  	_ =	shalt  }
0x41: {  	_ =	shalt  }
0x42: {  	_ =	shalt  }
0x43: {  	_ =	shalt  }
0x44: {  	_ =	shalt  }
0x45: {  	_ =	shalt  }
0x46: {  	_ =	shalt  }
0x47: {  	_ =	shalt  }
0x48: {  	_ =	shalt  }
0x49: {  	_ =	shalt  }
0x4a: {  	_ =	shalt  }
0x4b: {  	_ =	shalt  }
0x4c: {  	_ =	shalt  }
0x4d: {  	_ =	shalt  }
0x4e: {  	_ =	shalt  }
0x4f: {  	_ =	shalt  }
0x50: {  	_ =	shalt  }
0x51: {  	_ =	shalt  }
0x52: {  	_ =	shalt  }
0x53: {  	_ =	shalt  }
0x54: {  	_ =	shalt  }
0x55: {  	_ =	shalt  }
0x56: {  	_ =	shalt  }
0x57: {  	_ =	shalt  }
0x58: {  	_ =	shalt  }
0x59: {  	_ =	shalt  }
0x5a: {  	_ =	shalt  }
0x5b: {  	_ =	shalt  }
0x5c: {  	_ =	shalt  }
0x5d: {  	_ =	shalt  }
0x5e: {  	_ =	shalt  }
0x5f: {  	_ =	shalt  }
0x60: {  	_ =	shalt  }
0x61: {  	_ =	shalt  }
0x62: {  	_ =	shalt  }
0x63: {  	_ =	shalt  }
0x64: {  	_ =	shalt  }
0x65: {  	_ =	shalt  }
0x66: {  	_ =	shalt  }
0x67: {  	_ =	shalt  }
0x68: {  	_ =	shalt  }
0x69: {  	_ =	shalt  }
0x6a: {  	_ =	shalt  }
0x6b: {  	_ =	shalt  }
0x6c: {  	_ =	shalt  }
0x6d: {  	_ =	shalt  }
0x6e: {  	_ =	shalt  }
0x6f: {  	_ =	shalt  }
0x70: {  	_ =	shalt  }
0x71: {  	_ =	shalt  }
0x72: {  	_ =	shalt  }
0x73: {  	_ =	shalt  }
0x74: {  	_ =	shalt  }
0x75: {  	_ =	shalt  }
0x76: {  	_ =	shalt  }
0x77: {  	_ =	shalt  }
0x78: {  	_ =	shalt  }
0x79: {  	_ =	shalt  }
0x7a: {  	_ =	shalt  }
0x7b: {  	_ =	shalt  }
0x7c: {  	_ =	shalt  }
0x7d: {  	_ =	shalt  }
0x7e: {  	_ =	shalt  }
0x7f: {  	_ =	shalt  }
0x80: {  	_ =	shalt  }
0x81: {  	_ =	shalt  }
0x82: {  	_ =	shalt  }
0x83: {  	_ =	shalt  }
0x84: {  	_ =	shalt  }
0x85: {  	_ =	shalt  }
0x86: {  	_ =	shalt  }
0x87: {  	_ =	shalt  }
.Lfunc_end0:
.L_simem_size_0:
called_computation.1_lowered:
.L_overlay_start_0:
0x88: {  	s2 =	sld [smem:$0x3FD9]  }
0x89: {  	s3 =	sld [smem:$0x3FFE];
	_ =	sdelay $0x1  }
0x8a: {  	s1 =	srdreg.scid  }
0x8b: {  	s0 =	sand.u32 $0x1, s1  }
0x8c: {  	s14 =	sshll.u32 s0, $0xA;
	s2 =	sadd.s32 s3, s2  }
0x8d: {  	s2 =	sadd.s32 s2, s14  }
0x8e: {  	[smem:$0x3FB2] =	sst s2  }
0x8f: {  	_ = 	snop  }
0x90: {  	s2 =	sld [smem:$0x3FD0];
	_ =	sdelay $0x2  }
0x91: {  	s15 =	simm.s32 $0xA;
	s4 =	simm.s32 $0x10  }
0x92: {  	[smem:s4], [sflag:s15] =	dma.local [hbm:s2], $0x1  }
0x93: {  	_ =	swait.eq [sflag:s15], $0x1  }
0x94: {  	[sflag:s15] =	ssyncset.done $0x0  }
0x95: {  	[sflag:s15] =	ssyncadd.s32 $0xFFFFFFFF  }
0x96: {  	s16 =	sld [smem:$0x11];
	(tm) =	ssettm $0x1  }
0x97: {  	s17 =	sld [smem:$0x3FFB];
	_ =	sdelay $0x3  }
0x98: {  	_ =	strace s17  }
0x99: {  	s3 =	sld [smem:$0x3FFC];
	_ =	sdelay $0x3  }
0x9a: {  	_ =	strace s3  }
0x9b: {  	s3 =	sld [smem:$0x3FFD];
	_ =	sdelay $0x3  }
0x9c: {  	_ =	strace s3  }
0x9d: {  	_ =	strace $0x8FFFFFFF  }
0x9e: {  	s18 =	sld [smem:$0x3FDB];
	_ =	sdelay $0x1  }
0x9f: {  	s19 =	simm.s32 $_scs_section_size  }
0xa0: {  	s5 =	simm.s32 $_size__tile_overlayer_lowered;
	s6 =	simm.s32 $_tile_overlayer_lowered  }
0xa1: {  	s22 =	simm.s32 $0x1BFF;
	s21 =	sshll.u32 s6, $0x1;
	s3 =	sadd.s32 s19, s18  }
0xa2: {  	s7 =	simm.s32 $0x0;
	s20 =	sshll.u32 s5, $0x1;
	s5 =	sadd.s32 s21, s3  }
0xa3: {  	[timem:s7], [sflag:s22] =	dma.local [hbm:s5], s20  }
0xa4: {  	_ =	swait.ge [sflag:s22], s20  }
0xa5: {  	s4 =	ssub.s32 $0x0, s20;
	[sflag:s22] =	ssyncset.done $0x0  }
0xa6: {  	[sflag:s22] =	ssyncadd.s32 s4;
	_ =	sdelay $0x1  }
0xa7: {  	s23 =	simm.s32 $0x1B8B  }
0xa8: {  	_ =	swait.ge [sflag:s23], $0x1  }
0xa9: {  	[sflag:s23] =	ssyncset.done $0x0  }
0xaa: {  	s25 =	simm.s32 $0x1B8E;
	s24 =	sld [smem:$0x3FFE];
	[sflag:s23] =	ssyncadd.s32 $0xFFFFFFFF  }
0xab: {  	s26 =	simm.s32 $execute0_lowered;
	[smem:$0x3FD2] =	sst s25  }
0xac: {  	s5 =	sshll.u32 s26, $0x1;
	_ =	strace $0x80000049;
	[dreg:$0x1] =	wrdreg $0xFFFFFFFF  }
0xad: {  	s28 =	simm.s32 $_size_execute0_lowered;
	s3 =	sadd.s32 s3, s5;
	[dreg:$0x0] =	wrdreg $0x0  }
0xae: {  	s5 =	sshll.u32 s28, $0x1;
	[dreg:$0x2] =	wrdreg s3  }
0xaf: {  	[dreg:$0x3] =	wrdreg s5  }
0xb0: {  	[dreg:$0x4] =	wrdreg $0xC0  }
0xb1: {  	_ =	task [dreg:s7], $0x5FFFF  }
0xb2: {  	[dreg:$0x1] =	wrdreg $0xFFFFFFFF  }
0xb3: {  	[dreg:$0x0] =	wrdreg $0x60  }
0xb4: {  	[dreg:$0x2] =	wrdreg s24  }
0xb5: {  	[dreg:$0x3] =	wrdreg s16  }
0xb6: {  	[dreg:$0x4] =	wrdreg $0x9  }
0xb7: {  	_ =	task.clear_ibuf [dreg:s7], $0x5FFFF;
	_ =	strace $0x90000049  }
0xb8: {  	s29 =	simm.s32 $0x9;
	_ =	strace $0x8000004B  }
0xb9: {  	_ =	swait.ge [sflag:s29], $0x1  }
0xba: {  	[sflag:s29] =	ssyncadd.s32 $0xFFFFFFFF  }
0xbb: {  	_ =	strace $0x9000004B  }
0xbc: {  	_ =	sfence  }
0xbd: {  	s30 =	sld [smem:$0x0];
	_ =	sdelay $0x2  }
0xbe: {  	s31 =	sshll.u32 s1, $0xD;
	s1 =	sshrl.u32 s1, $0x2  }
0xbf: {  	s3 =	sand.u32 $0x4000, s31;
	s1 =	sadd.s32 s1, s30  }
0xc0: {  	s0 =	sor.u32 s3, s0;
	s1 =	sshll.u32 s1, $0x11  }
0xc1: {  	s0 =	sor.u32 s1, s0  }
0xc2: {  	s0 =	sadd.s32 $0x8F2B, s0  }
0xc3: {  	[sflag:s0] =	ssyncadd.remote.s32 $0x1  }
0xc4: {  	_ =	sfence.sel $0xFFFF  }
0xc5: {  	[dreg:$0x0] =	wrdreg $0xFFFFFFFF;
	(pc) =	sbr.abs _section_cstart, $3  }
0xc6: {  	[dreg:$0x1] =	wrdreg $0xFFFFFFFF  }
0xc7: {  	_ =	task.clear_ibuf [dreg:s7], $0x2FFFF;
	_ =	strace $0x9FFFFFFF  }
0xc8: {  	(tm) =	ssettm $0x7FFFFFFF  }
0xc9: {  	_ =	shalt  }
tec
execute0_lowered:
.L_overlay_start_1:
0x0: {  	(tag) =	ssettag $0x1  }
0x1: {  	s1 =	srdreg.scid  }
0x2: {  	s6 =	rddreg [dreg:$0x0];
	s0 =	stileid.u32  }
0x3: {  	s2 =	rddreg [dreg:$0x1];
	s3 =	simm.s32 $0x0;
	s1 =	sand.u32 $0x1, s1  }
0x4: {  	s24 =	simm.s32 $0x480;
	s4 =	sshll.u32 s0, $0x8;
	s5 =	sshll.u32 s1, $0x7  }
0x5: {  	s7 =	simm.s32 $0x500;
	[smem:$0x7FF] =	sst s3;
	s4 =	sor.u32 s5, s4  }
0x6: {  	_ =	strace $0x8000004A;
	[dreg:$0x5] =	wrdreg s24;
	s4 =	sadd.s32 s4, s6  }
0x7: {  	[dreg:$0x6] =	wrdreg s7;
	s23 =	sadd.s32 $0x47C00, s4  }
0x8: {  	s4 =	sadd.s32 $0x46C00, s4;
	[dreg:$0x3] =	wrdreg s23  }
0x9: {  	[dreg:$0x4] =	wrdreg s4  }
0xa: {  	s4 =	simm.s32 $0x9;
	s5 =	rddreg [dreg:$0x3]  }
0xb: {  	[tilespmem:s3], [sflag:$0x9] =	stream.linear.gather [hbm4b:s5+s3], $0x400, $0x38;
	[tilespmem:$0x10800] =	vst v63  }
0xc: {  	_ =	swait.ge [sflag:s4], $0x400  }
0xd: {  	[sflag:s4] =	ssyncset.done $0x0  }
0xe: {  	s5 =	simm.s32 $0x400;
	s25 =	rddreg [dreg:$0x4];
	[sflag:s4] =	ssyncadd.s32 $0xFFFFFC00  }
0xf: {  	[tilespmem:s5], [sflag:$0x9] =	stream.linear.gather [hbm4b:s25+s3], $0x400, $0x38;
	[tilespmem:$0x10800] =	vst v63  }
0x10: {  	_ =	swait.ge [sflag:s4], $0x400  }
0x11: {  	s8 =	simm.s32 $0x800;
	[sflag:s4] =	ssyncset.done $0x0  }
0x12: {  	s7 =	simm.s32 $0x80;
	s6 =	sadd.s32 $0x6C00, s6;
	[sflag:s4] =	ssyncadd.s32 $0xFFFFFC00  }
0x13: {  	[tilespmem:s8], [sflag:$0x1] =	stream.indirect.gather [hbm4b:s6+s7], $0x80, s5, s7, $0xb8;
	[tilespmem:$0x10800] =	vst v63  }
0x14: {  	s9 =	simm.s32 $0x4800;
	s10 =	rddreg [dreg:$0x5]  }
0x15: {  	[tilespmem:s9], [sflag:$0x2] =	stream.indirect.gather [hbm4b:s6+s7], $0x80, s10, s7, $0xb8;
	[tilespmem:$0x10800] =	vst v63  }
0x16: {  	s11 =	rddreg [dreg:$0x6];
	s10 =	simm.s32 $0x8800  }
0x17: {  	[tilespmem:s10], [sflag:$0x3] =	stream.indirect.gather [hbm4b:s6+s7], $0x80, s11, s7, $0xb8;
	[tilespmem:$0x10800] =	vst v63  }
0x18: {  	s26 =	simm.s32 $0x580;
	s12 =	simm.s32 $0xC800;
	s13 =	simm.s32 $0x1  }
0x19: {  	[tilespmem:s12], [sflag:$0x4] =	stream.indirect.gather [hbm4b:s6+s7], $0x80, s26, s7, $0xb8;
	[tilespmem:$0x10800] =	vst v63  }
0x1a: {  	_ =	swait.ge [sflag:s13], $0x4000  }
0x1b: {  	[sflag:s13] =	ssyncset.done $0x0  }
0x1c: {  	s14 =	simm.s32 $0x5;
	[sflag:s13] =	ssyncadd.s32 $0xFFFFC000  }
0x1d: {  	[hbm4b:s2+s7] =	stream.indirect.scatter [tilespmem:s8], [sflag:$0x5], $0x80, s3, s7, $0xb8;
	[tilespmem:$0x10800] =	vst v63  }
0x1e: {  	_ =	swait.ge [sflag:s14], $0x4000  }
0x1f: {  	[sflag:s14] =	ssyncset.done $0x0  }
0x20: {  	s15 =	simm.s32 $0x600;
	s16 =	simm.s32 $0x2;
	[sflag:s14] =	ssyncadd.s32 $0xFFFFC000  }
0x21: {  	[tilespmem:s8], [sflag:$0x1] =	stream.indirect.gather [hbm4b:s6+s7], $0x80, s15, s7, $0xb8;
	[tilespmem:$0x10800] =	vst v63  }
0x22: {  	_ =	swait.ge [sflag:s16], $0x4000  }
0x23: {  	[sflag:s16] =	ssyncset.done $0x0  }
0x24: {  	s17 =	simm.s32 $0x6;
	[sflag:s16] =	ssyncadd.s32 $0xFFFFC000  }
0x25: {  	[hbm4b:s2+s7] =	stream.indirect.scatter [tilespmem:s9], [sflag:$0x6], $0x80, s7, s7, $0xb8;
	[tilespmem:$0x10800] =	vst v63  }
0x26: {  	_ =	swait.ge [sflag:s17], $0x4000  }
0x27: {  	[sflag:s17] =	ssyncset.done $0x0  }
0x28: {  	s18 =	simm.s32 $0x680;
	s19 =	simm.s32 $0x3;
	[sflag:s17] =	ssyncadd.s32 $0xFFFFC000  }
0x29: {  	[tilespmem:s9], [sflag:$0x2] =	stream.indirect.gather [hbm4b:s6+s7], $0x80, s18, s7, $0xb8;
	[tilespmem:$0x10800] =	vst v63  }
0x2a: {  	_ =	swait.ge [sflag:s19], $0x4000  }
0x2b: {  	[sflag:s19] =	ssyncset.done $0x0  }
0x2c: {  	s20 =	simm.s32 $0x100;
	s21 =	simm.s32 $0x7;
	[sflag:s19] =	ssyncadd.s32 $0xFFFFC000  }
0x2d: {  	[hbm4b:s2+s7] =	stream.indirect.scatter [tilespmem:s10], [sflag:$0x7], $0x80, s20, s7, $0xb8;
	[tilespmem:$0x10800] =	vst v63  }
0x2e: {  	_ =	swait.ge [sflag:s21], $0x4000  }
0x2f: {  	[sflag:s21] =	ssyncset.done $0x0  }
0x30: {  	s22 =	simm.s32 $0x700;
	s23 =	simm.s32 $0x4;
	[sflag:s21] =	ssyncadd.s32 $0xFFFFC000  }
0x31: {  	[tilespmem:s10], [sflag:$0x3] =	stream.indirect.gather [hbm4b:s6+s7], $0x80, s22, s7, $0xb8;
	[tilespmem:$0x10800] =	vst v63  }
0x32: {  	_ =	swait.ge [sflag:s23], $0x4000  }
0x33: {  	[sflag:s23] =	ssyncset.done $0x0  }
0x34: {  	s24 =	simm.s32 $0x180;
	s25 =	simm.s32 $0x8;
	[sflag:s23] =	ssyncadd.s32 $0xFFFFC000  }
0x35: {  	[hbm4b:s2+s7] =	stream.indirect.scatter [tilespmem:s12], [sflag:$0x8], $0x80, s24, s7, $0xb8;
	[tilespmem:$0x10800] =	vst v63  }
0x36: {  	_ =	swait.ge [sflag:s25], $0x4000  }
0x37: {  	[sflag:s25] =	ssyncset.done $0x0  }
0x38: {  	s26 =	simm.s32 $0x780;
	[sflag:s25] =	ssyncadd.s32 $0xFFFFC000  }
0x39: {  	[tilespmem:s12], [sflag:$0x4] =	stream.indirect.gather [hbm4b:s6+s7], $0x80, s26, s7, $0xb8;
	[tilespmem:$0x10800] =	vst v63  }
0x3a: {  	_ =	swait.ge [sflag:s13], $0x4000  }
0x3b: {  	[sflag:s13] =	ssyncset.done $0x0  }
0x3c: {  	s28 =	simm.s32 $0x200;
	[sflag:s13] =	ssyncadd.s32 $0xFFFFC000  }
0x3d: {  	[hbm4b:s2+s7] =	stream.indirect.scatter [tilespmem:s8], [sflag:$0x5], $0x80, s28, s7, $0xb8;
	[tilespmem:$0x10800] =	vst v63  }
0x3e: {  	_ =	swait.ge [sflag:s16], $0x4000  }
0x3f: {  	[sflag:s16] =	ssyncset.done $0x0  }
0x40: {  	s29 =	simm.s32 $0x280;
	[sflag:s16] =	ssyncadd.s32 $0xFFFFC000  }
0x41: {  	[hbm4b:s2+s7] =	stream.indirect.scatter [tilespmem:s9], [sflag:$0x6], $0x80, s29, s7, $0xb8;
	[tilespmem:$0x10800] =	vst v63  }
0x42: {  	_ =	swait.ge [sflag:s19], $0x4000  }
0x43: {  	[sflag:s19] =	ssyncset.done $0x0  }
0x44: {  	s30 =	simm.s32 $0x300;
	[sflag:s19] =	ssyncadd.s32 $0xFFFFC000  }
0x45: {  	[hbm4b:s2+s7] =	stream.indirect.scatter [tilespmem:s10], [sflag:$0x7], $0x80, s30, s7, $0xb8;
	[tilespmem:$0x10800] =	vst v63  }
0x46: {  	_ =	swait.ge [sflag:s23], $0x4000  }
0x47: {  	[sflag:s23] =	ssyncset.done $0x0  }
0x48: {  	s31 =	simm.s32 $0x380;
	[sflag:s23] =	ssyncadd.s32 $0xFFFFC000  }
0x49: {  	[hbm4b:s2+s7] =	stream.indirect.scatter [tilespmem:s12], [sflag:$0x8], $0x80, s31, s7, $0xb8;
	[tilespmem:$0x10800] =	vst v63  }
0x4a: {  	s1 =	ssub.s32 $0x2, s1;
	_ =	swait.ge [sflag:s14], $0x4000  }
0x4b: {  	s11 =	sshrl.u32 s1, $0x1;
	[sflag:s14] =	ssyncset.done $0x0  }
0x4c: {  	s0 =	ssub.s32 s1, s11;
	[sflag:s14] =	ssyncadd.s32 $0xFFFFC000  }
0x4d: {  	s0 =	smax.u32 s0, $0x1;
	_ =	swait.ge [sflag:s17], $0x4000  }
0x4e: {  	p0 =	sne.s32 s0, $0x1;
	[sflag:s17] =	ssyncset.done $0x0  }
.Ltmp0:
0x4f: {  	[sflag:s17] =	ssyncadd.s32 $0xFFFFC000;
	(pc) =	sbr.rel @!p0 .LBB2_2-.Ltmp0, $4  }
0x50: {  	_ =	swait.ge [sflag:s21], $0x4000  }
0x51: {  	[sflag:s21] =	ssyncset.done $0x0  }
0x52: {  	[sflag:s21] =	ssyncadd.s32 $0xFFFFC000  }
0x53: {  	s1 =	sadd.s32 $0xFFFFFFFF, s0;
	_ =	swait.ge [sflag:s25], $0x4000  }
.LBB2_1:
0x54: {  	[sflag:s25] =	ssyncset.done $0x0  }
0x55: {  	s0 =	rddreg [dreg:$0x3];
	[sflag:s25] =	ssyncadd.s32 $0xFFFFC000  }
0x56: {  	[tilespmem:s3], [sflag:$0x9] =	stream.linear.gather [hbm4b:s0+s3], $0x400, $0x38;
	[tilespmem:$0x10800] =	vst v63  }
0x57: {  	_ =	swait.ge [sflag:s4], $0x400  }
0x58: {  	[sflag:s4] =	ssyncset.done $0x0  }
0x59: {  	s11 =	rddreg [dreg:$0x4];
	[sflag:s4] =	ssyncadd.s32 $0xFFFFFC00  }
0x5a: {  	[tilespmem:s5], [sflag:$0x9] =	stream.linear.gather [hbm4b:s11+s3], $0x400, $0x38;
	[tilespmem:$0x10800] =	vst v63  }
0x5b: {  	_ =	swait.ge [sflag:s4], $0x400  }
0x5c: {  	[sflag:s4] =	ssyncset.done $0x0  }
0x5d: {  	[sflag:s4] =	ssyncadd.s32 $0xFFFFFC00  }
0x5e: {  	[tilespmem:s8], [sflag:$0x1] =	stream.indirect.gather [hbm4b:s6+s7], $0x80, s5, s7, $0xb8;
	[tilespmem:$0x10800] =	vst v63  }
0x5f: {  	s0 =	rddreg [dreg:$0x5]  }
0x60: {  	[tilespmem:s9], [sflag:$0x2] =	stream.indirect.gather [hbm4b:s6+s7], $0x80, s0, s7, $0xb8;
	[tilespmem:$0x10800] =	vst v63  }
0x61: {  	s11 =	rddreg [dreg:$0x6]  }
0x62: {  	[tilespmem:s10], [sflag:$0x3] =	stream.indirect.gather [hbm4b:s6+s7], $0x80, s11, s7, $0xb8;
	[tilespmem:$0x10800] =	vst v63  }
0x63: {  	s11 =	simm.s32 $0x580  }
0x64: {  	[tilespmem:s12], [sflag:$0x4] =	stream.indirect.gather [hbm4b:s6+s7], $0x80, s11, s7, $0xb8;
	[tilespmem:$0x10800] =	vst v63  }
0x65: {  	_ =	swait.ge [sflag:s13], $0x4000  }
0x66: {  	[sflag:s13] =	ssyncset.done $0x0  }
0x67: {  	[sflag:s13] =	ssyncadd.s32 $0xFFFFC000  }
0x68: {  	[hbm4b:s2+s7] =	stream.indirect.scatter [tilespmem:s8], [sflag:$0x5], $0x80, s3, s7, $0xb8;
	[tilespmem:$0x10800] =	vst v63  }
0x69: {  	_ =	swait.ge [sflag:s14], $0x4000  }
0x6a: {  	[sflag:s14] =	ssyncset.done $0x0  }
0x6b: {  	[sflag:s14] =	ssyncadd.s32 $0xFFFFC000  }
0x6c: {  	[tilespmem:s8], [sflag:$0x1] =	stream.indirect.gather [hbm4b:s6+s7], $0x80, s15, s7, $0xb8;
	[tilespmem:$0x10800] =	vst v63  }
0x6d: {  	_ =	swait.ge [sflag:s16], $0x4000  }
0x6e: {  	[sflag:s16] =	ssyncset.done $0x0  }
0x6f: {  	[sflag:s16] =	ssyncadd.s32 $0xFFFFC000  }
0x70: {  	[hbm4b:s2+s7] =	stream.indirect.scatter [tilespmem:s9], [sflag:$0x6], $0x80, s7, s7, $0xb8;
	[tilespmem:$0x10800] =	vst v63  }
0x71: {  	_ =	swait.ge [sflag:s17], $0x4000  }
0x72: {  	[sflag:s17] =	ssyncset.done $0x0  }
0x73: {  	[sflag:s17] =	ssyncadd.s32 $0xFFFFC000  }
0x74: {  	[tilespmem:s9], [sflag:$0x2] =	stream.indirect.gather [hbm4b:s6+s7], $0x80, s18, s7, $0xb8;
	[tilespmem:$0x10800] =	vst v63  }
0x75: {  	_ =	swait.ge [sflag:s19], $0x4000  }
0x76: {  	[sflag:s19] =	ssyncset.done $0x0  }
0x77: {  	[sflag:s19] =	ssyncadd.s32 $0xFFFFC000  }
0x78: {  	[hbm4b:s2+s7] =	stream.indirect.scatter [tilespmem:s10], [sflag:$0x7], $0x80, s20, s7, $0xb8;
	[tilespmem:$0x10800] =	vst v63  }
0x79: {  	_ =	swait.ge [sflag:s21], $0x4000  }
0x7a: {  	[sflag:s21] =	ssyncset.done $0x0  }
0x7b: {  	[sflag:s21] =	ssyncadd.s32 $0xFFFFC000  }
0x7c: {  	[tilespmem:s10], [sflag:$0x3] =	stream.indirect.gather [hbm4b:s6+s7], $0x80, s22, s7, $0xb8;
	[tilespmem:$0x10800] =	vst v63  }
0x7d: {  	_ =	swait.ge [sflag:s23], $0x4000  }
0x7e: {  	[sflag:s23] =	ssyncset.done $0x0  }
0x7f: {  	[sflag:s23] =	ssyncadd.s32 $0xFFFFC000  }
0x80: {  	[hbm4b:s2+s7] =	stream.indirect.scatter [tilespmem:s12], [sflag:$0x8], $0x80, s24, s7, $0xb8;
	[tilespmem:$0x10800] =	vst v63  }
0x81: {  	_ =	swait.ge [sflag:s25], $0x4000  }
0x82: {  	[sflag:s25] =	ssyncset.done $0x0  }
0x83: {  	[sflag:s25] =	ssyncadd.s32 $0xFFFFC000  }
0x84: {  	[tilespmem:s12], [sflag:$0x4] =	stream.indirect.gather [hbm4b:s6+s7], $0x80, s26, s7, $0xb8;
	[tilespmem:$0x10800] =	vst v63  }
0x85: {  	_ =	swait.ge [sflag:s13], $0x4000  }
0x86: {  	[sflag:s13] =	ssyncset.done $0x0  }
0x87: {  	[sflag:s13] =	ssyncadd.s32 $0xFFFFC000  }
0x88: {  	[hbm4b:s2+s7] =	stream.indirect.scatter [tilespmem:s8], [sflag:$0x5], $0x80, s28, s7, $0xb8;
	[tilespmem:$0x10800] =	vst v63  }
0x89: {  	_ =	swait.ge [sflag:s16], $0x4000  }
0x8a: {  	[sflag:s16] =	ssyncset.done $0x0  }
0x8b: {  	[sflag:s16] =	ssyncadd.s32 $0xFFFFC000  }
0x8c: {  	[hbm4b:s2+s7] =	stream.indirect.scatter [tilespmem:s9], [sflag:$0x6], $0x80, s29, s7, $0xb8;
	[tilespmem:$0x10800] =	vst v63  }
0x8d: {  	_ =	swait.ge [sflag:s19], $0x4000  }
0x8e: {  	[sflag:s19] =	ssyncset.done $0x0  }
0x8f: {  	[sflag:s19] =	ssyncadd.s32 $0xFFFFC000  }
0x90: {  	[hbm4b:s2+s7] =	stream.indirect.scatter [tilespmem:s10], [sflag:$0x7], $0x80, s30, s7, $0xb8;
	[tilespmem:$0x10800] =	vst v63  }
0x91: {  	_ =	swait.ge [sflag:s23], $0x4000  }
0x92: {  	[sflag:s23] =	ssyncset.done $0x0  }
0x93: {  	[sflag:s23] =	ssyncadd.s32 $0xFFFFC000  }
0x94: {  	[hbm4b:s2+s7] =	stream.indirect.scatter [tilespmem:s12], [sflag:$0x8], $0x80, s31, s7, $0xb8;
	[tilespmem:$0x10800] =	vst v63  }
0x95: {  	_ =	swait.ge [sflag:s14], $0x4000  }
0x96: {  	[sflag:s14] =	ssyncset.done $0x0  }
0x97: {  	[sflag:s14] =	ssyncadd.s32 $0xFFFFC000  }
0x98: {  	_ =	swait.ge [sflag:s17], $0x4000  }
0x99: {  	p0 =	sne.s32 s1, $0x1;
	[sflag:s17] =	ssyncset.done $0x0  }
.Ltmp1:
0x9a: {  	[sflag:s17] =	ssyncadd.s32 $0xFFFFC000;
	(pc) =	sbr.rel @p0 .LBB2_1-.Ltmp1, $4  }
0x9b: {  	_ =	swait.ge [sflag:s21], $0x4000  }
0x9c: {  	[sflag:s21] =	ssyncset.done $0x0  }
0x9d: {  	[sflag:s21] =	ssyncadd.s32 $0xFFFFC000  }
0x9e: {  	s1 =	sadd.s32 $0xFFFFFFFF, s1;
	_ =	swait.ge [sflag:s25], $0x4000  }
.LBB2_2:
0x9f: {  	[sflag:s25] =	ssyncset.done $0x0  }
0xa0: {  	[sflag:s25] =	ssyncadd.s32 $0xFFFFC000  }
0xa1: {  	_ =	sfence.sel $0x180000  }
0xa2: {  	[bflag:$0x0] =	sbarrier.arrive $0xFFFF  }
0xa3: {  	_ =	strace $0x9000004A  }
0xa4: {  	s0 =	stileid.u32;
	[bflag:$0x2] =	sbarrier.arrive $0xFFFF  }
0xa5: {  	p0 =	sne.s32 s0, $0x0;
	s0 =	rddreg [dreg:$0x2]  }
0xa6: {  	s0 =	sadd.s32 @!p0 $0x100000, s0  }
0xa7: {  	[sflag:s0] =	ssyncadd.tile.s32 @!p0 $0x1;
	_ =	shalt  }
.Lfunc_end2:
_tile_overlayer_lowered:
.L_overlay_start_2:
0xa8: {  	(tag) =	ssettag $0x2  }
0xa9: {  	s0 =	rddreg [dreg:$0x0];
	s2 =	stileid.u32  }
0xaa: {  	s1 =	rddreg [dreg:$0x1];
	p0 =	sne.s32 s2, $0x0  }
0xab: {  	s3 =	rddreg [dreg:$0x2];
	[bflag:$0x3] =	sbarrier.arrive $0xFFFF;
	s2 =	simm.s32 @!p0 $0x1C09  }
0xac: {  	[timem:s3], [sflag:s2] =	dma.local @!p0 [hbm:s0], s1  }
0xad: {  	s0 =	simm.s32 @!p0 $0x9  }
0xae: {  	_ =	swait.ge @!p0 [sflag:s0], s1  }
0xaf: {  	s1 =	ssub.s32 @!p0 $0x0, s1;
	[sflag:s0] =	ssyncset.done @!p0 $0x0  }
0xb0: {  	[sflag:s0] =	ssyncadd.s32 @!p0 s1  }
0xb1: {  	[bflag:$0x3] =	sbarrier.arrive $0xFFFF  }
0xb2: {  	_ =	shalt  }

</sc_bundles>
